<compile_context>
chip_gen: v7x
topology: tpu7x:2x2x1
jax: 0.10.2.dev20260603
libtpu: 0.0.44.dev20260713+nightly
codegen_flags: <defaults>
</compile_context>

<pallas_src>
import functools

import jax
import jax.numpy as jnp
from jax import lax
from jax.experimental import pallas as pl
from jax.experimental.pallas import tpu as pltpu
from jax.experimental.pallas import tpu_sc as plsc

F32 = jnp.float32

NC = 2
NS = 16
NW = NC * NS
CH = 64

_MESH = plsc.VectorSubcoreMesh(core_axis_name="c", subcore_axis_name="s")


def _sc_deg(n_pad, n_chunks):

  def body(dst, zeros8, ones_h, degp, dstv, onesv, zbuf, dacc, ds0, ds1):
    c = lax.axis_index("c")
    s = lax.axis_index("s")
    wid = s * NC + c
    rpt = n_pad // NS
    base = s * rpt
    pltpu.sync_copy(zeros8, zbuf)

    def init(t, carry):
      pltpu.sync_copy(zbuf, dacc.at[pl.ds(base + t * CH, CH)])
      return carry

    lax.fori_loop(0, rpt // CH, init, 0)
    pltpu.sync_copy(ones_h, onesv)
    pltpu.sync_copy(dst.at[wid], dstv)
    plsc.subcore_barrier()

    def pairs(j, carry):
      for k, ds in ((0, ds0), (1, ds1)):
        i = 2 * j + k

        @pl.when(j > 0)
        def _():
          pltpu.make_async_copy(zeros8, onesv, ds).wait()

        pltpu.async_copy(onesv, dacc.at[dstv.at[i]], ds, add=True)
      return carry

    lax.fori_loop(0, n_chunks // 2, pairs, 0)
    pltpu.make_async_copy(zeros8, onesv, ds0).wait()
    pltpu.make_async_copy(zeros8, onesv, ds1).wait()
    plsc.subcore_barrier()

    def rdout(t, carry):
      o = pl.ds(base + t * CH, CH)
      pltpu.sync_copy(dacc.at[o], zbuf)
      pltpu.sync_copy(zbuf, degp.at[c, o])
      return carry

    lax.fori_loop(0, rpt // CH, rdout, 0)

  return pl.kernel(
      body,
      out_type=[jax.ShapeDtypeStruct((NC, n_pad, 8), F32)],
      mesh=_MESH,
      compiler_params=pltpu.CompilerParams(use_tc_tiling_on_sc=False),
      scratch_types=[
          pltpu.VMEM((n_chunks, CH), jnp.int32),
          pltpu.VMEM((CH, 8), F32),
          pltpu.VMEM((CH, 8), F32),
          pltpu.VMEM_SHARED((n_pad, 8), F32),
          pltpu.SemaphoreType.DMA,
          pltpu.SemaphoreType.DMA,
      ],
  )


def _sc_agg64(n_pad, n_chunks, with_deg=False):

  def body(*refs):
    if with_deg:
      (table2, src, dst, zeros64, zeros8, ones_h, part, degp,
       srcv, dstv, rows0, rows1, tabs, acc,
       gs0, gs1, ss0, ss1, onesv, dacc) = refs
    else:
      (table2, src, dst, zeros64, part,
       srcv, dstv, rows0, rows1, tabs, acc, gs0, gs1, ss0, ss1) = refs
    c = lax.axis_index("c")
    s = lax.axis_index("s")
    rpt = n_pad // NS
    base = s * rpt
    pltpu.sync_copy(zeros64, rows0)

    def zinit(t, carry):
      pltpu.sync_copy(rows0, acc.at[pl.ds(base + t * CH, CH)])
      return carry

    lax.fori_loop(0, rpt // CH, zinit, 0)
    if with_deg:
      pltpu.sync_copy(zeros8, onesv)

      def dinit(t, carry):
        pltpu.sync_copy(onesv, dacc.at[pl.ds(base + t * CH, CH)])
        return carry

      lax.fori_loop(0, rpt // CH, dinit, 0)
      pltpu.sync_copy(ones_h, onesv)
    tab_hbm = table2.at[c]

    def stage(t, carry):
      o = pl.ds(base + t * CH, CH)
      pltpu.sync_copy(tab_hbm.at[o], rows0)
      pltpu.sync_copy(rows0, tabs.at[o])
      return carry

    lax.fori_loop(0, rpt // CH, stage, 0)
    pltpu.sync_copy(src.at[s], srcv)
    pltpu.sync_copy(dst.at[s], dstv)
    plsc.subcore_barrier()

    def pair(j, carry):
      for k, (rows, gs, ss) in ((0, (rows0, gs0, ss0)),
                                (1, (rows1, gs1, ss1))):
        i = 2 * j + k

        @pl.when(j > 0)
        def _():
          pltpu.make_async_copy(zeros64, rows, ss).wait()

        pltpu.async_copy(tabs.at[srcv.at[i]], rows, gs).wait()
        pltpu.async_copy(rows, acc.at[dstv.at[i]], ss, add=True)
        if with_deg:
          @pl.when(c == 0)
          def _():
            pltpu.sync_copy(onesv, dacc.at[dstv.at[i]], add=True)
      return carry

    lax.fori_loop(0, n_chunks // 2, pair, 0)
    pltpu.make_async_copy(zeros64, rows0, ss0).wait()
    pltpu.make_async_copy(zeros64, rows1, ss1).wait()
    plsc.subcore_barrier()

    def rdout(t, carry):
      o = pl.ds(base + t * CH, CH)
      pltpu.sync_copy(acc.at[o], rows0)
      pltpu.sync_copy(rows0, part.at[c, o])
      return carry

    lax.fori_loop(0, rpt // CH, rdout, 0)
    if with_deg:
      def drd(t, carry):
        o = pl.ds(base + t * CH, CH)
        pltpu.sync_copy(dacc.at[o], onesv)
        pltpu.sync_copy(onesv, degp.at[c, o])
        return carry

      lax.fori_loop(0, rpt // CH, drd, 0)

  out_type = [jax.ShapeDtypeStruct((NC, n_pad, 64), F32)]
  scratch = [
      pltpu.VMEM((n_chunks, CH), jnp.int32),
      pltpu.VMEM((n_chunks, CH), jnp.int32),
      pltpu.VMEM((CH, 64), F32),
      pltpu.VMEM((CH, 64), F32),
      pltpu.VMEM_SHARED((n_pad, 64), F32),
      pltpu.VMEM_SHARED((n_pad, 64), F32),
      pltpu.SemaphoreType.DMA,
      pltpu.SemaphoreType.DMA,
      pltpu.SemaphoreType.DMA,
      pltpu.SemaphoreType.DMA,
  ]
  if with_deg:
    out_type.append(jax.ShapeDtypeStruct((NC, n_pad, 8), F32))
    scratch += [
        pltpu.VMEM((CH, 8), F32),
        pltpu.VMEM_SHARED((n_pad, 8), F32),
    ]
  return pl.kernel(
      body,
      out_type=out_type,
      mesh=_MESH,
      compiler_params=pltpu.CompilerParams(use_tc_tiling_on_sc=False),
      scratch_types=scratch,
  )


def _sc_agg8(n_pad, n_chunks):

  def body(table, src, dst, zeros8, part,
           srcv, dstv, rows0, rows1, tabs, acc, gs0, gs1, ss0, ss1):
    c = lax.axis_index("c")
    s = lax.axis_index("s")
    wid = s * NC + c
    rpt = n_pad // NS
    base = s * rpt
    pltpu.sync_copy(zeros8, rows0)

    def zinit(t, carry):
      pltpu.sync_copy(rows0, acc.at[pl.ds(base + t * CH, CH)])
      return carry

    lax.fori_loop(0, rpt // CH, zinit, 0)

    def stage(t, carry):
      o = pl.ds(base + t * CH, CH)
      pltpu.sync_copy(table.at[o], rows0)
      pltpu.sync_copy(rows0, tabs.at[o])
      return carry

    lax.fori_loop(0, rpt // CH, stage, 0)
    pltpu.sync_copy(src.at[wid], srcv)
    pltpu.sync_copy(dst.at[wid], dstv)
    plsc.subcore_barrier()

    def pair(j, carry):
      for k, (rows, gs, ss) in ((0, (rows0, gs0, ss0)),
                                (1, (rows1, gs1, ss1))):
        i = 2 * j + k

        @pl.when(j > 0)
        def _():
          pltpu.make_async_copy(zeros8, rows, ss).wait()

        pltpu.async_copy(tabs.at[srcv.at[i]], rows, gs).wait()
        pltpu.async_copy(rows, acc.at[dstv.at[i]], ss, add=True)
      return carry

    lax.fori_loop(0, n_chunks // 2, pair, 0)
    pltpu.make_async_copy(zeros8, rows0, ss0).wait()
    pltpu.make_async_copy(zeros8, rows1, ss1).wait()
    plsc.subcore_barrier()

    def rdout(t, carry):
      o = pl.ds(base + t * CH, CH)
      pltpu.sync_copy(acc.at[o], rows0)
      pltpu.sync_copy(rows0, part.at[c, o])
      return carry

    lax.fori_loop(0, rpt // CH, rdout, 0)

  return pl.kernel(
      body,
      out_type=[jax.ShapeDtypeStruct((NC, n_pad, 8), F32)],
      mesh=_MESH,
      compiler_params=pltpu.CompilerParams(use_tc_tiling_on_sc=False),
      scratch_types=[
          pltpu.VMEM((n_chunks, CH), jnp.int32),
          pltpu.VMEM((n_chunks, CH), jnp.int32),
          pltpu.VMEM((CH, 8), F32),
          pltpu.VMEM((CH, 8), F32),
          pltpu.VMEM_SHARED((n_pad, 8), F32),
          pltpu.VMEM_SHARED((n_pad, 8), F32),
          pltpu.SemaphoreType.DMA,
          pltpu.SemaphoreType.DMA,
          pltpu.SemaphoreType.DMA,
          pltpu.SemaphoreType.DMA,
      ],
  )


def _tc_transform(n, n_pad, d_in, bm):

  def body(h, wl, wr, b, ztab, sout):
    hb = h[...]
    z = jnp.dot(hb, wl[...], preferred_element_type=F32)
    ztab[0] = z[:, :64]
    ztab[1] = z[:, 64:]
    sout[...] = jnp.dot(hb, wr[...], preferred_element_type=F32) + b[...]

  return pl.pallas_call(
      body,
      grid=(n // bm,),
      in_specs=[
          pl.BlockSpec((bm, d_in), lambda i: (i, 0)),
          pl.BlockSpec((d_in, 128), lambda i: (0, 0)),
          pl.BlockSpec((d_in, 128), lambda i: (0, 0)),
          pl.BlockSpec((1, 128), lambda i: (0, 0)),
      ],
      out_specs=[
          pl.BlockSpec((2, bm, 64), lambda i: (0, i, 0)),
          pl.BlockSpec((bm, 128), lambda i: (i, 0)),
      ],
      out_shape=[
          jax.ShapeDtypeStruct((2, n_pad, 64), F32),
          jax.ShapeDtypeStruct((n, 128), F32),
      ],
  )


def _tc_combine_transform(n, n_pad, bm, table_out, d_extra):

  def body(p, degp, s, wc, bc, *outs):
    deg = degp[0, :, 0:1] + degp[1, :, 0:1]
    invd = 1.0 / jnp.maximum(deg, 1.0)
    agg = jnp.concatenate([p[0], p[1]], axis=1)
    h = jnp.maximum(agg * invd + s[...], 0.0)
    y = jnp.dot(h, wc[...], preferred_element_type=F32) + bc[...]
    if table_out:
      outs[0][0] = y[:, :64]
      outs[0][1] = y[:, 64:128]
      outs[1][...] = y[:, 128:]
    else:
      outs[0][...] = y

  d_out = (128 if table_out else 0) + d_extra
  if table_out:
    out_specs = [pl.BlockSpec((2, bm, 64), lambda i: (0, i, 0)),
                 pl.BlockSpec((bm, d_extra), lambda i: (i, 0))]
    out_shape = [jax.ShapeDtypeStruct((2, n_pad, 64), F32),
                 jax.ShapeDtypeStruct((n, d_extra), F32)]
  else:
    out_specs = [pl.BlockSpec((bm, d_extra), lambda i: (i, 0))]
    out_shape = [jax.ShapeDtypeStruct((n_pad, d_extra), F32)]

  return pl.pallas_call(
      body,
      grid=(n // bm,),
      in_specs=[
          pl.BlockSpec((2, bm, 64), lambda i: (0, i, 0)),
          pl.BlockSpec((2, bm, 8), lambda i: (0, i, 0)),
          pl.BlockSpec((bm, 128), lambda i: (i, 0)),
          pl.BlockSpec((128, d_out), lambda i: (0, 0)),
          pl.BlockSpec((1, d_out), lambda i: (0, 0)),
      ],
      out_specs=out_specs,
      out_shape=out_shape,
  )


def _tc_final(n, bm):

  def body(p, degp, t3, out):
    deg = degp[0, :, 0:1] + degp[1, :, 0:1]
    invd = 1.0 / jnp.maximum(deg, 1.0)
    agg = p[0, :, 0:1] + p[1, :, 0:1]
    out[...] = agg * invd + t3[:, 1:2]

  return pl.pallas_call(
      body,
      grid=(n // bm,),
      in_specs=[
          pl.BlockSpec((2, bm, 8), lambda i: (0, i, 0)),
          pl.BlockSpec((2, bm, 8), lambda i: (0, i, 0)),
          pl.BlockSpec((bm, 8), lambda i: (i, 0)),
      ],
      out_specs=pl.BlockSpec((bm, 1), lambda i: (i, 0)),
      out_shape=jax.ShapeDtypeStruct((n, 1), F32),
  )


def _pad_edges(idx, nsplit, fill):
  per = idx.shape[0] // nsplit
  n_chunks = 2 * pl.cdiv(per, 2 * CH)
  pad = n_chunks * CH - per
  out = jnp.pad(idx.reshape(nsplit, per), ((0, 0), (0, pad)),
                constant_values=fill)
  return out.reshape(nsplit, n_chunks, CH), n_chunks


def kernel(x, edge_index, W1l, b1l, W1r, W2l, b2l, W2r, W3l, b3l, W3r):
  n, d_in = x.shape
  e = edge_index.shape[1]
  assert e % NW == 0 and e % NS == 0
  n_pad = pl.cdiv(n, NS * CH) * NS * CH
  bm = 2000

  src32, ch32 = _pad_edges(edge_index[0], NW, 0)
  dst32, _ = _pad_edges(edge_index[1], NW, n)
  src16, ch16 = _pad_edges(edge_index[0], NS, 0)
  dst16, _ = _pad_edges(edge_index[1], NS, n)
  zeros64 = jnp.zeros((CH, 64), F32)
  zeros8 = jnp.zeros((CH, 8), F32)
  ones_h = jnp.ones((CH, 8), F32)

  deg_k = _sc_deg(n_pad, ch32)
  agg64 = _sc_agg64(n_pad, ch16)
  agg8 = _sc_agg8(n_pad, ch32)

  (degp,) = deg_k(dst32, zeros8, ones_h)

  z1, s1 = _tc_transform(n, n_pad, d_in, bm)(x, W1l.T, W1r.T, b1l[None, :])
  (p1,) = agg64(z1, src16, dst16, zeros64)

  wc2 = jnp.concatenate([W2l.T, W2r.T], axis=1)
  bc2 = jnp.concatenate([jnp.zeros((128,), F32), b2l])[None, :]
  z2, s2 = _tc_combine_transform(n, n_pad, bm, True, 128)(p1, degp, s1, wc2, bc2)
  (p2,) = agg64(z2, src16, dst16, zeros64)

  wc3 = jnp.concatenate([W3l.T, W3r.T, jnp.zeros((128, 6), F32)], axis=1)
  bc3 = jnp.concatenate([jnp.zeros((1,), F32), b3l,
                         jnp.zeros((6,), F32)])[None, :]
  (t3,) = _tc_combine_transform(n, n_pad, bm, False, 8)(p2, degp, s2, wc3, bc3)
  (p3,) = agg8(t3, src32, dst32, zeros8)

  return _tc_final(n, bm)(p3, degp, t3)

# --- scband reference (transcript-rebuilt; emitter-appended) ---
"""Pipeline reference for scband-sage-ks-31997506355387 (READ-ONLY COPY).

The authoritative reference and input builder live on the scoring server;
editing this copy changes nothing except your own understanding.
"""

import jax, jax.numpy as jnp
import numpy as np

N = 10000
E = 320000
D_IN = 128
D_H = 128
D_OUT = 1


def _lin(key, fan_in, fan_out):
    return jax.random.normal(key, (fan_out, fan_in), dtype=jnp.float32) * (1.0 / np.sqrt(fan_in))


def setup_inputs(seed: int = 0) -> dict:
    key = jax.random.key(seed)
    ks = jax.random.split(key, 12)
    x = jax.random.normal(ks[0], (N, D_IN), dtype=jnp.float32)
    edge_index = jax.random.randint(ks[1], (2, E), 0, N, dtype=jnp.int32)
    return {
        "x": x,
        "edge_index": edge_index,
        "W1l": _lin(ks[2], D_IN, D_H),
        "b1l": jnp.zeros((D_H,), dtype=jnp.float32),
        "W1r": _lin(ks[3], D_IN, D_H),
        "W2l": _lin(ks[4], D_H, D_H),
        "b2l": jnp.zeros((D_H,), dtype=jnp.float32),
        "W2r": _lin(ks[5], D_H, D_H),
        "W3l": _lin(ks[6], D_H, D_OUT),
        "b3l": jnp.zeros((D_OUT,), dtype=jnp.float32),
        "W3r": _lin(ks[7], D_H, D_OUT),
    }


def _sage_conv(h, edge_index, Wl, bl, Wr):
    # PyG SAGEConv with mean aggregation:
    # out = lin_l(mean_{j in N(i)} x_j) + lin_r(x_i)
    src = edge_index[0]
    dst = edge_index[1]
    msg = h[src]  # gather source node features
    agg_sum = jax.ops.segment_sum(msg, dst, num_segments=N)
    deg = jax.ops.segment_sum(jnp.ones((edge_index.shape[1],), dtype=h.dtype), dst, num_segments=N)
    agg = agg_sum / jnp.clip(deg, 1.0, None)[:, None]
    return agg @ Wl.T + bl + h @ Wr.T


def reference(x, edge_index, W1l, b1l, W1r, W2l, b2l, W2r, W3l, b3l, W3r):
    h = _sage_conv(x, edge_index, W1l, b1l, W1r)
    h = jax.nn.relu(h)
    # dropout is identity in eval mode
    h = _sage_conv(h, edge_index, W2l, b2l, W2r)
    h = jax.nn.relu(h)
    h = _sage_conv(h, edge_index, W3l, b3l, W3r)
    return h

if __name__ == "__main__":
    import jax
    _d = setup_inputs()
    print(jax.jit(kernel)(*tuple(_d.values())))

</pallas_src>

<mosaic_0001>
#map = affine_map<(d0, d1) -> (0, 0, 0)>
#map1 = affine_map<(d0, d1) -> (0, 0)>
module attributes {stable_mosaic.version = 14 : i64} {
  func.func @body(%arg0: i32, %arg1: i32, %arg2: memref<2x10240x64xf32, #tpu.memory_space<hbm>>, %arg3: memref<16x314x64xi32, #tpu.memory_space<hbm>>, %arg4: memref<16x314x64xi32, #tpu.memory_space<hbm>>, %arg5: memref<64x64xf32, #tpu.memory_space<hbm>>, %arg6: memref<2x10240x64xf32, #tpu.memory_space<hbm>>, %arg7: memref<314x64xi32, #tpu.memory_space<vmem>>, %arg8: memref<314x64xi32, #tpu.memory_space<vmem>>, %arg9: memref<64x64xf32, #tpu.memory_space<vmem>>, %arg10: memref<64x64xf32, #tpu.memory_space<vmem>>, %arg11: memref<10240x64xf32, #tpu.memory_space<vmem_shared>>, %arg12: memref<10240x64xf32, #tpu.memory_space<vmem_shared>>, %arg13: memref<!tpu.dma_semaphore, #tpu.memory_space<semaphore_mem>>, %arg14: memref<!tpu.dma_semaphore, #tpu.memory_space<semaphore_mem>>, %arg15: memref<!tpu.dma_semaphore, #tpu.memory_space<semaphore_mem>>, %arg16: memref<!tpu.dma_semaphore, #tpu.memory_space<semaphore_mem>>) attributes {dimension_semantics = [#tpu.dimension_semantics<core_parallel>, #tpu.dimension_semantics<subcore_parallel>], iteration_bounds = array<i64: 2, 16>, scalar_prefetch = 0 : i64, scratch_operands = 10 : i64, tpu.core_type = #tpu.core_type<sc_vector_subcore>, window_params = [{transform_indices = #map}, {transform_indices = #map}, {transform_indices = #map}, {transform_indices = #map1}, {transform_indices = #map}]} {
    %mul3A = arith.constant 640 : i32
    %mul3A_0 = arith.muli %arg1, %mul3A : i32
    "tpu.region"() ({
      %run_scoped3A = tpu.sem_alloc : memref<!tpu.dma_semaphore, #tpu.memory_space<semaphore_mem>>
      tpu.enqueue_dma source(%arg5 : memref<64x64xf32, #tpu.memory_space<hbm>>) target(%arg9 : memref<64x64xf32, #tpu.memory_space<vmem>>) target_semaphore(%run_scoped3A : memref<!tpu.dma_semaphore, #tpu.memory_space<semaphore_mem>>)
      tpu.wait_dma2 semaphore(%run_scoped3A : memref<!tpu.dma_semaphore, #tpu.memory_space<semaphore_mem>>) src(%arg5 : memref<64x64xf32, #tpu.memory_space<hbm>>) dst(%arg9 : memref<64x64xf32, #tpu.memory_space<vmem>>)
      tpu.yield
    }) : () -> ()
    %scan3A = arith.constant 0 : i32
    %scan3A_1 = arith.constant 0 : i32
    %scan3A_2 = arith.constant 10 : i32
    %scan3A_3 = arith.addi %scan3A_1, %scan3A_2 : i32
    %scan3A_4 = arith.constant 1 : i32
    scf.for %scan3A_25 = %scan3A_1 to %scan3A_3 step %scan3A_4  : i32 {
      %mul3A_26 = arith.constant 64 : i32
      %mul3A_27 = arith.muli %scan3A_25, %mul3A_26 : i32
      %add3A = arith.addi %mul3A_0, %mul3A_27 : i32
      "tpu.region"() ({
        %run_scoped3A = tpu.sem_alloc : memref<!tpu.dma_semaphore, #tpu.memory_space<semaphore_mem>>
        %dma_start3A = arith.constant 0 : i32
        %dma_start3A_28 = tpu.memref_slice %arg12[%add3A, %dma_start3A] : memref<10240x64xf32, #tpu.memory_space<vmem_shared>> -> memref<64x64xf32, #tpu.memory_space<vmem_shared>>
        %dma_start3A_29 = arith.constant 0 : i32
        %dma_start3A_30 = tpu.memref_slice %arg12[%add3A, %dma_start3A_29] : memref<10240x64xf32, #tpu.memory_space<vmem_shared>> -> memref<64x64xf32, #tpu.memory_space<vmem_shared>>
        tpu.enqueue_dma source(%arg9 : memref<64x64xf32, #tpu.memory_space<vmem>>) target(%dma_start3A_30 : memref<64x64xf32, #tpu.memory_space<vmem_shared>>) target_semaphore(%run_scoped3A : memref<!tpu.dma_semaphore, #tpu.memory_space<semaphore_mem>>)
        %dma_wait3A = arith.constant 0 : i32
        %dma_wait3A_31 = tpu.memref_slice %arg12[%add3A, %dma_wait3A] : memref<10240x64xf32, #tpu.memory_space<vmem_shared>> -> memref<64x64xf32, #tpu.memory_space<vmem_shared>>
        %dma_wait3A_32 = arith.constant 0 : i32
        %dma_wait3A_33 = tpu.memref_slice %arg12[%add3A, %dma_wait3A_32] : memref<10240x64xf32, #tpu.memory_space<vmem_shared>> -> memref<64x64xf32, #tpu.memory_space<vmem_shared>>
        tpu.wait_dma2 semaphore(%run_scoped3A : memref<!tpu.dma_semaphore, #tpu.memory_space<semaphore_mem>>) src(%arg9 : memref<64x64xf32, #tpu.memory_space<vmem>>) dst(%dma_wait3A_33 : memref<64x64xf32, #tpu.memory_space<vmem_shared>>)
        tpu.yield
      }) : () -> ()
    }
    %scan3A_5 = arith.constant 10 : i32
    %scan3A_6 = arith.constant 0 : i32
    %scan3A_7 = arith.constant 0 : i32
    %scan3A_8 = arith.constant 10 : i32
    %scan3A_9 = arith.addi %scan3A_7, %scan3A_8 : i32
    %scan3A_10 = arith.constant 1 : i32
    scf.for %scan3A_25 = %scan3A_7 to %scan3A_9 step %scan3A_10  : i32 {
      %mul3A_26 = arith.constant 64 : i32
      %mul3A_27 = arith.muli %scan3A_25, %mul3A_26 : i32
      %add3A = arith.addi %mul3A_0, %mul3A_27 : i32
      "tpu.region"() ({
        %run_scoped3A = tpu.sem_alloc : memref<!tpu.dma_semaphore, #tpu.memory_space<semaphore_mem>>
        %dma_start3A = arith.constant 0 : i32
        %dma_start3A_28 = arith.constant 0 : i32
        %dma_start3A_29 = tpu.memref_slice %arg2[%arg0, %dma_start3A, %dma_start3A_28] : memref<2x10240x64xf32, #tpu.memory_space<hbm>> -> memref<1x10240x64xf32, #tpu.memory_space<hbm>>
        %dma_start3A_30 = tpu.memref_squeeze %dma_start3A_29 : memref<1x10240x64xf32, #tpu.memory_space<hbm>> -> memref<10240x64xf32, #tpu.memory_space<hbm>>
        %dma_start3A_31 = arith.constant 0 : i32
        %dma_start3A_32 = tpu.memref_slice %dma_start3A_30[%add3A, %dma_start3A_31] : memref<10240x64xf32, #tpu.memory_space<hbm>> -> memref<64x64xf32, #tpu.memory_space<hbm>>
        %dma_start3A_33 = arith.constant 0 : i32
        %dma_start3A_34 = arith.constant 0 : i32
        %dma_start3A_35 = tpu.memref_slice %arg2[%arg0, %dma_start3A_33, %dma_start3A_34] : memref<2x10240x64xf32, #tpu.memory_space<hbm>> -> memref<1x10240x64xf32, #tpu.memory_space<hbm>>
        %dma_start3A_36 = tpu.memref_squeeze %dma_start3A_35 : memref<1x10240x64xf32, #tpu.memory_space<hbm>> -> memref<10240x64xf32, #tpu.memory_space<hbm>>
        %dma_start3A_37 = arith.constant 0 : i32
        %dma_start3A_38 = tpu.memref_slice %dma_start3A_36[%add3A, %dma_start3A_37] : memref<10240x64xf32, #tpu.memory_space<hbm>> -> memref<64x64xf32, #tpu.memory_space<hbm>>
        tpu.enqueue_dma source(%dma_start3A_38 : memref<64x64xf32, #tpu.memory_space<hbm>>) target(%arg9 : memref<64x64xf32, #tpu.memory_space<vmem>>) target_semaphore(%run_scoped3A : memref<!tpu.dma_semaphore, #tpu.memory_space<semaphore_mem>>)
        %dma_wait3A = arith.constant 0 : i32
        %dma_wait3A_39 = arith.constant 0 : i32
        %dma_wait3A_40 = tpu.memref_slice %arg2[%arg0, %dma_wait3A, %dma_wait3A_39] : memref<2x10240x64xf32, #tpu.memory_space<hbm>> -> memref<1x10240x64xf32, #tpu.memory_space<hbm>>
        %dma_wait3A_41 = tpu.memref_squeeze %dma_wait3A_40 : memref<1x10240x64xf32, #tpu.memory_space<hbm>> -> memref<10240x64xf32, #tpu.memory_space<hbm>>
        %dma_wait3A_42 = arith.constant 0 : i32
        %dma_wait3A_43 = tpu.memref_slice %dma_wait3A_41[%add3A, %dma_wait3A_42] : memref<10240x64xf32, #tpu.memory_space<hbm>> -> memref<64x64xf32, #tpu.memory_space<hbm>>
        %dma_wait3A_44 = arith.constant 0 : i32
        %dma_wait3A_45 = arith.constant 0 : i32
        %dma_wait3A_46 = tpu.memref_slice %arg2[%arg0, %dma_wait3A_44, %dma_wait3A_45] : memref<2x10240x64xf32, #tpu.memory_space<hbm>> -> memref<1x10240x64xf32, #tpu.memory_space<hbm>>
        %dma_wait3A_47 = tpu.memref_squeeze %dma_wait3A_46 : memref<1x10240x64xf32, #tpu.memory_space<hbm>> -> memref<10240x64xf32, #tpu.memory_space<hbm>>
        %dma_wait3A_48 = arith.constant 0 : i32
        %dma_wait3A_49 = tpu.memref_slice %dma_wait3A_47[%add3A, %dma_wait3A_48] : memref<10240x64xf32, #tpu.memory_space<hbm>> -> memref<64x64xf32, #tpu.memory_space<hbm>>
        tpu.wait_dma2 semaphore(%run_scoped3A : memref<!tpu.dma_semaphore, #tpu.memory_space<semaphore_mem>>) src(%dma_wait3A_49 : memref<64x64xf32, #tpu.memory_space<hbm>>) dst(%arg9 : memref<64x64xf32, #tpu.memory_space<vmem>>)
        tpu.yield
      }) : () -> ()
      "tpu.region"() ({
        %run_scoped3A = tpu.sem_alloc : memref<!tpu.dma_semaphore, #tpu.memory_space<semaphore_mem>>
        %dma_start3A = arith.constant 0 : i32
        %dma_start3A_28 = tpu.memref_slice %arg11[%add3A, %dma_start3A] : memref<10240x64xf32, #tpu.memory_space<vmem_shared>> -> memref<64x64xf32, #tpu.memory_space<vmem_shared>>
        %dma_start3A_29 = arith.constant 0 : i32
        %dma_start3A_30 = tpu.memref_slice %arg11[%add3A, %dma_start3A_29] : memref<10240x64xf32, #tpu.memory_space<vmem_shared>> -> memref<64x64xf32, #tpu.memory_space<vmem_shared>>
        tpu.enqueue_dma source(%arg9 : memref<64x64xf32, #tpu.memory_space<vmem>>) target(%dma_start3A_30 : memref<64x64xf32, #tpu.memory_space<vmem_shared>>) target_semaphore(%run_scoped3A : memref<!tpu.dma_semaphore, #tpu.memory_space<semaphore_mem>>)
        %dma_wait3A = arith.constant 0 : i32
        %dma_wait3A_31 = tpu.memref_slice %arg11[%add3A, %dma_wait3A] : memref<10240x64xf32, #tpu.memory_space<vmem_shared>> -> memref<64x64xf32, #tpu.memory_space<vmem_shared>>
        %dma_wait3A_32 = arith.constant 0 : i32
        %dma_wait3A_33 = tpu.memref_slice %arg11[%add3A, %dma_wait3A_32] : memref<10240x64xf32, #tpu.memory_space<vmem_shared>> -> memref<64x64xf32, #tpu.memory_space<vmem_shared>>
        tpu.wait_dma2 semaphore(%run_scoped3A : memref<!tpu.dma_semaphore, #tpu.memory_space<semaphore_mem>>) src(%arg9 : memref<64x64xf32, #tpu.memory_space<vmem>>) dst(%dma_wait3A_33 : memref<64x64xf32, #tpu.memory_space<vmem_shared>>)
        tpu.yield
      }) : () -> ()
    }
    %scan3A_11 = arith.constant 10 : i32
    "tpu.region"() ({
      %run_scoped3A = tpu.sem_alloc : memref<!tpu.dma_semaphore, #tpu.memory_space<semaphore_mem>>
      %dma_start3A = arith.constant 0 : i32
      %dma_start3A_25 = arith.constant 0 : i32
      %dma_start3A_26 = tpu.memref_slice %arg3[%arg1, %dma_start3A, %dma_start3A_25] : memref<16x314x64xi32, #tpu.memory_space<hbm>> -> memref<1x314x64xi32, #tpu.memory_space<hbm>>
      %dma_start3A_27 = tpu.memref_squeeze %dma_start3A_26 : memref<1x314x64xi32, #tpu.memory_space<hbm>> -> memref<314x64xi32, #tpu.memory_space<hbm>>
      %dma_start3A_28 = arith.constant 0 : i32
      %dma_start3A_29 = arith.constant 0 : i32
      %dma_start3A_30 = tpu.memref_slice %arg3[%arg1, %dma_start3A_28, %dma_start3A_29] : memref<16x314x64xi32, #tpu.memory_space<hbm>> -> memref<1x314x64xi32, #tpu.memory_space<hbm>>
      %dma_start3A_31 = tpu.memref_squeeze %dma_start3A_30 : memref<1x314x64xi32, #tpu.memory_space<hbm>> -> memref<314x64xi32, #tpu.memory_space<hbm>>
      tpu.enqueue_dma source(%dma_start3A_31 : memref<314x64xi32, #tpu.memory_space<hbm>>) target(%arg7 : memref<314x64xi32, #tpu.memory_space<vmem>>) target_semaphore(%run_scoped3A : memref<!tpu.dma_semaphore, #tpu.memory_space<semaphore_mem>>)
      %dma_wait3A = arith.constant 0 : i32
      %dma_wait3A_32 = arith.constant 0 : i32
      %dma_wait3A_33 = tpu.memref_slice %arg3[%arg1, %dma_wait3A, %dma_wait3A_32] : memref<16x314x64xi32, #tpu.memory_space<hbm>> -> memref<1x314x64xi32, #tpu.memory_space<hbm>>
      %dma_wait3A_34 = tpu.memref_squeeze %dma_wait3A_33 : memref<1x314x64xi32, #tpu.memory_space<hbm>> -> memref<314x64xi32, #tpu.memory_space<hbm>>
      %dma_wait3A_35 = arith.constant 0 : i32
      %dma_wait3A_36 = arith.constant 0 : i32
      %dma_wait3A_37 = tpu.memref_slice %arg3[%arg1, %dma_wait3A_35, %dma_wait3A_36] : memref<16x314x64xi32, #tpu.memory_space<hbm>> -> memref<1x314x64xi32, #tpu.memory_space<hbm>>
      %dma_wait3A_38 = tpu.memref_squeeze %dma_wait3A_37 : memref<1x314x64xi32, #tpu.memory_space<hbm>> -> memref<314x64xi32, #tpu.memory_space<hbm>>
      tpu.wait_dma2 semaphore(%run_scoped3A : memref<!tpu.dma_semaphore, #tpu.memory_space<semaphore_mem>>) src(%dma_wait3A_38 : memref<314x64xi32, #tpu.memory_space<hbm>>) dst(%arg7 : memref<314x64xi32, #tpu.memory_space<vmem>>)
      tpu.yield
    }) : () -> ()
    "tpu.region"() ({
      %run_scoped3A = tpu.sem_alloc : memref<!tpu.dma_semaphore, #tpu.memory_space<semaphore_mem>>
      %dma_start3A = arith.constant 0 : i32
      %dma_start3A_25 = arith.constant 0 : i32
      %dma_start3A_26 = tpu.memref_slice %arg4[%arg1, %dma_start3A, %dma_start3A_25] : memref<16x314x64xi32, #tpu.memory_space<hbm>> -> memref<1x314x64xi32, #tpu.memory_space<hbm>>
      %dma_start3A_27 = tpu.memref_squeeze %dma_start3A_26 : memref<1x314x64xi32, #tpu.memory_space<hbm>> -> memref<314x64xi32, #tpu.memory_space<hbm>>
      %dma_start3A_28 = arith.constant 0 : i32
      %dma_start3A_29 = arith.constant 0 : i32
      %dma_start3A_30 = tpu.memref_slice %arg4[%arg1, %dma_start3A_28, %dma_start3A_29] : memref<16x314x64xi32, #tpu.memory_space<hbm>> -> memref<1x314x64xi32, #tpu.memory_space<hbm>>
      %dma_start3A_31 = tpu.memref_squeeze %dma_start3A_30 : memref<1x314x64xi32, #tpu.memory_space<hbm>> -> memref<314x64xi32, #tpu.memory_space<hbm>>
      tpu.enqueue_dma source(%dma_start3A_31 : memref<314x64xi32, #tpu.memory_space<hbm>>) target(%arg8 : memref<314x64xi32, #tpu.memory_space<vmem>>) target_semaphore(%run_scoped3A : memref<!tpu.dma_semaphore, #tpu.memory_space<semaphore_mem>>)
      %dma_wait3A = arith.constant 0 : i32
      %dma_wait3A_32 = arith.constant 0 : i32
      %dma_wait3A_33 = tpu.memref_slice %arg4[%arg1, %dma_wait3A, %dma_wait3A_32] : memref<16x314x64xi32, #tpu.memory_space<hbm>> -> memref<1x314x64xi32, #tpu.memory_space<hbm>>
      %dma_wait3A_34 = tpu.memref_squeeze %dma_wait3A_33 : memref<1x314x64xi32, #tpu.memory_space<hbm>> -> memref<314x64xi32, #tpu.memory_space<hbm>>
      %dma_wait3A_35 = arith.constant 0 : i32
      %dma_wait3A_36 = arith.constant 0 : i32
      %dma_wait3A_37 = tpu.memref_slice %arg4[%arg1, %dma_wait3A_35, %dma_wait3A_36] : memref<16x314x64xi32, #tpu.memory_space<hbm>> -> memref<1x314x64xi32, #tpu.memory_space<hbm>>
      %dma_wait3A_38 = tpu.memref_squeeze %dma_wait3A_37 : memref<1x314x64xi32, #tpu.memory_space<hbm>> -> memref<314x64xi32, #tpu.memory_space<hbm>>
      tpu.wait_dma2 semaphore(%run_scoped3A : memref<!tpu.dma_semaphore, #tpu.memory_space<semaphore_mem>>) src(%dma_wait3A_38 : memref<314x64xi32, #tpu.memory_space<hbm>>) dst(%arg8 : memref<314x64xi32, #tpu.memory_space<vmem>>)
      tpu.yield
    }) : () -> ()
    %barrier3A = arith.constant 0 : index
    tpu.barrier barrier_id(%barrier3A)
    %scan3A_12 = arith.constant 0 : i32
    %scan3A_13 = arith.constant 0 : i32
    %scan3A_14 = arith.constant 157 : i32
    %scan3A_15 = arith.addi %scan3A_13, %scan3A_14 : i32
    %scan3A_16 = arith.constant 1 : i32
    scf.for %scan3A_25 = %scan3A_13 to %scan3A_15 step %scan3A_16  : i32 {
      %mul3A_26 = arith.constant 2 : i32
      %mul3A_27 = arith.muli %mul3A_26, %scan3A_25 : i32
      %add3A = arith.constant 0 : i32
      %add3A_28 = arith.addi %mul3A_27, %add3A : i32
      %gt3A = arith.constant 0 : i32
      %gt3A_29 = arith.cmpi sgt, %scan3A_25, %gt3A : i32
      %convert_element_type3A = arith.extui %gt3A_29 : i1 to i32
      %cond3A = arith.constant 0 : i32
      %cond3A_30 = arith.cmpi ne, %convert_element_type3A, %cond3A : i32
      scf.if %cond3A_30 {
        tpu.wait_dma2 semaphore(%arg15 : memref<!tpu.dma_semaphore, #tpu.memory_space<semaphore_mem>>) src(%arg5 : memref<64x64xf32, #tpu.memory_space<hbm>>) dst(%arg9 : memref<64x64xf32, #tpu.memory_space<vmem>>)
      } else {
      }
      %dma_start3A = arith.constant 0 : i32
      %dma_start3A_31 = tpu.memref_slice %arg7[%add3A_28, %dma_start3A] : memref<314x64xi32, #tpu.memory_space<vmem>> -> memref<1x64xi32, #tpu.memory_space<vmem>>
      %dma_start3A_32 = tpu.memref_squeeze %dma_start3A_31 : memref<1x64xi32, #tpu.memory_space<vmem>> -> memref<64xi32, #tpu.memory_space<vmem>>
      %dma_start3A_33 = arith.constant 0 : i32
      %dma_start3A_34 = arith.constant 0 : i32
      %dma_start3A_35 = tpu.memref_slice %arg11[%dma_start3A_33, %dma_start3A_34] : memref<10240x64xf32, #tpu.memory_space<vmem_shared>> -> memref<10240x64xf32, #tpu.memory_space<vmem_shared>>
      tpu.enqueue_indirect_dma source(%dma_start3A_35 : memref<10240x64xf32, #tpu.memory_space<vmem_shared>>) target(%arg9 : memref<64x64xf32, #tpu.memory_space<vmem>>) offsets(%dma_start3A_32 : memref<64xi32, #tpu.memory_space<vmem>>) semaphore(%arg13 : memref<!tpu.dma_semaphore, #tpu.memory_space<semaphore_mem>>)
      %dma_wait3A = arith.constant 0 : i32
      %dma_wait3A_36 = tpu.memref_slice %arg7[%add3A_28, %dma_wait3A] : memref<314x64xi32, #tpu.memory_space<vmem>> -> memref<1x64xi32, #tpu.memory_space<vmem>>
      %dma_wait3A_37 = tpu.memref_squeeze %dma_wait3A_36 : memref<1x64xi32, #tpu.memory_space<vmem>> -> memref<64xi32, #tpu.memory_space<vmem>>
      %dma_wait3A_38 = arith.constant 0 : i32
      %dma_wait3A_39 = arith.constant 0 : i32
      %dma_wait3A_40 = tpu.memref_slice %arg11[%dma_wait3A_38, %dma_wait3A_39] : memref<10240x64xf32, #tpu.memory_space<vmem_shared>> -> memref<10240x64xf32, #tpu.memory_space<vmem_shared>>
      tpu.wait_indirect_dma semaphore(%arg13 : memref<!tpu.dma_semaphore, #tpu.memory_space<semaphore_mem>>) src(%dma_wait3A_40 : memref<10240x64xf32, #tpu.memory_space<vmem_shared>>) dst(%arg9 : memref<64x64xf32, #tpu.memory_space<vmem>>)
      %dma_start3A_41 = arith.constant 0 : i32
      %dma_start3A_42 = tpu.memref_slice %arg8[%add3A_28, %dma_start3A_41] : memref<314x64xi32, #tpu.memory_space<vmem>> -> memref<1x64xi32, #tpu.memory_space<vmem>>
      %dma_start3A_43 = tpu.memref_squeeze %dma_start3A_42 : memref<1x64xi32, #tpu.memory_space<vmem>> -> memref<64xi32, #tpu.memory_space<vmem>>
      %dma_start3A_44 = arith.constant 0 : i32
      %dma_start3A_45 = arith.constant 0 : i32
      %dma_start3A_46 = tpu.memref_slice %arg12[%dma_start3A_44, %dma_start3A_45] : memref<10240x64xf32, #tpu.memory_space<vmem_shared>> -> memref<10240x64xf32, #tpu.memory_space<vmem_shared>>
      tpu.enqueue_indirect_dma source(%arg9 : memref<64x64xf32, #tpu.memory_space<vmem>>) target(%dma_start3A_46 : memref<10240x64xf32, #tpu.memory_space<vmem_shared>>) offsets(%dma_start3A_43 : memref<64xi32, #tpu.memory_space<vmem>>) semaphore(%arg15 : memref<!tpu.dma_semaphore, #tpu.memory_space<semaphore_mem>>) {add = true}
      %mul3A_47 = arith.constant 2 : i32
      %mul3A_48 = arith.muli %mul3A_47, %scan3A_25 : i32
      %add3A_49 = arith.constant 1 : i32
      %add3A_50 = arith.addi %mul3A_48, %add3A_49 : i32
      %gt3A_51 = arith.constant 0 : i32
      %gt3A_52 = arith.cmpi sgt, %scan3A_25, %gt3A_51 : i32
      %convert_element_type3A_53 = arith.extui %gt3A_52 : i1 to i32
      %cond3A_54 = arith.constant 0 : i32
      %cond3A_55 = arith.cmpi ne, %convert_element_type3A_53, %cond3A_54 : i32
      scf.if %cond3A_55 {
        tpu.wait_dma2 semaphore(%arg16 : memref<!tpu.dma_semaphore, #tpu.memory_space<semaphore_mem>>) src(%arg5 : memref<64x64xf32, #tpu.memory_space<hbm>>) dst(%arg10 : memref<64x64xf32, #tpu.memory_space<vmem>>)
      } else {
      }
      %dma_start3A_56 = arith.constant 0 : i32
      %dma_start3A_57 = tpu.memref_slice %arg7[%add3A_50, %dma_start3A_56] : memref<314x64xi32, #tpu.memory_space<vmem>> -> memref<1x64xi32, #tpu.memory_space<vmem>>
      %dma_start3A_58 = tpu.memref_squeeze %dma_start3A_57 : memref<1x64xi32, #tpu.memory_space<vmem>> -> memref<64xi32, #tpu.memory_space<vmem>>
      %dma_start3A_59 = arith.constant 0 : i32
      %dma_start3A_60 = arith.constant 0 : i32
      %dma_start3A_61 = tpu.memref_slice %arg11[%dma_start3A_59, %dma_start3A_60] : memref<10240x64xf32, #tpu.memory_space<vmem_shared>> -> memref<10240x64xf32, #tpu.memory_space<vmem_shared>>
      tpu.enqueue_indirect_dma source(%dma_start3A_61 : memref<10240x64xf32, #tpu.memory_space<vmem_shared>>) target(%arg10 : memref<64x64xf32, #tpu.memory_space<vmem>>) offsets(%dma_start3A_58 : memref<64xi32, #tpu.memory_space<vmem>>) semaphore(%arg14 : memref<!tpu.dma_semaphore, #tpu.memory_space<semaphore_mem>>)
      %dma_wait3A_62 = arith.constant 0 : i32
      %dma_wait3A_63 = tpu.memref_slice %arg7[%add3A_50, %dma_wait3A_62] : memref<314x64xi32, #tpu.memory_space<vmem>> -> memref<1x64xi32, #tpu.memory_space<vmem>>
      %dma_wait3A_64 = tpu.memref_squeeze %dma_wait3A_63 : memref<1x64xi32, #tpu.memory_space<vmem>> -> memref<64xi32, #tpu.memory_space<vmem>>
      %dma_wait3A_65 = arith.constant 0 : i32
      %dma_wait3A_66 = arith.constant 0 : i32
      %dma_wait3A_67 = tpu.memref_slice %arg11[%dma_wait3A_65, %dma_wait3A_66] : memref<10240x64xf32, #tpu.memory_space<vmem_shared>> -> memref<10240x64xf32, #tpu.memory_space<vmem_shared>>
      tpu.wait_indirect_dma semaphore(%arg14 : memref<!tpu.dma_semaphore, #tpu.memory_space<semaphore_mem>>) src(%dma_wait3A_67 : memref<10240x64xf32, #tpu.memory_space<vmem_shared>>) dst(%arg10 : memref<64x64xf32, #tpu.memory_space<vmem>>)
      %dma_start3A_68 = arith.constant 0 : i32
      %dma_start3A_69 = tpu.memref_slice %arg8[%add3A_50, %dma_start3A_68] : memref<314x64xi32, #tpu.memory_space<vmem>> -> memref<1x64xi32, #tpu.memory_space<vmem>>
      %dma_start3A_70 = tpu.memref_squeeze %dma_start3A_69 : memref<1x64xi32, #tpu.memory_space<vmem>> -> memref<64xi32, #tpu.memory_space<vmem>>
      %dma_start3A_71 = arith.constant 0 : i32
      %dma_start3A_72 = arith.constant 0 : i32
      %dma_start3A_73 = tpu.memref_slice %arg12[%dma_start3A_71, %dma_start3A_72] : memref<10240x64xf32, #tpu.memory_space<vmem_shared>> -> memref<10240x64xf32, #tpu.memory_space<vmem_shared>>
      tpu.enqueue_indirect_dma source(%arg10 : memref<64x64xf32, #tpu.memory_space<vmem>>) target(%dma_start3A_73 : memref<10240x64xf32, #tpu.memory_space<vmem_shared>>) offsets(%dma_start3A_70 : memref<64xi32, #tpu.memory_space<vmem>>) semaphore(%arg16 : memref<!tpu.dma_semaphore, #tpu.memory_space<semaphore_mem>>) {add = true}
    }
    %scan3A_17 = arith.constant 157 : i32
    tpu.wait_dma2 semaphore(%arg15 : memref<!tpu.dma_semaphore, #tpu.memory_space<semaphore_mem>>) src(%arg5 : memref<64x64xf32, #tpu.memory_space<hbm>>) dst(%arg9 : memref<64x64xf32, #tpu.memory_space<vmem>>)
    tpu.wait_dma2 semaphore(%arg16 : memref<!tpu.dma_semaphore, #tpu.memory_space<semaphore_mem>>) src(%arg5 : memref<64x64xf32, #tpu.memory_space<hbm>>) dst(%arg10 : memref<64x64xf32, #tpu.memory_space<vmem>>)
    %barrier3A_18 = arith.constant 0 : index
    tpu.barrier barrier_id(%barrier3A_18)
    %scan3A_19 = arith.constant 0 : i32
    %scan3A_20 = arith.constant 0 : i32
    %scan3A_21 = arith.constant 10 : i32
    %scan3A_22 = arith.addi %scan3A_20, %scan3A_21 : i32
    %scan3A_23 = arith.constant 1 : i32
    scf.for %scan3A_25 = %scan3A_20 to %scan3A_22 step %scan3A_23  : i32 {
      %mul3A_26 = arith.constant 64 : i32
      %mul3A_27 = arith.muli %scan3A_25, %mul3A_26 : i32
      %add3A = arith.addi %mul3A_0, %mul3A_27 : i32
      "tpu.region"() ({
        %run_scoped3A = tpu.sem_alloc : memref<!tpu.dma_semaphore, #tpu.memory_space<semaphore_mem>>
        %dma_start3A = arith.constant 0 : i32
        %dma_start3A_28 = tpu.memref_slice %arg12[%add3A, %dma_start3A] : memref<10240x64xf32, #tpu.memory_space<vmem_shared>> -> memref<64x64xf32, #tpu.memory_space<vmem_shared>>
        %dma_start3A_29 = arith.constant 0 : i32
        %dma_start3A_30 = tpu.memref_slice %arg12[%add3A, %dma_start3A_29] : memref<10240x64xf32, #tpu.memory_space<vmem_shared>> -> memref<64x64xf32, #tpu.memory_space<vmem_shared>>
        tpu.enqueue_dma source(%dma_start3A_30 : memref<64x64xf32, #tpu.memory_space<vmem_shared>>) target(%arg9 : memref<64x64xf32, #tpu.memory_space<vmem>>) target_semaphore(%run_scoped3A : memref<!tpu.dma_semaphore, #tpu.memory_space<semaphore_mem>>)
        %dma_wait3A = arith.constant 0 : i32
        %dma_wait3A_31 = tpu.memref_slice %arg12[%add3A, %dma_wait3A] : memref<10240x64xf32, #tpu.memory_space<vmem_shared>> -> memref<64x64xf32, #tpu.memory_space<vmem_shared>>
        %dma_wait3A_32 = arith.constant 0 : i32
        %dma_wait3A_33 = tpu.memref_slice %arg12[%add3A, %dma_wait3A_32] : memref<10240x64xf32, #tpu.memory_space<vmem_shared>> -> memref<64x64xf32, #tpu.memory_space<vmem_shared>>
        tpu.wait_dma2 semaphore(%run_scoped3A : memref<!tpu.dma_semaphore, #tpu.memory_space<semaphore_mem>>) src(%dma_wait3A_33 : memref<64x64xf32, #tpu.memory_space<vmem_shared>>) dst(%arg9 : memref<64x64xf32, #tpu.memory_space<vmem>>)
        tpu.yield
      }) : () -> ()
      "tpu.region"() ({
        %run_scoped3A = tpu.sem_alloc : memref<!tpu.dma_semaphore, #tpu.memory_space<semaphore_mem>>
        %dma_start3A = arith.constant 0 : i32
        %dma_start3A_28 = tpu.memref_slice %arg6[%arg0, %add3A, %dma_start3A] : memref<2x10240x64xf32, #tpu.memory_space<hbm>> -> memref<1x64x64xf32, #tpu.memory_space<hbm>>
        %dma_start3A_29 = tpu.memref_squeeze %dma_start3A_28 : memref<1x64x64xf32, #tpu.memory_space<hbm>> -> memref<64x64xf32, #tpu.memory_space<hbm>>
        %dma_start3A_30 = arith.constant 0 : i32
        %dma_start3A_31 = tpu.memref_slice %arg6[%arg0, %add3A, %dma_start3A_30] : memref<2x10240x64xf32, #tpu.memory_space<hbm>> -> memref<1x64x64xf32, #tpu.memory_space<hbm>>
        %dma_start3A_32 = tpu.memref_squeeze %dma_start3A_31 : memref<1x64x64xf32, #tpu.memory_space<hbm>> -> memref<64x64xf32, #tpu.memory_space<hbm>>
        tpu.enqueue_dma source(%arg9 : memref<64x64xf32, #tpu.memory_space<vmem>>) target(%dma_start3A_32 : memref<64x64xf32, #tpu.memory_space<hbm>>) target_semaphore(%run_scoped3A : memref<!tpu.dma_semaphore, #tpu.memory_space<semaphore_mem>>)
        %dma_wait3A = arith.constant 0 : i32
        %dma_wait3A_33 = tpu.memref_slice %arg6[%arg0, %add3A, %dma_wait3A] : memref<2x10240x64xf32, #tpu.memory_space<hbm>> -> memref<1x64x64xf32, #tpu.memory_space<hbm>>
        %dma_wait3A_34 = tpu.memref_squeeze %dma_wait3A_33 : memref<1x64x64xf32, #tpu.memory_space<hbm>> -> memref<64x64xf32, #tpu.memory_space<hbm>>
        %dma_wait3A_35 = arith.constant 0 : i32
        %dma_wait3A_36 = tpu.memref_slice %arg6[%arg0, %add3A, %dma_wait3A_35] : memref<2x10240x64xf32, #tpu.memory_space<hbm>> -> memref<1x64x64xf32, #tpu.memory_space<hbm>>
        %dma_wait3A_37 = tpu.memref_squeeze %dma_wait3A_36 : memref<1x64x64xf32, #tpu.memory_space<hbm>> -> memref<64x64xf32, #tpu.memory_space<hbm>>
        tpu.wait_dma2 semaphore(%run_scoped3A : memref<!tpu.dma_semaphore, #tpu.memory_space<semaphore_mem>>) src(%arg9 : memref<64x64xf32, #tpu.memory_space<vmem>>) dst(%dma_wait3A_37 : memref<64x64xf32, #tpu.memory_space<hbm>>)
        tpu.yield
      }) : () -> ()
    }
    %scan3A_24 = arith.constant 10 : i32
    return
  }
}

#map = affine_map<(d0, d1) -> (0, 0, 0)>
#map1 = affine_map<(d0, d1) -> (0, 0)>
module attributes {stable_mosaic.version = 14 : i64} {
  func.func @body(%arg0: i32, %arg1: i32, %arg2: memref<2x10240x64xf32, #tpu.memory_space<hbm>>, %arg3: memref<16x314x64xi32, #tpu.memory_space<hbm>>, %arg4: memref<16x314x64xi32, #tpu.memory_space<hbm>>, %arg5: memref<64x64xf32, #tpu.memory_space<hbm>>, %arg6: memref<2x10240x64xf32, #tpu.memory_space<hbm>>, %arg7: memref<314x64xi32, #tpu.memory_space<vmem>>, %arg8: memref<314x64xi32, #tpu.memory_space<vmem>>, %arg9: memref<64x64xf32, #tpu.memory_space<vmem>>, %arg10: memref<64x64xf32, #tpu.memory_space<vmem>>, %arg11: memref<10240x64xf32, #tpu.memory_space<vmem_shared>>, %arg12: memref<10240x64xf32, #tpu.memory_space<vmem_shared>>, %arg13: memref<!tpu.dma_semaphore, #tpu.memory_space<semaphore_mem>>, %arg14: memref<!tpu.dma_semaphore, #tpu.memory_space<semaphore_mem>>, %arg15: memref<!tpu.dma_semaphore, #tpu.memory_space<semaphore_mem>>, %arg16: memref<!tpu.dma_semaphore, #tpu.memory_space<semaphore_mem>>) attributes {dimension_semantics = [#tpu.dimension_semantics<core_parallel>, #tpu.dimension_semantics<subcore_parallel>], iteration_bounds = array<i64: 2, 16>, scalar_prefetch = 0 : i64, scratch_operands = 10 : i64, tpu.core_type = #tpu.core_type<sc_vector_subcore>, window_params = [{transform_indices = #map}, {transform_indices = #map}, {transform_indices = #map}, {transform_indices = #map1}, {transform_indices = #map}]} {
    %mul3A = arith.constant 640 : i32
    %mul3A_0 = arith.muli %arg1, %mul3A : i32
    "tpu.region"() ({
      %run_scoped3A = tpu.sem_alloc : memref<!tpu.dma_semaphore, #tpu.memory_space<semaphore_mem>>
      tpu.enqueue_dma source(%arg5 : memref<64x64xf32, #tpu.memory_space<hbm>>) target(%arg9 : memref<64x64xf32, #tpu.memory_space<vmem>>) target_semaphore(%run_scoped3A : memref<!tpu.dma_semaphore, #tpu.memory_space<semaphore_mem>>)
      tpu.wait_dma2 semaphore(%run_scoped3A : memref<!tpu.dma_semaphore, #tpu.memory_space<semaphore_mem>>) src(%arg5 : memref<64x64xf32, #tpu.memory_space<hbm>>) dst(%arg9 : memref<64x64xf32, #tpu.memory_space<vmem>>)
      tpu.yield
    }) : () -> ()
    %scan3A = arith.constant 0 : i32
    %scan3A_1 = arith.constant 0 : i32
    %scan3A_2 = arith.constant 10 : i32
    %scan3A_3 = arith.addi %scan3A_1, %scan3A_2 : i32
    %scan3A_4 = arith.constant 1 : i32
    scf.for %scan3A_25 = %scan3A_1 to %scan3A_3 step %scan3A_4  : i32 {
      %mul3A_26 = arith.constant 64 : i32
      %mul3A_27 = arith.muli %scan3A_25, %mul3A_26 : i32
      %add3A = arith.addi %mul3A_0, %mul3A_27 : i32
      "tpu.region"() ({
        %run_scoped3A = tpu.sem_alloc : memref<!tpu.dma_semaphore, #tpu.memory_space<semaphore_mem>>
        %dma_start3A = arith.constant 0 : i32
        %dma_start3A_28 = tpu.memref_slice %arg12[%add3A, %dma_start3A] : memref<10240x64xf32, #tpu.memory_space<vmem_shared>> -> memref<64x64xf32, #tpu.memory_space<vmem_shared>>
        %dma_start3A_29 = arith.constant 0 : i32
        %dma_start3A_30 = tpu.memref_slice %arg12[%add3A, %dma_start3A_29] : memref<10240x64xf32, #tpu.memory_space<vmem_shared>> -> memref<64x64xf32, #tpu.memory_space<vmem_shared>>
        tpu.enqueue_dma source(%arg9 : memref<64x64xf32, #tpu.memory_space<vmem>>) target(%dma_start3A_30 : memref<64x64xf32, #tpu.memory_space<vmem_shared>>) target_semaphore(%run_scoped3A : memref<!tpu.dma_semaphore, #tpu.memory_space<semaphore_mem>>)
        %dma_wait3A = arith.constant 0 : i32
        %dma_wait3A_31 = tpu.memref_slice %arg12[%add3A, %dma_wait3A] : memref<10240x64xf32, #tpu.memory_space<vmem_shared>> -> memref<64x64xf32, #tpu.memory_space<vmem_shared>>
        %dma_wait3A_32 = arith.constant 0 : i32
        %dma_wait3A_33 = tpu.memref_slice %arg12[%add3A, %dma_wait3A_32] : memref<10240x64xf32, #tpu.memory_space<vmem_shared>> -> memref<64x64xf32, #tpu.memory_space<vmem_shared>>
        tpu.wait_dma2 semaphore(%run_scoped3A : memref<!tpu.dma_semaphore, #tpu.memory_space<semaphore_mem>>) src(%arg9 : memref<64x64xf32, #tpu.memory_space<vmem>>) dst(%dma_wait3A_33 : memref<64x64xf32, #tpu.memory_space<vmem_shared>>)
        tpu.yield
      }) : () -> ()
    }
    %scan3A_5 = arith.constant 10 : i32
    %scan3A_6 = arith.constant 0 : i32
    %scan3A_7 = arith.constant 0 : i32
    %scan3A_8 = arith.constant 10 : i32
    %scan3A_9 = arith.addi %scan3A_7, %scan3A_8 : i32
    %scan3A_10 = arith.constant 1 : i32
    scf.for %scan3A_25 = %scan3A_7 to %scan3A_9 step %scan3A_10  : i32 {
      %mul3A_26 = arith.constant 64 : i32
      %mul3A_27 = arith.muli %scan3A_25, %mul3A_26 : i32
      %add3A = arith.addi %mul3A_0, %mul3A_27 : i32
      "tpu.region"() ({
        %run_scoped3A = tpu.sem_alloc : memref<!tpu.dma_semaphore, #tpu.memory_space<semaphore_mem>>
        %dma_start3A = arith.constant 0 : i32
        %dma_start3A_28 = arith.constant 0 : i32
        %dma_start3A_29 = tpu.memref_slice %arg2[%arg0, %dma_start3A, %dma_start3A_28] : memref<2x10240x64xf32, #tpu.memory_space<hbm>> -> memref<1x10240x64xf32, #tpu.memory_space<hbm>>
        %dma_start3A_30 = tpu.memref_squeeze %dma_start3A_29 : memref<1x10240x64xf32, #tpu.memory_space<hbm>> -> memref<10240x64xf32, #tpu.memory_space<hbm>>
        %dma_start3A_31 = arith.constant 0 : i32
        %dma_start3A_32 = tpu.memref_slice %dma_start3A_30[%add3A, %dma_start3A_31] : memref<10240x64xf32, #tpu.memory_space<hbm>> -> memref<64x64xf32, #tpu.memory_space<hbm>>
        %dma_start3A_33 = arith.constant 0 : i32
        %dma_start3A_34 = arith.constant 0 : i32
        %dma_start3A_35 = tpu.memref_slice %arg2[%arg0, %dma_start3A_33, %dma_start3A_34] : memref<2x10240x64xf32, #tpu.memory_space<hbm>> -> memref<1x10240x64xf32, #tpu.memory_space<hbm>>
        %dma_start3A_36 = tpu.memref_squeeze %dma_start3A_35 : memref<1x10240x64xf32, #tpu.memory_space<hbm>> -> memref<10240x64xf32, #tpu.memory_space<hbm>>
        %dma_start3A_37 = arith.constant 0 : i32
        %dma_start3A_38 = tpu.memref_slice %dma_start3A_36[%add3A, %dma_start3A_37] : memref<10240x64xf32, #tpu.memory_space<hbm>> -> memref<64x64xf32, #tpu.memory_space<hbm>>
        tpu.enqueue_dma source(%dma_start3A_38 : memref<64x64xf32, #tpu.memory_space<hbm>>) target(%arg9 : memref<64x64xf32, #tpu.memory_space<vmem>>) target_semaphore(%run_scoped3A : memref<!tpu.dma_semaphore, #tpu.memory_space<semaphore_mem>>)
        %dma_wait3A = arith.constant 0 : i32
        %dma_wait3A_39 = arith.constant 0 : i32
        %dma_wait3A_40 = tpu.memref_slice %arg2[%arg0, %dma_wait3A, %dma_wait3A_39] : memref<2x10240x64xf32, #tpu.memory_space<hbm>> -> memref<1x10240x64xf32, #tpu.memory_space<hbm>>
        %dma_wait3A_41 = tpu.memref_squeeze %dma_wait3A_40 : memref<1x10240x64xf32, #tpu.memory_space<hbm>> -> memref<10240x64xf32, #tpu.memory_space<hbm>>
        %dma_wait3A_42 = arith.constant 0 : i32
        %dma_wait3A_43 = tpu.memref_slice %dma_wait3A_41[%add3A, %dma_wait3A_42] : memref<10240x64xf32, #tpu.memory_space<hbm>> -> memref<64x64xf32, #tpu.memory_space<hbm>>
        %dma_wait3A_44 = arith.constant 0 : i32
        %dma_wait3A_45 = arith.constant 0 : i32
        %dma_wait3A_46 = tpu.memref_slice %arg2[%arg0, %dma_wait3A_44, %dma_wait3A_45] : memref<2x10240x64xf32, #tpu.memory_space<hbm>> -> memref<1x10240x64xf32, #tpu.memory_space<hbm>>
        %dma_wait3A_47 = tpu.memref_squeeze %dma_wait3A_46 : memref<1x10240x64xf32, #tpu.memory_space<hbm>> -> memref<10240x64xf32, #tpu.memory_space<hbm>>
        %dma_wait3A_48 = arith.constant 0 : i32
        %dma_wait3A_49 = tpu.memref_slice %dma_wait3A_47[%add3A, %dma_wait3A_48] : memref<10240x64xf32, #tpu.memory_space<hbm>> -> memref<64x64xf32, #tpu.memory_space<hbm>>
        tpu.wait_dma2 semaphore(%run_scoped3A : memref<!tpu.dma_semaphore, #tpu.memory_space<semaphore_mem>>) src(%dma_wait3A_49 : memref<64x64xf32, #tpu.memory_space<hbm>>) dst(%arg9 : memref<64x64xf32, #tpu.memory_space<vmem>>)
        tpu.yield
      }) : () -> ()
      "tpu.region"() ({
        %run_scoped3A = tpu.sem_alloc : memref<!tpu.dma_semaphore, #tpu.memory_space<semaphore_mem>>
        %dma_start3A = arith.constant 0 : i32
        %dma_start3A_28 = tpu.memref_slice %arg11[%add3A, %dma_start3A] : memref<10240x64xf32, #tpu.memory_space<vmem_shared>> -> memref<64x64xf32, #tpu.memory_space<vmem_shared>>
        %dma_start3A_29 = arith.constant 0 : i32
        %dma_start3A_30 = tpu.memref_slice %arg11[%add3A, %dma_start3A_29] : memref<10240x64xf32, #tpu.memory_space<vmem_shared>> -> memref<64x64xf32, #tpu.memory_space<vmem_shared>>
        tpu.enqueue_dma source(%arg9 : memref<64x64xf32, #tpu.memory_space<vmem>>) target(%dma_start3A_30 : memref<64x64xf32, #tpu.memory_space<vmem_shared>>) target_semaphore(%run_scoped3A : memref<!tpu.dma_semaphore, #tpu.memory_space<semaphore_mem>>)
        %dma_wait3A = arith.constant 0 : i32
        %dma_wait3A_31 = tpu.memref_slice %arg11[%add3A, %dma_wait3A] : memref<10240x64xf32, #tpu.memory_space<vmem_shared>> -> memref<64x64xf32, #tpu.memory_space<vmem_shared>>
        %dma_wait3A_32 = arith.constant 0 : i32
        %dma_wait3A_33 = tpu.memref_slice %arg11[%add3A, %dma_wait3A_32] : memref<10240x64xf32, #tpu.memory_space<vmem_shared>> -> memref<64x64xf32, #tpu.memory_space<vmem_shared>>
        tpu.wait_dma2 semaphore(%run_scoped3A : memref<!tpu.dma_semaphore, #tpu.memory_space<semaphore_mem>>) src(%arg9 : memref<64x64xf32, #tpu.memory_space<vmem>>) dst(%dma_wait3A_33 : memref<64x64xf32, #tpu.memory_space<vmem_shared>>)
        tpu.yield
      }) : () -> ()
    }
    %scan3A_11 = arith.constant 10 : i32
    "tpu.region"() ({
      %run_scoped3A = tpu.sem_alloc : memref<!tpu.dma_semaphore, #tpu.memory_space<semaphore_mem>>
      %dma_start3A = arith.constant 0 : i32
      %dma_start3A_25 = arith.constant 0 : i32
      %dma_start3A_26 = tpu.memref_slice %arg3[%arg1, %dma_start3A, %dma_start3A_25] : memref<16x314x64xi32, #tpu.memory_space<hbm>> -> memref<1x314x64xi32, #tpu.memory_space<hbm>>
      %dma_start3A_27 = tpu.memref_squeeze %dma_start3A_26 : memref<1x314x64xi32, #tpu.memory_space<hbm>> -> memref<314x64xi32, #tpu.memory_space<hbm>>
      %dma_start3A_28 = arith.constant 0 : i32
      %dma_start3A_29 = arith.constant 0 : i32
      %dma_start3A_30 = tpu.memref_slice %arg3[%arg1, %dma_start3A_28, %dma_start3A_29] : memref<16x314x64xi32, #tpu.memory_space<hbm>> -> memref<1x314x64xi32, #tpu.memory_space<hbm>>
      %dma_start3A_31 = tpu.memref_squeeze %dma_start3A_30 : memref<1x314x64xi32, #tpu.memory_space<hbm>> -> memref<314x64xi32, #tpu.memory_space<hbm>>
      tpu.enqueue_dma source(%dma_start3A_31 : memref<314x64xi32, #tpu.memory_space<hbm>>) target(%arg7 : memref<314x64xi32, #tpu.memory_space<vmem>>) target_semaphore(%run_scoped3A : memref<!tpu.dma_semaphore, #tpu.memory_space<semaphore_mem>>)
      %dma_wait3A = arith.constant 0 : i32
      %dma_wait3A_32 = arith.constant 0 : i32
      %dma_wait3A_33 = tpu.memref_slice %arg3[%arg1, %dma_wait3A, %dma_wait3A_32] : memref<16x314x64xi32, #tpu.memory_space<hbm>> -> memref<1x314x64xi32, #tpu.memory_space<hbm>>
      %dma_wait3A_34 = tpu.memref_squeeze %dma_wait3A_33 : memref<1x314x64xi32, #tpu.memory_space<hbm>> -> memref<314x64xi32, #tpu.memory_space<hbm>>
      %dma_wait3A_35 = arith.constant 0 : i32
      %dma_wait3A_36 = arith.constant 0 : i32
      %dma_wait3A_37 = tpu.memref_slice %arg3[%arg1, %dma_wait3A_35, %dma_wait3A_36] : memref<16x314x64xi32, #tpu.memory_space<hbm>> -> memref<1x314x64xi32, #tpu.memory_space<hbm>>
      %dma_wait3A_38 = tpu.memref_squeeze %dma_wait3A_37 : memref<1x314x64xi32, #tpu.memory_space<hbm>> -> memref<314x64xi32, #tpu.memory_space<hbm>>
      tpu.wait_dma2 semaphore(%run_scoped3A : memref<!tpu.dma_semaphore, #tpu.memory_space<semaphore_mem>>) src(%dma_wait3A_38 : memref<314x64xi32, #tpu.memory_space<hbm>>) dst(%arg7 : memref<314x64xi32, #tpu.memory_space<vmem>>)
      tpu.yield
    }) : () -> ()
    "tpu.region"() ({
      %run_scoped3A = tpu.sem_alloc : memref<!tpu.dma_semaphore, #tpu.memory_space<semaphore_mem>>
      %dma_start3A = arith.constant 0 : i32
      %dma_start3A_25 = arith.constant 0 : i32
      %dma_start3A_26 = tpu.memref_slice %arg4[%arg1, %dma_start3A, %dma_start3A_25] : memref<16x314x64xi32, #tpu.memory_space<hbm>> -> memref<1x314x64xi32, #tpu.memory_space<hbm>>
      %dma_start3A_27 = tpu.memref_squeeze %dma_start3A_26 : memref<1x314x64xi32, #tpu.memory_space<hbm>> -> memref<314x64xi32, #tpu.memory_space<hbm>>
      %dma_start3A_28 = arith.constant 0 : i32
      %dma_start3A_29 = arith.constant 0 : i32
      %dma_start3A_30 = tpu.memref_slice %arg4[%arg1, %dma_start3A_28, %dma_start3A_29] : memref<16x314x64xi32, #tpu.memory_space<hbm>> -> memref<1x314x64xi32, #tpu.memory_space<hbm>>
      %dma_start3A_31 = tpu.memref_squeeze %dma_start3A_30 : memref<1x314x64xi32, #tpu.memory_space<hbm>> -> memref<314x64xi32, #tpu.memory_space<hbm>>
      tpu.enqueue_dma source(%dma_start3A_31 : memref<314x64xi32, #tpu.memory_space<hbm>>) target(%arg8 : memref<314x64xi32, #tpu.memory_space<vmem>>) target_semaphore(%run_scoped3A : memref<!tpu.dma_semaphore, #tpu.memory_space<semaphore_mem>>)
      %dma_wait3A = arith.constant 0 : i32
      %dma_wait3A_32 = arith.constant 0 : i32
      %dma_wait3A_33 = tpu.memref_slice %arg4[%arg1, %dma_wait3A, %dma_wait3A_32] : memref<16x314x64xi32, #tpu.memory_space<hbm>> -> memref<1x314x64xi32, #tpu.memory_space<hbm>>
      %dma_wait3A_34 = tpu.memref_squeeze %dma_wait3A_33 : memref<1x314x64xi32, #tpu.memory_space<hbm>> -> memref<314x64xi32, #tpu.memory_space<hbm>>
      %dma_wait3A_35 = arith.constant 0 : i32
      %dma_wait3A_36 = arith.constant 0 : i32
      %dma_wait3A_37 = tpu.memref_slice %arg4[%arg1, %dma_wait3A_35, %dma_wait3A_36] : memref<16x314x64xi32, #tpu.memory_space<hbm>> -> memref<1x314x64xi32, #tpu.memory_space<hbm>>
      %dma_wait3A_38 = tpu.memref_squeeze %dma_wait3A_37 : memref<1x314x64xi32, #tpu.memory_space<hbm>> -> memref<314x64xi32, #tpu.memory_space<hbm>>
      tpu.wait_dma2 semaphore(%run_scoped3A : memref<!tpu.dma_semaphore, #tpu.memory_space<semaphore_mem>>) src(%dma_wait3A_38 : memref<314x64xi32, #tpu.memory_space<hbm>>) dst(%arg8 : memref<314x64xi32, #tpu.memory_space<vmem>>)
      tpu.yield
    }) : () -> ()
    %barrier3A = arith.constant 0 : index
    tpu.barrier barrier_id(%barrier3A)
    %scan3A_12 = arith.constant 0 : i32
    %scan3A_13 = arith.constant 0 : i32
    %scan3A_14 = arith.constant 157 : i32
    %scan3A_15 = arith.addi %scan3A_13, %scan3A_14 : i32
    %scan3A_16 = arith.constant 1 : i32
    scf.for %scan3A_25 = %scan3A_13 to %scan3A_15 step %scan3A_16  : i32 {
      %mul3A_26 = arith.constant 2 : i32
      %mul3A_27 = arith.muli %mul3A_26, %scan3A_25 : i32
      %add3A = arith.constant 0 : i32
      %add3A_28 = arith.addi %mul3A_27, %add3A : i32
      %gt3A = arith.constant 0 : i32
      %gt3A_29 = arith.cmpi sgt, %scan3A_25, %gt3A : i32
      %convert_element_type3A = arith.extui %gt3A_29 : i1 to i32
      %cond3A = arith.constant 0 : i32
      %cond3A_30 = arith.cmpi ne, %convert_element_type3A, %cond3A : i32
      scf.if %cond3A_30 {
        tpu.wait_dma2 semaphore(%arg15 : memref<!tpu.dma_semaphore, #tpu.memory_space<semaphore_mem>>) src(%arg5 : memref<64x64xf32, #tpu.memory_space<hbm>>) dst(%arg9 : memref<64x64xf32, #tpu.memory_space<vmem>>)
      } else {
      }
      %dma_start3A = arith.constant 0 : i32
      %dma_start3A_31 = tpu.memref_slice %arg7[%add3A_28, %dma_start3A] : memref<314x64xi32, #tpu.memory_space<vmem>> -> memref<1x64xi32, #tpu.memory_space<vmem>>
      %dma_start3A_32 = tpu.memref_squeeze %dma_start3A_31 : memref<1x64xi32, #tpu.memory_space<vmem>> -> memref<64xi32, #tpu.memory_space<vmem>>
      %dma_start3A_33 = arith.constant 0 : i32
      %dma_start3A_34 = arith.constant 0 : i32
      %dma_start3A_35 = tpu.memref_slice %arg11[%dma_start3A_33, %dma_start3A_34] : memref<10240x64xf32, #tpu.memory_space<vmem_shared>> -> memref<10240x64xf32, #tpu.memory_space<vmem_shared>>
      tpu.enqueue_indirect_dma source(%dma_start3A_35 : memref<10240x64xf32, #tpu.memory_space<vmem_shared>>) target(%arg9 : memref<64x64xf32, #tpu.memory_space<vmem>>) offsets(%dma_start3A_32 : memref<64xi32, #tpu.memory_space<vmem>>) semaphore(%arg13 : memref<!tpu.dma_semaphore, #tpu.memory_space<semaphore_mem>>)
      %dma_wait3A = arith.constant 0 : i32
      %dma_wait3A_36 = tpu.memref_slice %arg7[%add3A_28, %dma_wait3A] : memref<314x64xi32, #tpu.memory_space<vmem>> -> memref<1x64xi32, #tpu.memory_space<vmem>>
      %dma_wait3A_37 = tpu.memref_squeeze %dma_wait3A_36 : memref<1x64xi32, #tpu.memory_space<vmem>> -> memref<64xi32, #tpu.memory_space<vmem>>
      %dma_wait3A_38 = arith.constant 0 : i32
      %dma_wait3A_39 = arith.constant 0 : i32
      %dma_wait3A_40 = tpu.memref_slice %arg11[%dma_wait3A_38, %dma_wait3A_39] : memref<10240x64xf32, #tpu.memory_space<vmem_shared>> -> memref<10240x64xf32, #tpu.memory_space<vmem_shared>>
      tpu.wait_indirect_dma semaphore(%arg13 : memref<!tpu.dma_semaphore, #tpu.memory_space<semaphore_mem>>) src(%dma_wait3A_40 : memref<10240x64xf32, #tpu.memory_space<vmem_shared>>) dst(%arg9 : memref<64x64xf32, #tpu.memory_space<vmem>>)
      %dma_start3A_41 = arith.constant 0 : i32
      %dma_start3A_42 = tpu.memref_slice %arg8[%add3A_28, %dma_start3A_41] : memref<314x64xi32, #tpu.memory_space<vmem>> -> memref<1x64xi32, #tpu.memory_space<vmem>>
      %dma_start3A_43 = tpu.memref_squeeze %dma_start3A_42 : memref<1x64xi32, #tpu.memory_space<vmem>> -> memref<64xi32, #tpu.memory_space<vmem>>
      %dma_start3A_44 = arith.constant 0 : i32
      %dma_start3A_45 = arith.constant 0 : i32
      %dma_start3A_46 = tpu.memref_slice %arg12[%dma_start3A_44, %dma_start3A_45] : memref<10240x64xf32, #tpu.memory_space<vmem_shared>> -> memref<10240x64xf32, #tpu.memory_space<vmem_shared>>
      tpu.enqueue_indirect_dma source(%arg9 : memref<64x64xf32, #tpu.memory_space<vmem>>) target(%dma_start3A_46 : memref<10240x64xf32, #tpu.memory_space<vmem_shared>>) offsets(%dma_start3A_43 : memref<64xi32, #tpu.memory_space<vmem>>) semaphore(%arg15 : memref<!tpu.dma_semaphore, #tpu.memory_space<semaphore_mem>>) {add = true}
      %mul3A_47 = arith.constant 2 : i32
      %mul3A_48 = arith.muli %mul3A_47, %scan3A_25 : i32
      %add3A_49 = arith.constant 1 : i32
      %add3A_50 = arith.addi %mul3A_48, %add3A_49 : i32
      %gt3A_51 = arith.constant 0 : i32
      %gt3A_52 = arith.cmpi sgt, %scan3A_25, %gt3A_51 : i32
      %convert_element_type3A_53 = arith.extui %gt3A_52 : i1 to i32
      %cond3A_54 = arith.constant 0 : i32
      %cond3A_55 = arith.cmpi ne, %convert_element_type3A_53, %cond3A_54 : i32
      scf.if %cond3A_55 {
        tpu.wait_dma2 semaphore(%arg16 : memref<!tpu.dma_semaphore, #tpu.memory_space<semaphore_mem>>) src(%arg5 : memref<64x64xf32, #tpu.memory_space<hbm>>) dst(%arg10 : memref<64x64xf32, #tpu.memory_space<vmem>>)
      } else {
      }
      %dma_start3A_56 = arith.constant 0 : i32
      %dma_start3A_57 = tpu.memref_slice %arg7[%add3A_50, %dma_start3A_56] : memref<314x64xi32, #tpu.memory_space<vmem>> -> memref<1x64xi32, #tpu.memory_space<vmem>>
      %dma_start3A_58 = tpu.memref_squeeze %dma_start3A_57 : memref<1x64xi32, #tpu.memory_space<vmem>> -> memref<64xi32, #tpu.memory_space<vmem>>
      %dma_start3A_59 = arith.constant 0 : i32
      %dma_start3A_60 = arith.constant 0 : i32
      %dma_start3A_61 = tpu.memref_slice %arg11[%dma_start3A_59, %dma_start3A_60] : memref<10240x64xf32, #tpu.memory_space<vmem_shared>> -> memref<10240x64xf32, #tpu.memory_space<vmem_shared>>
      tpu.enqueue_indirect_dma source(%dma_start3A_61 : memref<10240x64xf32, #tpu.memory_space<vmem_shared>>) target(%arg10 : memref<64x64xf32, #tpu.memory_space<vmem>>) offsets(%dma_start3A_58 : memref<64xi32, #tpu.memory_space<vmem>>) semaphore(%arg14 : memref<!tpu.dma_semaphore, #tpu.memory_space<semaphore_mem>>)
      %dma_wait3A_62 = arith.constant 0 : i32
      %dma_wait3A_63 = tpu.memref_slice %arg7[%add3A_50, %dma_wait3A_62] : memref<314x64xi32, #tpu.memory_space<vmem>> -> memref<1x64xi32, #tpu.memory_space<vmem>>
      %dma_wait3A_64 = tpu.memref_squeeze %dma_wait3A_63 : memref<1x64xi32, #tpu.memory_space<vmem>> -> memref<64xi32, #tpu.memory_space<vmem>>
      %dma_wait3A_65 = arith.constant 0 : i32
      %dma_wait3A_66 = arith.constant 0 : i32
      %dma_wait3A_67 = tpu.memref_slice %arg11[%dma_wait3A_65, %dma_wait3A_66] : memref<10240x64xf32, #tpu.memory_space<vmem_shared>> -> memref<10240x64xf32, #tpu.memory_space<vmem_shared>>
      tpu.wait_indirect_dma semaphore(%arg14 : memref<!tpu.dma_semaphore, #tpu.memory_space<semaphore_mem>>) src(%dma_wait3A_67 : memref<10240x64xf32, #tpu.memory_space<vmem_shared>>) dst(%arg10 : memref<64x64xf32, #tpu.memory_space<vmem>>)
      %dma_start3A_68 = arith.constant 0 : i32
      %dma_start3A_69 = tpu.memref_slice %arg8[%add3A_50, %dma_start3A_68] : memref<314x64xi32, #tpu.memory_space<vmem>> -> memref<1x64xi32, #tpu.memory_space<vmem>>
      %dma_start3A_70 = tpu.memref_squeeze %dma_start3A_69 : memref<1x64xi32, #tpu.memory_space<vmem>> -> memref<64xi32, #tpu.memory_space<vmem>>
      %dma_start3A_71 = arith.constant 0 : i32
      %dma_start3A_72 = arith.constant 0 : i32
      %dma_start3A_73 = tpu.memref_slice %arg12[%dma_start3A_71, %dma_start3A_72] : memref<10240x64xf32, #tpu.memory_space<vmem_shared>> -> memref<10240x64xf32, #tpu.memory_space<vmem_shared>>
      tpu.enqueue_indirect_dma source(%arg10 : memref<64x64xf32, #tpu.memory_space<vmem>>) target(%dma_start3A_73 : memref<10240x64xf32, #tpu.memory_space<vmem_shared>>) offsets(%dma_start3A_70 : memref<64xi32, #tpu.memory_space<vmem>>) semaphore(%arg16 : memref<!tpu.dma_semaphore, #tpu.memory_space<semaphore_mem>>) {add = true}
    }
    %scan3A_17 = arith.constant 157 : i32
    tpu.wait_dma2 semaphore(%arg15 : memref<!tpu.dma_semaphore, #tpu.memory_space<semaphore_mem>>) src(%arg5 : memref<64x64xf32, #tpu.memory_space<hbm>>) dst(%arg9 : memref<64x64xf32, #tpu.memory_space<vmem>>)
    tpu.wait_dma2 semaphore(%arg16 : memref<!tpu.dma_semaphore, #tpu.memory_space<semaphore_mem>>) src(%arg5 : memref<64x64xf32, #tpu.memory_space<hbm>>) dst(%arg10 : memref<64x64xf32, #tpu.memory_space<vmem>>)
    %barrier3A_18 = arith.constant 0 : index
    tpu.barrier barrier_id(%barrier3A_18)
    %scan3A_19 = arith.constant 0 : i32
    %scan3A_20 = arith.constant 0 : i32
    %scan3A_21 = arith.constant 10 : i32
    %scan3A_22 = arith.addi %scan3A_20, %scan3A_21 : i32
    %scan3A_23 = arith.constant 1 : i32
    scf.for %scan3A_25 = %scan3A_20 to %scan3A_22 step %scan3A_23  : i32 {
      %mul3A_26 = arith.constant 64 : i32
      %mul3A_27 = arith.muli %scan3A_25, %mul3A_26 : i32
      %add3A = arith.addi %mul3A_0, %mul3A_27 : i32
      "tpu.region"() ({
        %run_scoped3A = tpu.sem_alloc : memref<!tpu.dma_semaphore, #tpu.memory_space<semaphore_mem>>
        %dma_start3A = arith.constant 0 : i32
        %dma_start3A_28 = tpu.memref_slice %arg12[%add3A, %dma_start3A] : memref<10240x64xf32, #tpu.memory_space<vmem_shared>> -> memref<64x64xf32, #tpu.memory_space<vmem_shared>>
        %dma_start3A_29 = arith.constant 0 : i32
        %dma_start3A_30 = tpu.memref_slice %arg12[%add3A, %dma_start3A_29] : memref<10240x64xf32, #tpu.memory_space<vmem_shared>> -> memref<64x64xf32, #tpu.memory_space<vmem_shared>>
        tpu.enqueue_dma source(%dma_start3A_30 : memref<64x64xf32, #tpu.memory_space<vmem_shared>>) target(%arg9 : memref<64x64xf32, #tpu.memory_space<vmem>>) target_semaphore(%run_scoped3A : memref<!tpu.dma_semaphore, #tpu.memory_space<semaphore_mem>>)
        %dma_wait3A = arith.constant 0 : i32
        %dma_wait3A_31 = tpu.memref_slice %arg12[%add3A, %dma_wait3A] : memref<10240x64xf32, #tpu.memory_space<vmem_shared>> -> memref<64x64xf32, #tpu.memory_space<vmem_shared>>
        %dma_wait3A_32 = arith.constant 0 : i32
        %dma_wait3A_33 = tpu.memref_slice %arg12[%add3A, %dma_wait3A_32] : memref<10240x64xf32, #tpu.memory_space<vmem_shared>> -> memref<64x64xf32, #tpu.memory_space<vmem_shared>>
        tpu.wait_dma2 semaphore(%run_scoped3A : memref<!tpu.dma_semaphore, #tpu.memory_space<semaphore_mem>>) src(%dma_wait3A_33 : memref<64x64xf32, #tpu.memory_space<vmem_shared>>) dst(%arg9 : memref<64x64xf32, #tpu.memory_space<vmem>>)
        tpu.yield
      }) : () -> ()
      "tpu.region"() ({
        %run_scoped3A = tpu.sem_alloc : memref<!tpu.dma_semaphore, #tpu.memory_space<semaphore_mem>>
        %dma_start3A = arith.constant 0 : i32
        %dma_start3A_28 = tpu.memref_slice %arg6[%arg0, %add3A, %dma_start3A] : memref<2x10240x64xf32, #tpu.memory_space<hbm>> -> memref<1x64x64xf32, #tpu.memory_space<hbm>>
        %dma_start3A_29 = tpu.memref_squeeze %dma_start3A_28 : memref<1x64x64xf32, #tpu.memory_space<hbm>> -> memref<64x64xf32, #tpu.memory_space<hbm>>
        %dma_start3A_30 = arith.constant 0 : i32
        %dma_start3A_31 = tpu.memref_slice %arg6[%arg0, %add3A, %dma_start3A_30] : memref<2x10240x64xf32, #tpu.memory_space<hbm>> -> memref<1x64x64xf32, #tpu.memory_space<hbm>>
        %dma_start3A_32 = tpu.memref_squeeze %dma_start3A_31 : memref<1x64x64xf32, #tpu.memory_space<hbm>> -> memref<64x64xf32, #tpu.memory_space<hbm>>
        tpu.enqueue_dma source(%arg9 : memref<64x64xf32, #tpu.memory_space<vmem>>) target(%dma_start3A_32 : memref<64x64xf32, #tpu.memory_space<hbm>>) target_semaphore(%run_scoped3A : memref<!tpu.dma_semaphore, #tpu.memory_space<semaphore_mem>>)
        %dma_wait3A = arith.constant 0 : i32
        %dma_wait3A_33 = tpu.memref_slice %arg6[%arg0, %add3A, %dma_wait3A] : memref<2x10240x64xf32, #tpu.memory_space<hbm>> -> memref<1x64x64xf32, #tpu.memory_space<hbm>>
        %dma_wait3A_34 = tpu.memref_squeeze %dma_wait3A_33 : memref<1x64x64xf32, #tpu.memory_space<hbm>> -> memref<64x64xf32, #tpu.memory_space<hbm>>
        %dma_wait3A_35 = arith.constant 0 : i32
        %dma_wait3A_36 = tpu.memref_slice %arg6[%arg0, %add3A, %dma_wait3A_35] : memref<2x10240x64xf32, #tpu.memory_space<hbm>> -> memref<1x64x64xf32, #tpu.memory_space<hbm>>
        %dma_wait3A_37 = tpu.memref_squeeze %dma_wait3A_36 : memref<1x64x64xf32, #tpu.memory_space<hbm>> -> memref<64x64xf32, #tpu.memory_space<hbm>>
        tpu.wait_dma2 semaphore(%run_scoped3A : memref<!tpu.dma_semaphore, #tpu.memory_space<semaphore_mem>>) src(%arg9 : memref<64x64xf32, #tpu.memory_space<vmem>>) dst(%dma_wait3A_37 : memref<64x64xf32, #tpu.memory_space<hbm>>)
        tpu.yield
      }) : () -> ()
    }
    %scan3A_24 = arith.constant 10 : i32
    return
  }
}

#map = affine_map<(d0, d1) -> (0, 0)>
#map1 = affine_map<(d0, d1) -> (0, 0, 0)>
module attributes {stable_mosaic.version = 14 : i64} {
  func.func @body(%arg0: i32, %arg1: i32, %arg2: memref<10240x8xf32, #tpu.memory_space<hbm>>, %arg3: memref<32x158x64xi32, #tpu.memory_space<hbm>>, %arg4: memref<32x158x64xi32, #tpu.memory_space<hbm>>, %arg5: memref<64x8xf32, #tpu.memory_space<hbm>>, %arg6: memref<2x10240x8xf32, #tpu.memory_space<hbm>>, %arg7: memref<158x64xi32, #tpu.memory_space<vmem>>, %arg8: memref<158x64xi32, #tpu.memory_space<vmem>>, %arg9: memref<64x8xf32, #tpu.memory_space<vmem>>, %arg10: memref<64x8xf32, #tpu.memory_space<vmem>>, %arg11: memref<10240x8xf32, #tpu.memory_space<vmem_shared>>, %arg12: memref<10240x8xf32, #tpu.memory_space<vmem_shared>>, %arg13: memref<!tpu.dma_semaphore, #tpu.memory_space<semaphore_mem>>, %arg14: memref<!tpu.dma_semaphore, #tpu.memory_space<semaphore_mem>>, %arg15: memref<!tpu.dma_semaphore, #tpu.memory_space<semaphore_mem>>, %arg16: memref<!tpu.dma_semaphore, #tpu.memory_space<semaphore_mem>>) attributes {dimension_semantics = [#tpu.dimension_semantics<core_parallel>, #tpu.dimension_semantics<subcore_parallel>], iteration_bounds = array<i64: 2, 16>, scalar_prefetch = 0 : i64, scratch_operands = 10 : i64, tpu.core_type = #tpu.core_type<sc_vector_subcore>, window_params = [{transform_indices = #map}, {transform_indices = #map1}, {transform_indices = #map1}, {transform_indices = #map}, {transform_indices = #map1}]} {
    %mul3A = arith.constant 2 : i32
    %mul3A_0 = arith.muli %arg1, %mul3A : i32
    %add3A = arith.addi %mul3A_0, %arg0 : i32
    %mul3A_1 = arith.constant 640 : i32
    %mul3A_2 = arith.muli %arg1, %mul3A_1 : i32
    "tpu.region"() ({
      %run_scoped3A = tpu.sem_alloc : memref<!tpu.dma_semaphore, #tpu.memory_space<semaphore_mem>>
      tpu.enqueue_dma source(%arg5 : memref<64x8xf32, #tpu.memory_space<hbm>>) target(%arg9 : memref<64x8xf32, #tpu.memory_space<vmem>>) target_semaphore(%run_scoped3A : memref<!tpu.dma_semaphore, #tpu.memory_space<semaphore_mem>>)
      tpu.wait_dma2 semaphore(%run_scoped3A : memref<!tpu.dma_semaphore, #tpu.memory_space<semaphore_mem>>) src(%arg5 : memref<64x8xf32, #tpu.memory_space<hbm>>) dst(%arg9 : memref<64x8xf32, #tpu.memory_space<vmem>>)
      tpu.yield
    }) : () -> ()
    %scan3A = arith.constant 0 : i32
    %scan3A_3 = arith.constant 0 : i32
    %scan3A_4 = arith.constant 10 : i32
    %scan3A_5 = arith.addi %scan3A_3, %scan3A_4 : i32
    %scan3A_6 = arith.constant 1 : i32
    scf.for %scan3A_27 = %scan3A_3 to %scan3A_5 step %scan3A_6  : i32 {
      %mul3A_28 = arith.constant 64 : i32
      %mul3A_29 = arith.muli %scan3A_27, %mul3A_28 : i32
      %add3A_30 = arith.addi %mul3A_2, %mul3A_29 : i32
      "tpu.region"() ({
        %run_scoped3A = tpu.sem_alloc : memref<!tpu.dma_semaphore, #tpu.memory_space<semaphore_mem>>
        %dma_start3A = arith.constant 0 : i32
        %dma_start3A_31 = tpu.memref_slice %arg12[%add3A_30, %dma_start3A] : memref<10240x8xf32, #tpu.memory_space<vmem_shared>> -> memref<64x8xf32, #tpu.memory_space<vmem_shared>>
        %dma_start3A_32 = arith.constant 0 : i32
        %dma_start3A_33 = tpu.memref_slice %arg12[%add3A_30, %dma_start3A_32] : memref<10240x8xf32, #tpu.memory_space<vmem_shared>> -> memref<64x8xf32, #tpu.memory_space<vmem_shared>>
        tpu.enqueue_dma source(%arg9 : memref<64x8xf32, #tpu.memory_space<vmem>>) target(%dma_start3A_33 : memref<64x8xf32, #tpu.memory_space<vmem_shared>>) target_semaphore(%run_scoped3A : memref<!tpu.dma_semaphore, #tpu.memory_space<semaphore_mem>>)
        %dma_wait3A = arith.constant 0 : i32
        %dma_wait3A_34 = tpu.memref_slice %arg12[%add3A_30, %dma_wait3A] : memref<10240x8xf32, #tpu.memory_space<vmem_shared>> -> memref<64x8xf32, #tpu.memory_space<vmem_shared>>
        %dma_wait3A_35 = arith.constant 0 : i32
        %dma_wait3A_36 = tpu.memref_slice %arg12[%add3A_30, %dma_wait3A_35] : memref<10240x8xf32, #tpu.memory_space<vmem_shared>> -> memref<64x8xf32, #tpu.memory_space<vmem_shared>>
        tpu.wait_dma2 semaphore(%run_scoped3A : memref<!tpu.dma_semaphore, #tpu.memory_space<semaphore_mem>>) src(%arg9 : memref<64x8xf32, #tpu.memory_space<vmem>>) dst(%dma_wait3A_36 : memref<64x8xf32, #tpu.memory_space<vmem_shared>>)
        tpu.yield
      }) : () -> ()
    }
    %scan3A_7 = arith.constant 10 : i32
    %scan3A_8 = arith.constant 0 : i32
    %scan3A_9 = arith.constant 0 : i32
    %scan3A_10 = arith.constant 10 : i32
    %scan3A_11 = arith.addi %scan3A_9, %scan3A_10 : i32
    %scan3A_12 = arith.constant 1 : i32
    scf.for %scan3A_27 = %scan3A_9 to %scan3A_11 step %scan3A_12  : i32 {
      %mul3A_28 = arith.constant 64 : i32
      %mul3A_29 = arith.muli %scan3A_27, %mul3A_28 : i32
      %add3A_30 = arith.addi %mul3A_2, %mul3A_29 : i32
      "tpu.region"() ({
        %run_scoped3A = tpu.sem_alloc : memref<!tpu.dma_semaphore, #tpu.memory_space<semaphore_mem>>
        %dma_start3A = arith.constant 0 : i32
        %dma_start3A_31 = tpu.memref_slice %arg2[%add3A_30, %dma_start3A] : memref<10240x8xf32, #tpu.memory_space<hbm>> -> memref<64x8xf32, #tpu.memory_space<hbm>>
        %dma_start3A_32 = arith.constant 0 : i32
        %dma_start3A_33 = tpu.memref_slice %arg2[%add3A_30, %dma_start3A_32] : memref<10240x8xf32, #tpu.memory_space<hbm>> -> memref<64x8xf32, #tpu.memory_space<hbm>>
        tpu.enqueue_dma source(%dma_start3A_33 : memref<64x8xf32, #tpu.memory_space<hbm>>) target(%arg9 : memref<64x8xf32, #tpu.memory_space<vmem>>) target_semaphore(%run_scoped3A : memref<!tpu.dma_semaphore, #tpu.memory_space<semaphore_mem>>)
        %dma_wait3A = arith.constant 0 : i32
        %dma_wait3A_34 = tpu.memref_slice %arg2[%add3A_30, %dma_wait3A] : memref<10240x8xf32, #tpu.memory_space<hbm>> -> memref<64x8xf32, #tpu.memory_space<hbm>>
        %dma_wait3A_35 = arith.constant 0 : i32
        %dma_wait3A_36 = tpu.memref_slice %arg2[%add3A_30, %dma_wait3A_35] : memref<10240x8xf32, #tpu.memory_space<hbm>> -> memref<64x8xf32, #tpu.memory_space<hbm>>
        tpu.wait_dma2 semaphore(%run_scoped3A : memref<!tpu.dma_semaphore, #tpu.memory_space<semaphore_mem>>) src(%dma_wait3A_36 : memref<64x8xf32, #tpu.memory_space<hbm>>) dst(%arg9 : memref<64x8xf32, #tpu.memory_space<vmem>>)
        tpu.yield
      }) : () -> ()
      "tpu.region"() ({
        %run_scoped3A = tpu.sem_alloc : memref<!tpu.dma_semaphore, #tpu.memory_space<semaphore_mem>>
        %dma_start3A = arith.constant 0 : i32
        %dma_start3A_31 = tpu.memref_slice %arg11[%add3A_30, %dma_start3A] : memref<10240x8xf32, #tpu.memory_space<vmem_shared>> -> memref<64x8xf32, #tpu.memory_space<vmem_shared>>
        %dma_start3A_32 = arith.constant 0 : i32
        %dma_start3A_33 = tpu.memref_slice %arg11[%add3A_30, %dma_start3A_32] : memref<10240x8xf32, #tpu.memory_space<vmem_shared>> -> memref<64x8xf32, #tpu.memory_space<vmem_shared>>
        tpu.enqueue_dma source(%arg9 : memref<64x8xf32, #tpu.memory_space<vmem>>) target(%dma_start3A_33 : memref<64x8xf32, #tpu.memory_space<vmem_shared>>) target_semaphore(%run_scoped3A : memref<!tpu.dma_semaphore, #tpu.memory_space<semaphore_mem>>)
        %dma_wait3A = arith.constant 0 : i32
        %dma_wait3A_34 = tpu.memref_slice %arg11[%add3A_30, %dma_wait3A] : memref<10240x8xf32, #tpu.memory_space<vmem_shared>> -> memref<64x8xf32, #tpu.memory_space<vmem_shared>>
        %dma_wait3A_35 = arith.constant 0 : i32
        %dma_wait3A_36 = tpu.memref_slice %arg11[%add3A_30, %dma_wait3A_35] : memref<10240x8xf32, #tpu.memory_space<vmem_shared>> -> memref<64x8xf32, #tpu.memory_space<vmem_shared>>
        tpu.wait_dma2 semaphore(%run_scoped3A : memref<!tpu.dma_semaphore, #tpu.memory_space<semaphore_mem>>) src(%arg9 : memref<64x8xf32, #tpu.memory_space<vmem>>) dst(%dma_wait3A_36 : memref<64x8xf32, #tpu.memory_space<vmem_shared>>)
        tpu.yield
      }) : () -> ()
    }
    %scan3A_13 = arith.constant 10 : i32
    "tpu.region"() ({
      %run_scoped3A = tpu.sem_alloc : memref<!tpu.dma_semaphore, #tpu.memory_space<semaphore_mem>>
      %dma_start3A = arith.constant 0 : i32
      %dma_start3A_27 = arith.constant 0 : i32
      %dma_start3A_28 = tpu.memref_slice %arg3[%add3A, %dma_start3A, %dma_start3A_27] : memref<32x158x64xi32, #tpu.memory_space<hbm>> -> memref<1x158x64xi32, #tpu.memory_space<hbm>>
      %dma_start3A_29 = tpu.memref_squeeze %dma_start3A_28 : memref<1x158x64xi32, #tpu.memory_space<hbm>> -> memref<158x64xi32, #tpu.memory_space<hbm>>
      %dma_start3A_30 = arith.constant 0 : i32
      %dma_start3A_31 = arith.constant 0 : i32
      %dma_start3A_32 = tpu.memref_slice %arg3[%add3A, %dma_start3A_30, %dma_start3A_31] : memref<32x158x64xi32, #tpu.memory_space<hbm>> -> memref<1x158x64xi32, #tpu.memory_space<hbm>>
      %dma_start3A_33 = tpu.memref_squeeze %dma_start3A_32 : memref<1x158x64xi32, #tpu.memory_space<hbm>> -> memref<158x64xi32, #tpu.memory_space<hbm>>
      tpu.enqueue_dma source(%dma_start3A_33 : memref<158x64xi32, #tpu.memory_space<hbm>>) target(%arg7 : memref<158x64xi32, #tpu.memory_space<vmem>>) target_semaphore(%run_scoped3A : memref<!tpu.dma_semaphore, #tpu.memory_space<semaphore_mem>>)
      %dma_wait3A = arith.constant 0 : i32
      %dma_wait3A_34 = arith.constant 0 : i32
      %dma_wait3A_35 = tpu.memref_slice %arg3[%add3A, %dma_wait3A, %dma_wait3A_34] : memref<32x158x64xi32, #tpu.memory_space<hbm>> -> memref<1x158x64xi32, #tpu.memory_space<hbm>>
      %dma_wait3A_36 = tpu.memref_squeeze %dma_wait3A_35 : memref<1x158x64xi32, #tpu.memory_space<hbm>> -> memref<158x64xi32, #tpu.memory_space<hbm>>
      %dma_wait3A_37 = arith.constant 0 : i32
      %dma_wait3A_38 = arith.constant 0 : i32
      %dma_wait3A_39 = tpu.memref_slice %arg3[%add3A, %dma_wait3A_37, %dma_wait3A_38] : memref<32x158x64xi32, #tpu.memory_space<hbm>> -> memref<1x158x64xi32, #tpu.memory_space<hbm>>
      %dma_wait3A_40 = tpu.memref_squeeze %dma_wait3A_39 : memref<1x158x64xi32, #tpu.memory_space<hbm>> -> memref<158x64xi32, #tpu.memory_space<hbm>>
      tpu.wait_dma2 semaphore(%run_scoped3A : memref<!tpu.dma_semaphore, #tpu.memory_space<semaphore_mem>>) src(%dma_wait3A_40 : memref<158x64xi32, #tpu.memory_space<hbm>>) dst(%arg7 : memref<158x64xi32, #tpu.memory_space<vmem>>)
      tpu.yield
    }) : () -> ()
    "tpu.region"() ({
      %run_scoped3A = tpu.sem_alloc : memref<!tpu.dma_semaphore, #tpu.memory_space<semaphore_mem>>
      %dma_start3A = arith.constant 0 : i32
      %dma_start3A_27 = arith.constant 0 : i32
      %dma_start3A_28 = tpu.memref_slice %arg4[%add3A, %dma_start3A, %dma_start3A_27] : memref<32x158x64xi32, #tpu.memory_space<hbm>> -> memref<1x158x64xi32, #tpu.memory_space<hbm>>
      %dma_start3A_29 = tpu.memref_squeeze %dma_start3A_28 : memref<1x158x64xi32, #tpu.memory_space<hbm>> -> memref<158x64xi32, #tpu.memory_space<hbm>>
      %dma_start3A_30 = arith.constant 0 : i32
      %dma_start3A_31 = arith.constant 0 : i32
      %dma_start3A_32 = tpu.memref_slice %arg4[%add3A, %dma_start3A_30, %dma_start3A_31] : memref<32x158x64xi32, #tpu.memory_space<hbm>> -> memref<1x158x64xi32, #tpu.memory_space<hbm>>
      %dma_start3A_33 = tpu.memref_squeeze %dma_start3A_32 : memref<1x158x64xi32, #tpu.memory_space<hbm>> -> memref<158x64xi32, #tpu.memory_space<hbm>>
      tpu.enqueue_dma source(%dma_start3A_33 : memref<158x64xi32, #tpu.memory_space<hbm>>) target(%arg8 : memref<158x64xi32, #tpu.memory_space<vmem>>) target_semaphore(%run_scoped3A : memref<!tpu.dma_semaphore, #tpu.memory_space<semaphore_mem>>)
      %dma_wait3A = arith.constant 0 : i32
      %dma_wait3A_34 = arith.constant 0 : i32
      %dma_wait3A_35 = tpu.memref_slice %arg4[%add3A, %dma_wait3A, %dma_wait3A_34] : memref<32x158x64xi32, #tpu.memory_space<hbm>> -> memref<1x158x64xi32, #tpu.memory_space<hbm>>
      %dma_wait3A_36 = tpu.memref_squeeze %dma_wait3A_35 : memref<1x158x64xi32, #tpu.memory_space<hbm>> -> memref<158x64xi32, #tpu.memory_space<hbm>>
      %dma_wait3A_37 = arith.constant 0 : i32
      %dma_wait3A_38 = arith.constant 0 : i32
      %dma_wait3A_39 = tpu.memref_slice %arg4[%add3A, %dma_wait3A_37, %dma_wait3A_38] : memref<32x158x64xi32, #tpu.memory_space<hbm>> -> memref<1x158x64xi32, #tpu.memory_space<hbm>>
      %dma_wait3A_40 = tpu.memref_squeeze %dma_wait3A_39 : memref<1x158x64xi32, #tpu.memory_space<hbm>> -> memref<158x64xi32, #tpu.memory_space<hbm>>
      tpu.wait_dma2 semaphore(%run_scoped3A : memref<!tpu.dma_semaphore, #tpu.memory_space<semaphore_mem>>) src(%dma_wait3A_40 : memref<158x64xi32, #tpu.memory_space<hbm>>) dst(%arg8 : memref<158x64xi32, #tpu.memory_space<vmem>>)
      tpu.yield
    }) : () -> ()
    %barrier3A = arith.constant 0 : index
    tpu.barrier barrier_id(%barrier3A)
    %scan3A_14 = arith.constant 0 : i32
    %scan3A_15 = arith.constant 0 : i32
    %scan3A_16 = arith.constant 79 : i32
    %scan3A_17 = arith.addi %scan3A_15, %scan3A_16 : i32
    %scan3A_18 = arith.constant 1 : i32
    scf.for %scan3A_27 = %scan3A_15 to %scan3A_17 step %scan3A_18  : i32 {
      %mul3A_28 = arith.constant 2 : i32
      %mul3A_29 = arith.muli %mul3A_28, %scan3A_27 : i32
      %add3A_30 = arith.constant 0 : i32
      %add3A_31 = arith.addi %mul3A_29, %add3A_30 : i32
      %gt3A = arith.constant 0 : i32
      %gt3A_32 = arith.cmpi sgt, %scan3A_27, %gt3A : i32
      %convert_element_type3A = arith.extui %gt3A_32 : i1 to i32
      %cond3A = arith.constant 0 : i32
      %cond3A_33 = arith.cmpi ne, %convert_element_type3A, %cond3A : i32
      scf.if %cond3A_33 {
        tpu.wait_dma2 semaphore(%arg15 : memref<!tpu.dma_semaphore, #tpu.memory_space<semaphore_mem>>) src(%arg5 : memref<64x8xf32, #tpu.memory_space<hbm>>) dst(%arg9 : memref<64x8xf32, #tpu.memory_space<vmem>>)
      } else {
      }
      %dma_start3A = arith.constant 0 : i32
      %dma_start3A_34 = tpu.memref_slice %arg7[%add3A_31, %dma_start3A] : memref<158x64xi32, #tpu.memory_space<vmem>> -> memref<1x64xi32, #tpu.memory_space<vmem>>
      %dma_start3A_35 = tpu.memref_squeeze %dma_start3A_34 : memref<1x64xi32, #tpu.memory_space<vmem>> -> memref<64xi32, #tpu.memory_space<vmem>>
      %dma_start3A_36 = arith.constant 0 : i32
      %dma_start3A_37 = arith.constant 0 : i32
      %dma_start3A_38 = tpu.memref_slice %arg11[%dma_start3A_36, %dma_start3A_37] : memref<10240x8xf32, #tpu.memory_space<vmem_shared>> -> memref<10240x8xf32, #tpu.memory_space<vmem_shared>>
      tpu.enqueue_indirect_dma source(%dma_start3A_38 : memref<10240x8xf32, #tpu.memory_space<vmem_shared>>) target(%arg9 : memref<64x8xf32, #tpu.memory_space<vmem>>) offsets(%dma_start3A_35 : memref<64xi32, #tpu.memory_space<vmem>>) semaphore(%arg13 : memref<!tpu.dma_semaphore, #tpu.memory_space<semaphore_mem>>)
      %dma_wait3A = arith.constant 0 : i32
      %dma_wait3A_39 = tpu.memref_slice %arg7[%add3A_31, %dma_wait3A] : memref<158x64xi32, #tpu.memory_space<vmem>> -> memref<1x64xi32, #tpu.memory_space<vmem>>
      %dma_wait3A_40 = tpu.memref_squeeze %dma_wait3A_39 : memref<1x64xi32, #tpu.memory_space<vmem>> -> memref<64xi32, #tpu.memory_space<vmem>>
      %dma_wait3A_41 = arith.constant 0 : i32
      %dma_wait3A_42 = arith.constant 0 : i32
      %dma_wait3A_43 = tpu.memref_slice %arg11[%dma_wait3A_41, %dma_wait3A_42] : memref<10240x8xf32, #tpu.memory_space<vmem_shared>> -> memref<10240x8xf32, #tpu.memory_space<vmem_shared>>
      tpu.wait_indirect_dma semaphore(%arg13 : memref<!tpu.dma_semaphore, #tpu.memory_space<semaphore_mem>>) src(%dma_wait3A_43 : memref<10240x8xf32, #tpu.memory_space<vmem_shared>>) dst(%arg9 : memref<64x8xf32, #tpu.memory_space<vmem>>)
      %dma_start3A_44 = arith.constant 0 : i32
      %dma_start3A_45 = tpu.memref_slice %arg8[%add3A_31, %dma_start3A_44] : memref<158x64xi32, #tpu.memory_space<vmem>> -> memref<1x64xi32, #tpu.memory_space<vmem>>
      %dma_start3A_46 = tpu.memref_squeeze %dma_start3A_45 : memref<1x64xi32, #tpu.memory_space<vmem>> -> memref<64xi32, #tpu.memory_space<vmem>>
      %dma_start3A_47 = arith.constant 0 : i32
      %dma_start3A_48 = arith.constant 0 : i32
      %dma_start3A_49 = tpu.memref_slice %arg12[%dma_start3A_47, %dma_start3A_48] : memref<10240x8xf32, #tpu.memory_space<vmem_shared>> -> memref<10240x8xf32, #tpu.memory_space<vmem_shared>>
      tpu.enqueue_indirect_dma source(%arg9 : memref<64x8xf32, #tpu.memory_space<vmem>>) target(%dma_start3A_49 : memref<10240x8xf32, #tpu.memory_space<vmem_shared>>) offsets(%dma_start3A_46 : memref<64xi32, #tpu.memory_space<vmem>>) semaphore(%arg15 : memref<!tpu.dma_semaphore, #tpu.memory_space<semaphore_mem>>) {add = true}
      %mul3A_50 = arith.constant 2 : i32
      %mul3A_51 = arith.muli %mul3A_50, %scan3A_27 : i32
      %add3A_52 = arith.constant 1 : i32
      %add3A_53 = arith.addi %mul3A_51, %add3A_52 : i32
      %gt3A_54 = arith.constant 0 : i32
      %gt3A_55 = arith.cmpi sgt, %scan3A_27, %gt3A_54 : i32
      %convert_element_type3A_56 = arith.extui %gt3A_55 : i1 to i32
      %cond3A_57 = arith.constant 0 : i32
      %cond3A_58 = arith.cmpi ne, %convert_element_type3A_56, %cond3A_57 : i32
      scf.if %cond3A_58 {
        tpu.wait_dma2 semaphore(%arg16 : memref<!tpu.dma_semaphore, #tpu.memory_space<semaphore_mem>>) src(%arg5 : memref<64x8xf32, #tpu.memory_space<hbm>>) dst(%arg10 : memref<64x8xf32, #tpu.memory_space<vmem>>)
      } else {
      }
      %dma_start3A_59 = arith.constant 0 : i32
      %dma_start3A_60 = tpu.memref_slice %arg7[%add3A_53, %dma_start3A_59] : memref<158x64xi32, #tpu.memory_space<vmem>> -> memref<1x64xi32, #tpu.memory_space<vmem>>
      %dma_start3A_61 = tpu.memref_squeeze %dma_start3A_60 : memref<1x64xi32, #tpu.memory_space<vmem>> -> memref<64xi32, #tpu.memory_space<vmem>>
      %dma_start3A_62 = arith.constant 0 : i32
      %dma_start3A_63 = arith.constant 0 : i32
      %dma_start3A_64 = tpu.memref_slice %arg11[%dma_start3A_62, %dma_start3A_63] : memref<10240x8xf32, #tpu.memory_space<vmem_shared>> -> memref<10240x8xf32, #tpu.memory_space<vmem_shared>>
      tpu.enqueue_indirect_dma source(%dma_start3A_64 : memref<10240x8xf32, #tpu.memory_space<vmem_shared>>) target(%arg10 : memref<64x8xf32, #tpu.memory_space<vmem>>) offsets(%dma_start3A_61 : memref<64xi32, #tpu.memory_space<vmem>>) semaphore(%arg14 : memref<!tpu.dma_semaphore, #tpu.memory_space<semaphore_mem>>)
      %dma_wait3A_65 = arith.constant 0 : i32
      %dma_wait3A_66 = tpu.memref_slice %arg7[%add3A_53, %dma_wait3A_65] : memref<158x64xi32, #tpu.memory_space<vmem>> -> memref<1x64xi32, #tpu.memory_space<vmem>>
      %dma_wait3A_67 = tpu.memref_squeeze %dma_wait3A_66 : memref<1x64xi32, #tpu.memory_space<vmem>> -> memref<64xi32, #tpu.memory_space<vmem>>
      %dma_wait3A_68 = arith.constant 0 : i32
      %dma_wait3A_69 = arith.constant 0 : i32
      %dma_wait3A_70 = tpu.memref_slice %arg11[%dma_wait3A_68, %dma_wait3A_69] : memref<10240x8xf32, #tpu.memory_space<vmem_shared>> -> memref<10240x8xf32, #tpu.memory_space<vmem_shared>>
      tpu.wait_indirect_dma semaphore(%arg14 : memref<!tpu.dma_semaphore, #tpu.memory_space<semaphore_mem>>) src(%dma_wait3A_70 : memref<10240x8xf32, #tpu.memory_space<vmem_shared>>) dst(%arg10 : memref<64x8xf32, #tpu.memory_space<vmem>>)
      %dma_start3A_71 = arith.constant 0 : i32
      %dma_start3A_72 = tpu.memref_slice %arg8[%add3A_53, %dma_start3A_71] : memref<158x64xi32, #tpu.memory_space<vmem>> -> memref<1x64xi32, #tpu.memory_space<vmem>>
      %dma_start3A_73 = tpu.memref_squeeze %dma_start3A_72 : memref<1x64xi32, #tpu.memory_space<vmem>> -> memref<64xi32, #tpu.memory_space<vmem>>
      %dma_start3A_74 = arith.constant 0 : i32
      %dma_start3A_75 = arith.constant 0 : i32
      %dma_start3A_76 = tpu.memref_slice %arg12[%dma_start3A_74, %dma_start3A_75] : memref<10240x8xf32, #tpu.memory_space<vmem_shared>> -> memref<10240x8xf32, #tpu.memory_space<vmem_shared>>
      tpu.enqueue_indirect_dma source(%arg10 : memref<64x8xf32, #tpu.memory_space<vmem>>) target(%dma_start3A_76 : memref<10240x8xf32, #tpu.memory_space<vmem_shared>>) offsets(%dma_start3A_73 : memref<64xi32, #tpu.memory_space<vmem>>) semaphore(%arg16 : memref<!tpu.dma_semaphore, #tpu.memory_space<semaphore_mem>>) {add = true}
    }
    %scan3A_19 = arith.constant 79 : i32
    tpu.wait_dma2 semaphore(%arg15 : memref<!tpu.dma_semaphore, #tpu.memory_space<semaphore_mem>>) src(%arg5 : memref<64x8xf32, #tpu.memory_space<hbm>>) dst(%arg9 : memref<64x8xf32, #tpu.memory_space<vmem>>)
    tpu.wait_dma2 semaphore(%arg16 : memref<!tpu.dma_semaphore, #tpu.memory_space<semaphore_mem>>) src(%arg5 : memref<64x8xf32, #tpu.memory_space<hbm>>) dst(%arg10 : memref<64x8xf32, #tpu.memory_space<vmem>>)
    %barrier3A_20 = arith.constant 0 : index
    tpu.barrier barrier_id(%barrier3A_20)
    %scan3A_21 = arith.constant 0 : i32
    %scan3A_22 = arith.constant 0 : i32
    %scan3A_23 = arith.constant 10 : i32
    %scan3A_24 = arith.addi %scan3A_22, %scan3A_23 : i32
    %scan3A_25 = arith.constant 1 : i32
    scf.for %scan3A_27 = %scan3A_22 to %scan3A_24 step %scan3A_25  : i32 {
      %mul3A_28 = arith.constant 64 : i32
      %mul3A_29 = arith.muli %scan3A_27, %mul3A_28 : i32
      %add3A_30 = arith.addi %mul3A_2, %mul3A_29 : i32
      "tpu.region"() ({
        %run_scoped3A = tpu.sem_alloc : memref<!tpu.dma_semaphore, #tpu.memory_space<semaphore_mem>>
        %dma_start3A = arith.constant 0 : i32
        %dma_start3A_31 = tpu.memref_slice %arg12[%add3A_30, %dma_start3A] : memref<10240x8xf32, #tpu.memory_space<vmem_shared>> -> memref<64x8xf32, #tpu.memory_space<vmem_shared>>
        %dma_start3A_32 = arith.constant 0 : i32
        %dma_start3A_33 = tpu.memref_slice %arg12[%add3A_30, %dma_start3A_32] : memref<10240x8xf32, #tpu.memory_space<vmem_shared>> -> memref<64x8xf32, #tpu.memory_space<vmem_shared>>
        tpu.enqueue_dma source(%dma_start3A_33 : memref<64x8xf32, #tpu.memory_space<vmem_shared>>) target(%arg9 : memref<64x8xf32, #tpu.memory_space<vmem>>) target_semaphore(%run_scoped3A : memref<!tpu.dma_semaphore, #tpu.memory_space<semaphore_mem>>)
        %dma_wait3A = arith.constant 0 : i32
        %dma_wait3A_34 = tpu.memref_slice %arg12[%add3A_30, %dma_wait3A] : memref<10240x8xf32, #tpu.memory_space<vmem_shared>> -> memref<64x8xf32, #tpu.memory_space<vmem_shared>>
        %dma_wait3A_35 = arith.constant 0 : i32
        %dma_wait3A_36 = tpu.memref_slice %arg12[%add3A_30, %dma_wait3A_35] : memref<10240x8xf32, #tpu.memory_space<vmem_shared>> -> memref<64x8xf32, #tpu.memory_space<vmem_shared>>
        tpu.wait_dma2 semaphore(%run_scoped3A : memref<!tpu.dma_semaphore, #tpu.memory_space<semaphore_mem>>) src(%dma_wait3A_36 : memref<64x8xf32, #tpu.memory_space<vmem_shared>>) dst(%arg9 : memref<64x8xf32, #tpu.memory_space<vmem>>)
        tpu.yield
      }) : () -> ()
      "tpu.region"() ({
        %run_scoped3A = tpu.sem_alloc : memref<!tpu.dma_semaphore, #tpu.memory_space<semaphore_mem>>
        %dma_start3A = arith.constant 0 : i32
        %dma_start3A_31 = tpu.memref_slice %arg6[%arg0, %add3A_30, %dma_start3A] : memref<2x10240x8xf32, #tpu.memory_space<hbm>> -> memref<1x64x8xf32, #tpu.memory_space<hbm>>
        %dma_start3A_32 = tpu.memref_squeeze %dma_start3A_31 : memref<1x64x8xf32, #tpu.memory_space<hbm>> -> memref<64x8xf32, #tpu.memory_space<hbm>>
        %dma_start3A_33 = arith.constant 0 : i32
        %dma_start3A_34 = tpu.memref_slice %arg6[%arg0, %add3A_30, %dma_start3A_33] : memref<2x10240x8xf32, #tpu.memory_space<hbm>> -> memref<1x64x8xf32, #tpu.memory_space<hbm>>
        %dma_start3A_35 = tpu.memref_squeeze %dma_start3A_34 : memref<1x64x8xf32, #tpu.memory_space<hbm>> -> memref<64x8xf32, #tpu.memory_space<hbm>>
        tpu.enqueue_dma source(%arg9 : memref<64x8xf32, #tpu.memory_space<vmem>>) target(%dma_start3A_35 : memref<64x8xf32, #tpu.memory_space<hbm>>) target_semaphore(%run_scoped3A : memref<!tpu.dma_semaphore, #tpu.memory_space<semaphore_mem>>)
        %dma_wait3A = arith.constant 0 : i32
        %dma_wait3A_36 = tpu.memref_slice %arg6[%arg0, %add3A_30, %dma_wait3A] : memref<2x10240x8xf32, #tpu.memory_space<hbm>> -> memref<1x64x8xf32, #tpu.memory_space<hbm>>
        %dma_wait3A_37 = tpu.memref_squeeze %dma_wait3A_36 : memref<1x64x8xf32, #tpu.memory_space<hbm>> -> memref<64x8xf32, #tpu.memory_space<hbm>>
        %dma_wait3A_38 = arith.constant 0 : i32
        %dma_wait3A_39 = tpu.memref_slice %arg6[%arg0, %add3A_30, %dma_wait3A_38] : memref<2x10240x8xf32, #tpu.memory_space<hbm>> -> memref<1x64x8xf32, #tpu.memory_space<hbm>>
        %dma_wait3A_40 = tpu.memref_squeeze %dma_wait3A_39 : memref<1x64x8xf32, #tpu.memory_space<hbm>> -> memref<64x8xf32, #tpu.memory_space<hbm>>
        tpu.wait_dma2 semaphore(%run_scoped3A : memref<!tpu.dma_semaphore, #tpu.memory_space<semaphore_mem>>) src(%arg9 : memref<64x8xf32, #tpu.memory_space<vmem>>) dst(%dma_wait3A_40 : memref<64x8xf32, #tpu.memory_space<hbm>>)
        tpu.yield
      }) : () -> ()
    }
    %scan3A_26 = arith.constant 10 : i32
    return
  }
}

#map = affine_map<(d0, d1) -> (0, 0, 0)>
#map1 = affine_map<(d0, d1) -> (0, 0)>
module attributes {stable_mosaic.version = 14 : i64} {
  func.func @body(%arg0: i32, %arg1: i32, %arg2: memref<32x158x64xi32, #tpu.memory_space<hbm>>, %arg3: memref<64x8xf32, #tpu.memory_space<hbm>>, %arg4: memref<64x8xf32, #tpu.memory_space<hbm>>, %arg5: memref<2x10240x8xf32, #tpu.memory_space<hbm>>, %arg6: memref<158x64xi32, #tpu.memory_space<vmem>>, %arg7: memref<64x8xf32, #tpu.memory_space<vmem>>, %arg8: memref<64x8xf32, #tpu.memory_space<vmem>>, %arg9: memref<10240x8xf32, #tpu.memory_space<vmem_shared>>, %arg10: memref<!tpu.dma_semaphore, #tpu.memory_space<semaphore_mem>>, %arg11: memref<!tpu.dma_semaphore, #tpu.memory_space<semaphore_mem>>) attributes {dimension_semantics = [#tpu.dimension_semantics<core_parallel>, #tpu.dimension_semantics<subcore_parallel>], iteration_bounds = array<i64: 2, 16>, scalar_prefetch = 0 : i64, scratch_operands = 6 : i64, tpu.core_type = #tpu.core_type<sc_vector_subcore>, window_params = [{transform_indices = #map}, {transform_indices = #map1}, {transform_indices = #map1}, {transform_indices = #map}]} {
    %mul3A = arith.constant 2 : i32
    %mul3A_0 = arith.muli %arg1, %mul3A : i32
    %add3A = arith.addi %mul3A_0, %arg0 : i32
    %mul3A_1 = arith.constant 640 : i32
    %mul3A_2 = arith.muli %arg1, %mul3A_1 : i32
    "tpu.region"() ({
      %run_scoped3A = tpu.sem_alloc : memref<!tpu.dma_semaphore, #tpu.memory_space<semaphore_mem>>
      tpu.enqueue_dma source(%arg3 : memref<64x8xf32, #tpu.memory_space<hbm>>) target(%arg8 : memref<64x8xf32, #tpu.memory_space<vmem>>) target_semaphore(%run_scoped3A : memref<!tpu.dma_semaphore, #tpu.memory_space<semaphore_mem>>)
      tpu.wait_dma2 semaphore(%run_scoped3A : memref<!tpu.dma_semaphore, #tpu.memory_space<semaphore_mem>>) src(%arg3 : memref<64x8xf32, #tpu.memory_space<hbm>>) dst(%arg8 : memref<64x8xf32, #tpu.memory_space<vmem>>)
      tpu.yield
    }) : () -> ()
    %scan3A = arith.constant 0 : i32
    %scan3A_3 = arith.constant 0 : i32
    %scan3A_4 = arith.constant 10 : i32
    %scan3A_5 = arith.addi %scan3A_3, %scan3A_4 : i32
    %scan3A_6 = arith.constant 1 : i32
    scf.for %scan3A_21 = %scan3A_3 to %scan3A_5 step %scan3A_6  : i32 {
      %mul3A_22 = arith.constant 64 : i32
      %mul3A_23 = arith.muli %scan3A_21, %mul3A_22 : i32
      %add3A_24 = arith.addi %mul3A_2, %mul3A_23 : i32
      "tpu.region"() ({
        %run_scoped3A = tpu.sem_alloc : memref<!tpu.dma_semaphore, #tpu.memory_space<semaphore_mem>>
        %dma_start3A = arith.constant 0 : i32
        %dma_start3A_25 = tpu.memref_slice %arg9[%add3A_24, %dma_start3A] : memref<10240x8xf32, #tpu.memory_space<vmem_shared>> -> memref<64x8xf32, #tpu.memory_space<vmem_shared>>
        %dma_start3A_26 = arith.constant 0 : i32
        %dma_start3A_27 = tpu.memref_slice %arg9[%add3A_24, %dma_start3A_26] : memref<10240x8xf32, #tpu.memory_space<vmem_shared>> -> memref<64x8xf32, #tpu.memory_space<vmem_shared>>
        tpu.enqueue_dma source(%arg8 : memref<64x8xf32, #tpu.memory_space<vmem>>) target(%dma_start3A_27 : memref<64x8xf32, #tpu.memory_space<vmem_shared>>) target_semaphore(%run_scoped3A : memref<!tpu.dma_semaphore, #tpu.memory_space<semaphore_mem>>)
        %dma_wait3A = arith.constant 0 : i32
        %dma_wait3A_28 = tpu.memref_slice %arg9[%add3A_24, %dma_wait3A] : memref<10240x8xf32, #tpu.memory_space<vmem_shared>> -> memref<64x8xf32, #tpu.memory_space<vmem_shared>>
        %dma_wait3A_29 = arith.constant 0 : i32
        %dma_wait3A_30 = tpu.memref_slice %arg9[%add3A_24, %dma_wait3A_29] : memref<10240x8xf32, #tpu.memory_space<vmem_shared>> -> memref<64x8xf32, #tpu.memory_space<vmem_shared>>
        tpu.wait_dma2 semaphore(%run_scoped3A : memref<!tpu.dma_semaphore, #tpu.memory_space<semaphore_mem>>) src(%arg8 : memref<64x8xf32, #tpu.memory_space<vmem>>) dst(%dma_wait3A_30 : memref<64x8xf32, #tpu.memory_space<vmem_shared>>)
        tpu.yield
      }) : () -> ()
    }
    %scan3A_7 = arith.constant 10 : i32
    "tpu.region"() ({
      %run_scoped3A = tpu.sem_alloc : memref<!tpu.dma_semaphore, #tpu.memory_space<semaphore_mem>>
      tpu.enqueue_dma source(%arg4 : memref<64x8xf32, #tpu.memory_space<hbm>>) target(%arg7 : memref<64x8xf32, #tpu.memory_space<vmem>>) target_semaphore(%run_scoped3A : memref<!tpu.dma_semaphore, #tpu.memory_space<semaphore_mem>>)
      tpu.wait_dma2 semaphore(%run_scoped3A : memref<!tpu.dma_semaphore, #tpu.memory_space<semaphore_mem>>) src(%arg4 : memref<64x8xf32, #tpu.memory_space<hbm>>) dst(%arg7 : memref<64x8xf32, #tpu.memory_space<vmem>>)
      tpu.yield
    }) : () -> ()
    "tpu.region"() ({
      %run_scoped3A = tpu.sem_alloc : memref<!tpu.dma_semaphore, #tpu.memory_space<semaphore_mem>>
      %dma_start3A = arith.constant 0 : i32
      %dma_start3A_21 = arith.constant 0 : i32
      %dma_start3A_22 = tpu.memref_slice %arg2[%add3A, %dma_start3A, %dma_start3A_21] : memref<32x158x64xi32, #tpu.memory_space<hbm>> -> memref<1x158x64xi32, #tpu.memory_space<hbm>>
      %dma_start3A_23 = tpu.memref_squeeze %dma_start3A_22 : memref<1x158x64xi32, #tpu.memory_space<hbm>> -> memref<158x64xi32, #tpu.memory_space<hbm>>
      %dma_start3A_24 = arith.constant 0 : i32
      %dma_start3A_25 = arith.constant 0 : i32
      %dma_start3A_26 = tpu.memref_slice %arg2[%add3A, %dma_start3A_24, %dma_start3A_25] : memref<32x158x64xi32, #tpu.memory_space<hbm>> -> memref<1x158x64xi32, #tpu.memory_space<hbm>>
      %dma_start3A_27 = tpu.memref_squeeze %dma_start3A_26 : memref<1x158x64xi32, #tpu.memory_space<hbm>> -> memref<158x64xi32, #tpu.memory_space<hbm>>
      tpu.enqueue_dma source(%dma_start3A_27 : memref<158x64xi32, #tpu.memory_space<hbm>>) target(%arg6 : memref<158x64xi32, #tpu.memory_space<vmem>>) target_semaphore(%run_scoped3A : memref<!tpu.dma_semaphore, #tpu.memory_space<semaphore_mem>>)
      %dma_wait3A = arith.constant 0 : i32
      %dma_wait3A_28 = arith.constant 0 : i32
      %dma_wait3A_29 = tpu.memref_slice %arg2[%add3A, %dma_wait3A, %dma_wait3A_28] : memref<32x158x64xi32, #tpu.memory_space<hbm>> -> memref<1x158x64xi32, #tpu.memory_space<hbm>>
      %dma_wait3A_30 = tpu.memref_squeeze %dma_wait3A_29 : memref<1x158x64xi32, #tpu.memory_space<hbm>> -> memref<158x64xi32, #tpu.memory_space<hbm>>
      %dma_wait3A_31 = arith.constant 0 : i32
      %dma_wait3A_32 = arith.constant 0 : i32
      %dma_wait3A_33 = tpu.memref_slice %arg2[%add3A, %dma_wait3A_31, %dma_wait3A_32] : memref<32x158x64xi32, #tpu.memory_space<hbm>> -> memref<1x158x64xi32, #tpu.memory_space<hbm>>
      %dma_wait3A_34 = tpu.memref_squeeze %dma_wait3A_33 : memref<1x158x64xi32, #tpu.memory_space<hbm>> -> memref<158x64xi32, #tpu.memory_space<hbm>>
      tpu.wait_dma2 semaphore(%run_scoped3A : memref<!tpu.dma_semaphore, #tpu.memory_space<semaphore_mem>>) src(%dma_wait3A_34 : memref<158x64xi32, #tpu.memory_space<hbm>>) dst(%arg6 : memref<158x64xi32, #tpu.memory_space<vmem>>)
      tpu.yield
    }) : () -> ()
    %barrier3A = arith.constant 0 : index
    tpu.barrier barrier_id(%barrier3A)
    %scan3A_8 = arith.constant 0 : i32
    %scan3A_9 = arith.constant 0 : i32
    %scan3A_10 = arith.constant 79 : i32
    %scan3A_11 = arith.addi %scan3A_9, %scan3A_10 : i32
    %scan3A_12 = arith.constant 1 : i32
    scf.for %scan3A_21 = %scan3A_9 to %scan3A_11 step %scan3A_12  : i32 {
      %mul3A_22 = arith.constant 2 : i32
      %mul3A_23 = arith.muli %mul3A_22, %scan3A_21 : i32
      %add3A_24 = arith.constant 0 : i32
      %add3A_25 = arith.addi %mul3A_23, %add3A_24 : i32
      %gt3A = arith.constant 0 : i32
      %gt3A_26 = arith.cmpi sgt, %scan3A_21, %gt3A : i32
      %convert_element_type3A = arith.extui %gt3A_26 : i1 to i32
      %cond3A = arith.constant 0 : i32
      %cond3A_27 = arith.cmpi ne, %convert_element_type3A, %cond3A : i32
      scf.if %cond3A_27 {
        tpu.wait_dma2 semaphore(%arg10 : memref<!tpu.dma_semaphore, #tpu.memory_space<semaphore_mem>>) src(%arg3 : memref<64x8xf32, #tpu.memory_space<hbm>>) dst(%arg7 : memref<64x8xf32, #tpu.memory_space<vmem>>)
      } else {
      }
      %dma_start3A = arith.constant 0 : i32
      %dma_start3A_28 = tpu.memref_slice %arg6[%add3A_25, %dma_start3A] : memref<158x64xi32, #tpu.memory_space<vmem>> -> memref<1x64xi32, #tpu.memory_space<vmem>>
      %dma_start3A_29 = tpu.memref_squeeze %dma_start3A_28 : memref<1x64xi32, #tpu.memory_space<vmem>> -> memref<64xi32, #tpu.memory_space<vmem>>
      %dma_start3A_30 = arith.constant 0 : i32
      %dma_start3A_31 = arith.constant 0 : i32
      %dma_start3A_32 = tpu.memref_slice %arg9[%dma_start3A_30, %dma_start3A_31] : memref<10240x8xf32, #tpu.memory_space<vmem_shared>> -> memref<10240x8xf32, #tpu.memory_space<vmem_shared>>
      tpu.enqueue_indirect_dma source(%arg7 : memref<64x8xf32, #tpu.memory_space<vmem>>) target(%dma_start3A_32 : memref<10240x8xf32, #tpu.memory_space<vmem_shared>>) offsets(%dma_start3A_29 : memref<64xi32, #tpu.memory_space<vmem>>) semaphore(%arg10 : memref<!tpu.dma_semaphore, #tpu.memory_space<semaphore_mem>>) {add = true}
      %mul3A_33 = arith.constant 2 : i32
      %mul3A_34 = arith.muli %mul3A_33, %scan3A_21 : i32
      %add3A_35 = arith.constant 1 : i32
      %add3A_36 = arith.addi %mul3A_34, %add3A_35 : i32
      %gt3A_37 = arith.constant 0 : i32
      %gt3A_38 = arith.cmpi sgt, %scan3A_21, %gt3A_37 : i32
      %convert_element_type3A_39 = arith.extui %gt3A_38 : i1 to i32
      %cond3A_40 = arith.constant 0 : i32
      %cond3A_41 = arith.cmpi ne, %convert_element_type3A_39, %cond3A_40 : i32
      scf.if %cond3A_41 {
        tpu.wait_dma2 semaphore(%arg11 : memref<!tpu.dma_semaphore, #tpu.memory_space<semaphore_mem>>) src(%arg3 : memref<64x8xf32, #tpu.memory_space<hbm>>) dst(%arg7 : memref<64x8xf32, #tpu.memory_space<vmem>>)
      } else {
      }
      %dma_start3A_42 = arith.constant 0 : i32
      %dma_start3A_43 = tpu.memref_slice %arg6[%add3A_36, %dma_start3A_42] : memref<158x64xi32, #tpu.memory_space<vmem>> -> memref<1x64xi32, #tpu.memory_space<vmem>>
      %dma_start3A_44 = tpu.memref_squeeze %dma_start3A_43 : memref<1x64xi32, #tpu.memory_space<vmem>> -> memref<64xi32, #tpu.memory_space<vmem>>
      %dma_start3A_45 = arith.constant 0 : i32
      %dma_start3A_46 = arith.constant 0 : i32
      %dma_start3A_47 = tpu.memref_slice %arg9[%dma_start3A_45, %dma_start3A_46] : memref<10240x8xf32, #tpu.memory_space<vmem_shared>> -> memref<10240x8xf32, #tpu.memory_space<vmem_shared>>
      tpu.enqueue_indirect_dma source(%arg7 : memref<64x8xf32, #tpu.memory_space<vmem>>) target(%dma_start3A_47 : memref<10240x8xf32, #tpu.memory_space<vmem_shared>>) offsets(%dma_start3A_44 : memref<64xi32, #tpu.memory_space<vmem>>) semaphore(%arg11 : memref<!tpu.dma_semaphore, #tpu.memory_space<semaphore_mem>>) {add = true}
    }
    %scan3A_13 = arith.constant 79 : i32
    tpu.wait_dma2 semaphore(%arg10 : memref<!tpu.dma_semaphore, #tpu.memory_space<semaphore_mem>>) src(%arg3 : memref<64x8xf32, #tpu.memory_space<hbm>>) dst(%arg7 : memref<64x8xf32, #tpu.memory_space<vmem>>)
    tpu.wait_dma2 semaphore(%arg11 : memref<!tpu.dma_semaphore, #tpu.memory_space<semaphore_mem>>) src(%arg3 : memref<64x8xf32, #tpu.memory_space<hbm>>) dst(%arg7 : memref<64x8xf32, #tpu.memory_space<vmem>>)
    %barrier3A_14 = arith.constant 0 : index
    tpu.barrier barrier_id(%barrier3A_14)
    %scan3A_15 = arith.constant 0 : i32
    %scan3A_16 = arith.constant 0 : i32
    %scan3A_17 = arith.constant 10 : i32
    %scan3A_18 = arith.addi %scan3A_16, %scan3A_17 : i32
    %scan3A_19 = arith.constant 1 : i32
    scf.for %scan3A_21 = %scan3A_16 to %scan3A_18 step %scan3A_19  : i32 {
      %mul3A_22 = arith.constant 64 : i32
      %mul3A_23 = arith.muli %scan3A_21, %mul3A_22 : i32
      %add3A_24 = arith.addi %mul3A_2, %mul3A_23 : i32
      "tpu.region"() ({
        %run_scoped3A = tpu.sem_alloc : memref<!tpu.dma_semaphore, #tpu.memory_space<semaphore_mem>>
        %dma_start3A = arith.constant 0 : i32
        %dma_start3A_25 = tpu.memref_slice %arg9[%add3A_24, %dma_start3A] : memref<10240x8xf32, #tpu.memory_space<vmem_shared>> -> memref<64x8xf32, #tpu.memory_space<vmem_shared>>
        %dma_start3A_26 = arith.constant 0 : i32
        %dma_start3A_27 = tpu.memref_slice %arg9[%add3A_24, %dma_start3A_26] : memref<10240x8xf32, #tpu.memory_space<vmem_shared>> -> memref<64x8xf32, #tpu.memory_space<vmem_shared>>
        tpu.enqueue_dma source(%dma_start3A_27 : memref<64x8xf32, #tpu.memory_space<vmem_shared>>) target(%arg8 : memref<64x8xf32, #tpu.memory_space<vmem>>) target_semaphore(%run_scoped3A : memref<!tpu.dma_semaphore, #tpu.memory_space<semaphore_mem>>)
        %dma_wait3A = arith.constant 0 : i32
        %dma_wait3A_28 = tpu.memref_slice %arg9[%add3A_24, %dma_wait3A] : memref<10240x8xf32, #tpu.memory_space<vmem_shared>> -> memref<64x8xf32, #tpu.memory_space<vmem_shared>>
        %dma_wait3A_29 = arith.constant 0 : i32
        %dma_wait3A_30 = tpu.memref_slice %arg9[%add3A_24, %dma_wait3A_29] : memref<10240x8xf32, #tpu.memory_space<vmem_shared>> -> memref<64x8xf32, #tpu.memory_space<vmem_shared>>
        tpu.wait_dma2 semaphore(%run_scoped3A : memref<!tpu.dma_semaphore, #tpu.memory_space<semaphore_mem>>) src(%dma_wait3A_30 : memref<64x8xf32, #tpu.memory_space<vmem_shared>>) dst(%arg8 : memref<64x8xf32, #tpu.memory_space<vmem>>)
        tpu.yield
      }) : () -> ()
      "tpu.region"() ({
        %run_scoped3A = tpu.sem_alloc : memref<!tpu.dma_semaphore, #tpu.memory_space<semaphore_mem>>
        %dma_start3A = arith.constant 0 : i32
        %dma_start3A_25 = tpu.memref_slice %arg5[%arg0, %add3A_24, %dma_start3A] : memref<2x10240x8xf32, #tpu.memory_space<hbm>> -> memref<1x64x8xf32, #tpu.memory_space<hbm>>
        %dma_start3A_26 = tpu.memref_squeeze %dma_start3A_25 : memref<1x64x8xf32, #tpu.memory_space<hbm>> -> memref<64x8xf32, #tpu.memory_space<hbm>>
        %dma_start3A_27 = arith.constant 0 : i32
        %dma_start3A_28 = tpu.memref_slice %arg5[%arg0, %add3A_24, %dma_start3A_27] : memref<2x10240x8xf32, #tpu.memory_space<hbm>> -> memref<1x64x8xf32, #tpu.memory_space<hbm>>
        %dma_start3A_29 = tpu.memref_squeeze %dma_start3A_28 : memref<1x64x8xf32, #tpu.memory_space<hbm>> -> memref<64x8xf32, #tpu.memory_space<hbm>>
        tpu.enqueue_dma source(%arg8 : memref<64x8xf32, #tpu.memory_space<vmem>>) target(%dma_start3A_29 : memref<64x8xf32, #tpu.memory_space<hbm>>) target_semaphore(%run_scoped3A : memref<!tpu.dma_semaphore, #tpu.memory_space<semaphore_mem>>)
        %dma_wait3A = arith.constant 0 : i32
        %dma_wait3A_30 = tpu.memref_slice %arg5[%arg0, %add3A_24, %dma_wait3A] : memref<2x10240x8xf32, #tpu.memory_space<hbm>> -> memref<1x64x8xf32, #tpu.memory_space<hbm>>
        %dma_wait3A_31 = tpu.memref_squeeze %dma_wait3A_30 : memref<1x64x8xf32, #tpu.memory_space<hbm>> -> memref<64x8xf32, #tpu.memory_space<hbm>>
        %dma_wait3A_32 = arith.constant 0 : i32
        %dma_wait3A_33 = tpu.memref_slice %arg5[%arg0, %add3A_24, %dma_wait3A_32] : memref<2x10240x8xf32, #tpu.memory_space<hbm>> -> memref<1x64x8xf32, #tpu.memory_space<hbm>>
        %dma_wait3A_34 = tpu.memref_squeeze %dma_wait3A_33 : memref<1x64x8xf32, #tpu.memory_space<hbm>> -> memref<64x8xf32, #tpu.memory_space<hbm>>
        tpu.wait_dma2 semaphore(%run_scoped3A : memref<!tpu.dma_semaphore, #tpu.memory_space<semaphore_mem>>) src(%arg8 : memref<64x8xf32, #tpu.memory_space<vmem>>) dst(%dma_wait3A_34 : memref<64x8xf32, #tpu.memory_space<hbm>>)
        tpu.yield
      }) : () -> ()
    }
    %scan3A_20 = arith.constant 10 : i32
    return
  }
}

module attributes {stable_mosaic.version = 14 : i64} {
  func.func @body(%arg0: i32, %arg1: memref<2000x128xf32, #tpu.memory_space<vmem>>, %arg2: memref<128x128xf32, #tpu.memory_space<vmem>>, %arg3: memref<128x128xf32, #tpu.memory_space<vmem>>, %arg4: memref<1x128xf32, #tpu.memory_space<vmem>>, %arg5: memref<2x2000x64xf32, #tpu.memory_space<vmem>>, %arg6: memref<2000x128xf32, #tpu.memory_space<vmem>>) attributes {dimension_semantics = [#tpu.dimension_semantics<arbitrary>], iteration_bounds = array<i64: 5>, scalar_prefetch = 0 : i64, scratch_operands = 0 : i64, tpu.core_type = #tpu.core_type<tc>, window_params = [{transform_indices = @transform_0, window_bounds = array<i64: 2000, 128>}, {pipeline_mode = #tpu.pipeline_mode<synchronous>, transform_indices = @transform_1, window_bounds = array<i64: 128, 128>}, {pipeline_mode = #tpu.pipeline_mode<synchronous>, transform_indices = @transform_2, window_bounds = array<i64: 128, 128>}, {pipeline_mode = #tpu.pipeline_mode<synchronous>, transform_indices = @transform_3, window_bounds = array<i64: 1, 128>}, {transform_indices = @transform_4, window_bounds = array<i64: 2, 2000, 64>}, {transform_indices = @transform_5, window_bounds = array<i64: 2000, 128>}]} {
    %get3A = arith.constant 0 : index
    %get3A_0 = arith.constant 0 : index
    %get3A_1 = vector.load %arg1[%get3A, %get3A_0] : memref<2000x128xf32, #tpu.memory_space<vmem>>, vector<2000x128xf32>
    %get3A_2 = arith.constant 0 : index
    %get3A_3 = arith.constant 0 : index
    %get3A_4 = vector.load %arg2[%get3A_2, %get3A_3] : memref<128x128xf32, #tpu.memory_space<vmem>>, vector<128x128xf32>
    %dot_general3A = arith.constant dense<0.000000e+00> : vector<2000x128xf32>
    %dot_general3A_5 = tpu.matmul %get3A_1, %get3A_4, %dot_general3A {dimension_numbers = #tpu.dot_dimension_numbers<[1], [0], [0], [1], [0, 0, 1, 1], [], []>, transpose_lhs_hint = false} : vector<2000x128xf32>, vector<128x128xf32>, vector<2000x128xf32> -> vector<2000x128xf32>
    %slice3A = vector.extract_strided_slice %dot_general3A_5 {offsets = [0, 0], sizes = [2000, 64], strides = [1, 1]} : vector<2000x128xf32> to vector<2000x64xf32>
    %swap3A = arith.constant 0 : index
    %swap3A_6 = arith.constant 0 : index
    %swap3A_7 = arith.constant 0 : index
    %swap3A_8 = vector.load %arg5[%swap3A, %swap3A_6, %swap3A_7] : memref<2x2000x64xf32, #tpu.memory_space<vmem>>, vector<1x2000x64xf32>
    %swap3A_9 = vector.shape_cast %swap3A_8 : vector<1x2000x64xf32> to vector<2000x64xf32>
    %swap3A_10 = vector.shape_cast %slice3A : vector<2000x64xf32> to vector<1x2000x64xf32>
    tpu.vector_store %arg5[%swap3A, %swap3A_6, %swap3A_7], %swap3A_10 {strides = array<i32>} : memref<2x2000x64xf32, #tpu.memory_space<vmem>>, vector<1x2000x64xf32>,
    %slice3A_11 = vector.extract_strided_slice %dot_general3A_5 {offsets = [0, 64], sizes = [2000, 64], strides = [1, 1]} : vector<2000x128xf32> to vector<2000x64xf32>
    %swap3A_12 = arith.constant 1 : index
    %swap3A_13 = arith.constant 0 : index
    %swap3A_14 = arith.constant 0 : index
    %swap3A_15 = vector.load %arg5[%swap3A_12, %swap3A_13, %swap3A_14] : memref<2x2000x64xf32, #tpu.memory_space<vmem>>, vector<1x2000x64xf32>
    %swap3A_16 = vector.shape_cast %swap3A_15 : vector<1x2000x64xf32> to vector<2000x64xf32>
    %swap3A_17 = vector.shape_cast %slice3A_11 : vector<2000x64xf32> to vector<1x2000x64xf32>
    tpu.vector_store %arg5[%swap3A_12, %swap3A_13, %swap3A_14], %swap3A_17 {strides = array<i32>} : memref<2x2000x64xf32, #tpu.memory_space<vmem>>, vector<1x2000x64xf32>,
    %get3A_18 = arith.constant 0 : index
    %get3A_19 = arith.constant 0 : index
    %get3A_20 = vector.load %arg3[%get3A_18, %get3A_19] : memref<128x128xf32, #tpu.memory_space<vmem>>, vector<128x128xf32>
    %dot_general3A_21 = arith.constant dense<0.000000e+00> : vector<2000x128xf32>
    %dot_general3A_22 = tpu.matmul %get3A_1, %get3A_20, %dot_general3A_21 {dimension_numbers = #tpu.dot_dimension_numbers<[1], [0], [0], [1], [0, 0, 1, 1], [], []>, transpose_lhs_hint = false} : vector<2000x128xf32>, vector<128x128xf32>, vector<2000x128xf32> -> vector<2000x128xf32>
    %get3A_23 = arith.constant 0 : index
    %get3A_24 = arith.constant 0 : index
    %get3A_25 = vector.load %arg4[%get3A_23, %get3A_24] : memref<1x128xf32, #tpu.memory_space<vmem>>, vector<1x128xf32>
    %add3A = vector.broadcast %get3A_25 : vector<1x128xf32> to vector<2000x128xf32>
    %add3A_26 = arith.addf %dot_general3A_22, %add3A : vector<2000x128xf32>
    %swap3A_27 = arith.constant 0 : index
    %swap3A_28 = arith.constant 0 : index
    %swap3A_29 = vector.load %arg6[%swap3A_27, %swap3A_28] : memref<2000x128xf32, #tpu.memory_space<vmem>>, vector<2000x128xf32>
    tpu.vector_store %arg6[%swap3A_27, %swap3A_28], %add3A_26 {strides = array<i32>} : memref<2000x128xf32, #tpu.memory_space<vmem>>, vector<2000x128xf32>,
    return
  }
  func.func @transform_0(%arg0: i32) -> (i32, i32) {
    %c0_i32 = arith.constant 0 : i32
    %c0_i32_0 = arith.constant 0 : i32
    return %arg0, %c0_i32 : i32, i32
  }
  func.func @transform_1(%arg0: i32) -> (i32, i32) {
    %c0_i32 = arith.constant 0 : i32
    %c0_i32_0 = arith.constant 0 : i32
    %c0_i32_1 = arith.constant 0 : i32
    return %c0_i32, %c0_i32_0 : i32, i32
  }
  func.func @transform_2(%arg0: i32) -> (i32, i32) {
    %c0_i32 = arith.constant 0 : i32
    %c0_i32_0 = arith.constant 0 : i32
    %c0_i32_1 = arith.constant 0 : i32
    return %c0_i32, %c0_i32_0 : i32, i32
  }
  func.func @transform_3(%arg0: i32) -> (i32, i32) {
    %c0_i32 = arith.constant 0 : i32
    %c0_i32_0 = arith.constant 0 : i32
    %c0_i32_1 = arith.constant 0 : i32
    return %c0_i32, %c0_i32_0 : i32, i32
  }
  func.func @transform_4(%arg0: i32) -> (i32, i32, i32) {
    %c0_i32 = arith.constant 0 : i32
    %c0_i32_0 = arith.constant 0 : i32
    %c0_i32_1 = arith.constant 0 : i32
    return %c0_i32, %arg0, %c0_i32_0 : i32, i32, i32
  }
  func.func @transform_5(%arg0: i32) -> (i32, i32) {
    %c0_i32 = arith.constant 0 : i32
    %c0_i32_0 = arith.constant 0 : i32
    return %arg0, %c0_i32 : i32, i32
  }
}

module attributes {stable_mosaic.version = 14 : i64} {
  func.func @body(%arg0: i32, %arg1: memref<2x2000x64xf32, #tpu.memory_space<vmem>>, %arg2: memref<2x2000x8xf32, #tpu.memory_space<vmem>>, %arg3: memref<2000x128xf32, #tpu.memory_space<vmem>>, %arg4: memref<128x256xf32, #tpu.memory_space<vmem>>, %arg5: memref<1x256xf32, #tpu.memory_space<vmem>>, %arg6: memref<2x2000x64xf32, #tpu.memory_space<vmem>>, %arg7: memref<2000x128xf32, #tpu.memory_space<vmem>>) attributes {dimension_semantics = [#tpu.dimension_semantics<arbitrary>], iteration_bounds = array<i64: 5>, scalar_prefetch = 0 : i64, scratch_operands = 0 : i64, tpu.core_type = #tpu.core_type<tc>, window_params = [{transform_indices = @transform_0, window_bounds = array<i64: 2, 2000, 64>}, {transform_indices = @transform_1, window_bounds = array<i64: 2, 2000, 8>}, {transform_indices = @transform_2, window_bounds = array<i64: 2000, 128>}, {pipeline_mode = #tpu.pipeline_mode<synchronous>, transform_indices = @transform_3, window_bounds = array<i64: 128, 256>}, {pipeline_mode = #tpu.pipeline_mode<synchronous>, transform_indices = @transform_4, window_bounds = array<i64: 1, 256>}, {transform_indices = @transform_5, window_bounds = array<i64: 2, 2000, 64>}, {transform_indices = @transform_6, window_bounds = array<i64: 2000, 128>}]} {
    %get3A = arith.constant 0 : index
    %get3A_0 = arith.constant 0 : index
    %get3A_1 = arith.constant 0 : index
    %get3A_2 = vector.load %arg2[%get3A, %get3A_0, %get3A_1] : memref<2x2000x8xf32, #tpu.memory_space<vmem>>, vector<1x2000x1xf32>
    %get3A_3 = vector.shape_cast %get3A_2 : vector<1x2000x1xf32> to vector<2000x1xf32>
    %get3A_4 = arith.constant 1 : index
    %get3A_5 = arith.constant 0 : index
    %get3A_6 = arith.constant 0 : index
    %get3A_7 = vector.load %arg2[%get3A_4, %get3A_5, %get3A_6] : memref<2x2000x8xf32, #tpu.memory_space<vmem>>, vector<1x2000x1xf32>
    %get3A_8 = vector.shape_cast %get3A_7 : vector<1x2000x1xf32> to vector<2000x1xf32>
    %add3A = arith.addf %get3A_3, %get3A_8 : vector<2000x1xf32>
    %max3A = arith.constant 1.000000e+00 : f32
    %max3A_9 = vector.broadcast %max3A : f32 to vector<2000x1xf32>
    %max3A_10 = arith.maximumf %add3A, %max3A_9 : vector<2000x1xf32>
    %div3A = arith.constant 1.000000e+00 : f32
    %div3A_11 = vector.broadcast %div3A : f32 to vector<2000x1xf32>
    %div3A_12 = arith.divf %div3A_11, %max3A_10 : vector<2000x1xf32>
    %get3A_13 = arith.constant 0 : index
    %get3A_14 = arith.constant 0 : index
    %get3A_15 = arith.constant 0 : index
    %get3A_16 = vector.load %arg1[%get3A_13, %get3A_14, %get3A_15] : memref<2x2000x64xf32, #tpu.memory_space<vmem>>, vector<1x2000x64xf32>
    %get3A_17 = vector.shape_cast %get3A_16 : vector<1x2000x64xf32> to vector<2000x64xf32>
    %get3A_18 = arith.constant 1 : index
    %get3A_19 = arith.constant 0 : index
    %get3A_20 = arith.constant 0 : index
    %get3A_21 = vector.load %arg1[%get3A_18, %get3A_19, %get3A_20] : memref<2x2000x64xf32, #tpu.memory_space<vmem>>, vector<1x2000x64xf32>
    %get3A_22 = vector.shape_cast %get3A_21 : vector<1x2000x64xf32> to vector<2000x64xf32>
    %concatenate3A = tpu.concatenate %get3A_17, %get3A_22 in 1 : vector<2000x64xf32>, vector<2000x64xf32> -> vector<2000x128xf32>
    %mul3A = vector.broadcast %div3A_12 : vector<2000x1xf32> to vector<2000x128xf32>
    %mul3A_23 = arith.mulf %concatenate3A, %mul3A : vector<2000x128xf32>
    %get3A_24 = arith.constant 0 : index
    %get3A_25 = arith.constant 0 : index
    %get3A_26 = vector.load %arg3[%get3A_24, %get3A_25] : memref<2000x128xf32, #tpu.memory_space<vmem>>, vector<2000x128xf32>
    %add3A_27 = arith.addf %mul3A_23, %get3A_26 : vector<2000x128xf32>
    %max3A_28 = arith.constant 0.000000e+00 : f32
    %max3A_29 = vector.broadcast %max3A_28 : f32 to vector<2000x128xf32>
    %max3A_30 = arith.maximumf %add3A_27, %max3A_29 : vector<2000x128xf32>
    %get3A_31 = arith.constant 0 : index
    %get3A_32 = arith.constant 0 : index
    %get3A_33 = vector.load %arg4[%get3A_31, %get3A_32] : memref<128x256xf32, #tpu.memory_space<vmem>>, vector<128x256xf32>
    %dot_general3A = arith.constant dense<0.000000e+00> : vector<2000x256xf32>
    %dot_general3A_34 = tpu.matmul %max3A_30, %get3A_33, %dot_general3A {dimension_numbers = #tpu.dot_dimension_numbers<[1], [0], [0], [1], [0, 0, 1, 1], [], []>, transpose_lhs_hint = false} : vector<2000x128xf32>, vector<128x256xf32>, vector<2000x256xf32> -> vector<2000x256xf32>
    %get3A_35 = arith.constant 0 : index
    %get3A_36 = arith.constant 0 : index
    %get3A_37 = vector.load %arg5[%get3A_35, %get3A_36] : memref<1x256xf32, #tpu.memory_space<vmem>>, vector<1x256xf32>
    %add3A_38 = vector.broadcast %get3A_37 : vector<1x256xf32> to vector<2000x256xf32>
    %add3A_39 = arith.addf %dot_general3A_34, %add3A_38 : vector<2000x256xf32>
    %slice3A = vector.extract_strided_slice %add3A_39 {offsets = [0, 0], sizes = [2000, 64], strides = [1, 1]} : vector<2000x256xf32> to vector<2000x64xf32>
    %swap3A = arith.constant 0 : index
    %swap3A_40 = arith.constant 0 : index
    %swap3A_41 = arith.constant 0 : index
    %swap3A_42 = vector.load %arg6[%swap3A, %swap3A_40, %swap3A_41] : memref<2x2000x64xf32, #tpu.memory_space<vmem>>, vector<1x2000x64xf32>
    %swap3A_43 = vector.shape_cast %swap3A_42 : vector<1x2000x64xf32> to vector<2000x64xf32>
    %swap3A_44 = vector.shape_cast %slice3A : vector<2000x64xf32> to vector<1x2000x64xf32>
    tpu.vector_store %arg6[%swap3A, %swap3A_40, %swap3A_41], %swap3A_44 {strides = array<i32>} : memref<2x2000x64xf32, #tpu.memory_space<vmem>>, vector<1x2000x64xf32>,
    %slice3A_45 = vector.extract_strided_slice %add3A_39 {offsets = [0, 64], sizes = [2000, 64], strides = [1, 1]} : vector<2000x256xf32> to vector<2000x64xf32>
    %swap3A_46 = arith.constant 1 : index
    %swap3A_47 = arith.constant 0 : index
    %swap3A_48 = arith.constant 0 : index
    %swap3A_49 = vector.load %arg6[%swap3A_46, %swap3A_47, %swap3A_48] : memref<2x2000x64xf32, #tpu.memory_space<vmem>>, vector<1x2000x64xf32>
    %swap3A_50 = vector.shape_cast %swap3A_49 : vector<1x2000x64xf32> to vector<2000x64xf32>
    %swap3A_51 = vector.shape_cast %slice3A_45 : vector<2000x64xf32> to vector<1x2000x64xf32>
    tpu.vector_store %arg6[%swap3A_46, %swap3A_47, %swap3A_48], %swap3A_51 {strides = array<i32>} : memref<2x2000x64xf32, #tpu.memory_space<vmem>>, vector<1x2000x64xf32>,
    %slice3A_52 = vector.extract_strided_slice %add3A_39 {offsets = [0, 128], sizes = [2000, 128], strides = [1, 1]} : vector<2000x256xf32> to vector<2000x128xf32>
    %swap3A_53 = arith.constant 0 : index
    %swap3A_54 = arith.constant 0 : index
    %swap3A_55 = vector.load %arg7[%swap3A_53, %swap3A_54] : memref<2000x128xf32, #tpu.memory_space<vmem>>, vector<2000x128xf32>
    tpu.vector_store %arg7[%swap3A_53, %swap3A_54], %slice3A_52 {strides = array<i32>} : memref<2000x128xf32, #tpu.memory_space<vmem>>, vector<2000x128xf32>,
    return
  }
  func.func @transform_0(%arg0: i32) -> (i32, i32, i32) {
    %c0_i32 = arith.constant 0 : i32
    %c0_i32_0 = arith.constant 0 : i32
    %c0_i32_1 = arith.constant 0 : i32
    return %c0_i32, %arg0, %c0_i32_0 : i32, i32, i32
  }
  func.func @transform_1(%arg0: i32) -> (i32, i32, i32) {
    %c0_i32 = arith.constant 0 : i32
    %c0_i32_0 = arith.constant 0 : i32
    %c0_i32_1 = arith.constant 0 : i32
    return %c0_i32, %arg0, %c0_i32_0 : i32, i32, i32
  }
  func.func @transform_2(%arg0: i32) -> (i32, i32) {
    %c0_i32 = arith.constant 0 : i32
    %c0_i32_0 = arith.constant 0 : i32
    return %arg0, %c0_i32 : i32, i32
  }
  func.func @transform_3(%arg0: i32) -> (i32, i32) {
    %c0_i32 = arith.constant 0 : i32
    %c0_i32_0 = arith.constant 0 : i32
    %c0_i32_1 = arith.constant 0 : i32
    return %c0_i32, %c0_i32_0 : i32, i32
  }
  func.func @transform_4(%arg0: i32) -> (i32, i32) {
    %c0_i32 = arith.constant 0 : i32
    %c0_i32_0 = arith.constant 0 : i32
    %c0_i32_1 = arith.constant 0 : i32
    return %c0_i32, %c0_i32_0 : i32, i32
  }
  func.func @transform_5(%arg0: i32) -> (i32, i32, i32) {
    %c0_i32 = arith.constant 0 : i32
    %c0_i32_0 = arith.constant 0 : i32
    %c0_i32_1 = arith.constant 0 : i32
    return %c0_i32, %arg0, %c0_i32_0 : i32, i32, i32
  }
  func.func @transform_6(%arg0: i32) -> (i32, i32) {
    %c0_i32 = arith.constant 0 : i32
    %c0_i32_0 = arith.constant 0 : i32
    return %arg0, %c0_i32 : i32, i32
  }
}

module attributes {stable_mosaic.version = 14 : i64} {
  func.func @body(%arg0: i32, %arg1: memref<2x2000x64xf32, #tpu.memory_space<vmem>>, %arg2: memref<2x2000x8xf32, #tpu.memory_space<vmem>>, %arg3: memref<2000x128xf32, #tpu.memory_space<vmem>>, %arg4: memref<128x8xf32, #tpu.memory_space<vmem>>, %arg5: memref<1x8xf32, #tpu.memory_space<vmem>>, %arg6: memref<2000x8xf32, #tpu.memory_space<vmem>>) attributes {dimension_semantics = [#tpu.dimension_semantics<arbitrary>], iteration_bounds = array<i64: 5>, scalar_prefetch = 0 : i64, scratch_operands = 0 : i64, tpu.core_type = #tpu.core_type<tc>, window_params = [{transform_indices = @transform_0, window_bounds = array<i64: 2, 2000, 64>}, {transform_indices = @transform_1, window_bounds = array<i64: 2, 2000, 8>}, {transform_indices = @transform_2, window_bounds = array<i64: 2000, 128>}, {pipeline_mode = #tpu.pipeline_mode<synchronous>, transform_indices = @transform_3, window_bounds = array<i64: 128, 8>}, {pipeline_mode = #tpu.pipeline_mode<synchronous>, transform_indices = @transform_4, window_bounds = array<i64: 1, 8>}, {transform_indices = @transform_5, window_bounds = array<i64: 2000, 8>}]} {
    %get3A = arith.constant 0 : index
    %get3A_0 = arith.constant 0 : index
    %get3A_1 = arith.constant 0 : index
    %get3A_2 = vector.load %arg2[%get3A, %get3A_0, %get3A_1] : memref<2x2000x8xf32, #tpu.memory_space<vmem>>, vector<1x2000x1xf32>
    %get3A_3 = vector.shape_cast %get3A_2 : vector<1x2000x1xf32> to vector<2000x1xf32>
    %get3A_4 = arith.constant 1 : index
    %get3A_5 = arith.constant 0 : index
    %get3A_6 = arith.constant 0 : index
    %get3A_7 = vector.load %arg2[%get3A_4, %get3A_5, %get3A_6] : memref<2x2000x8xf32, #tpu.memory_space<vmem>>, vector<1x2000x1xf32>
    %get3A_8 = vector.shape_cast %get3A_7 : vector<1x2000x1xf32> to vector<2000x1xf32>
    %add3A = arith.addf %get3A_3, %get3A_8 : vector<2000x1xf32>
    %max3A = arith.constant 1.000000e+00 : f32
    %max3A_9 = vector.broadcast %max3A : f32 to vector<2000x1xf32>
    %max3A_10 = arith.maximumf %add3A, %max3A_9 : vector<2000x1xf32>
    %div3A = arith.constant 1.000000e+00 : f32
    %div3A_11 = vector.broadcast %div3A : f32 to vector<2000x1xf32>
    %div3A_12 = arith.divf %div3A_11, %max3A_10 : vector<2000x1xf32>
    %get3A_13 = arith.constant 0 : index
    %get3A_14 = arith.constant 0 : index
    %get3A_15 = arith.constant 0 : index
    %get3A_16 = vector.load %arg1[%get3A_13, %get3A_14, %get3A_15] : memref<2x2000x64xf32, #tpu.memory_space<vmem>>, vector<1x2000x64xf32>
    %get3A_17 = vector.shape_cast %get3A_16 : vector<1x2000x64xf32> to vector<2000x64xf32>
    %get3A_18 = arith.constant 1 : index
    %get3A_19 = arith.constant 0 : index
    %get3A_20 = arith.constant 0 : index
    %get3A_21 = vector.load %arg1[%get3A_18, %get3A_19, %get3A_20] : memref<2x2000x64xf32, #tpu.memory_space<vmem>>, vector<1x2000x64xf32>
    %get3A_22 = vector.shape_cast %get3A_21 : vector<1x2000x64xf32> to vector<2000x64xf32>
    %concatenate3A = tpu.concatenate %get3A_17, %get3A_22 in 1 : vector<2000x64xf32>, vector<2000x64xf32> -> vector<2000x128xf32>
    %mul3A = vector.broadcast %div3A_12 : vector<2000x1xf32> to vector<2000x128xf32>
    %mul3A_23 = arith.mulf %concatenate3A, %mul3A : vector<2000x128xf32>
    %get3A_24 = arith.constant 0 : index
    %get3A_25 = arith.constant 0 : index
    %get3A_26 = vector.load %arg3[%get3A_24, %get3A_25] : memref<2000x128xf32, #tpu.memory_space<vmem>>, vector<2000x128xf32>
    %add3A_27 = arith.addf %mul3A_23, %get3A_26 : vector<2000x128xf32>
    %max3A_28 = arith.constant 0.000000e+00 : f32
    %max3A_29 = vector.broadcast %max3A_28 : f32 to vector<2000x128xf32>
    %max3A_30 = arith.maximumf %add3A_27, %max3A_29 : vector<2000x128xf32>
    %get3A_31 = arith.constant 0 : index
    %get3A_32 = arith.constant 0 : index
    %get3A_33 = vector.load %arg4[%get3A_31, %get3A_32] : memref<128x8xf32, #tpu.memory_space<vmem>>, vector<128x8xf32>
    %dot_general3A = arith.constant dense<0.000000e+00> : vector<2000x8xf32>
    %dot_general3A_34 = tpu.matmul %max3A_30, %get3A_33, %dot_general3A {dimension_numbers = #tpu.dot_dimension_numbers<[1], [0], [0], [1], [0, 0, 1, 1], [], []>, transpose_lhs_hint = false} : vector<2000x128xf32>, vector<128x8xf32>, vector<2000x8xf32> -> vector<2000x8xf32>
    %get3A_35 = arith.constant 0 : index
    %get3A_36 = arith.constant 0 : index
    %get3A_37 = vector.load %arg5[%get3A_35, %get3A_36] : memref<1x8xf32, #tpu.memory_space<vmem>>, vector<1x8xf32>
    %add3A_38 = vector.broadcast %get3A_37 : vector<1x8xf32> to vector<2000x8xf32>
    %add3A_39 = arith.addf %dot_general3A_34, %add3A_38 : vector<2000x8xf32>
    %swap3A = arith.constant 0 : index
    %swap3A_40 = arith.constant 0 : index
    %swap3A_41 = vector.load %arg6[%swap3A, %swap3A_40] : memref<2000x8xf32, #tpu.memory_space<vmem>>, vector<2000x8xf32>
    tpu.vector_store %arg6[%swap3A, %swap3A_40], %add3A_39 {strides = array<i32>} : memref<2000x8xf32, #tpu.memory_space<vmem>>, vector<2000x8xf32>,
    return
  }
  func.func @transform_0(%arg0: i32) -> (i32, i32, i32) {
    %c0_i32 = arith.constant 0 : i32
    %c0_i32_0 = arith.constant 0 : i32
    %c0_i32_1 = arith.constant 0 : i32
    return %c0_i32, %arg0, %c0_i32_0 : i32, i32, i32
  }
  func.func @transform_1(%arg0: i32) -> (i32, i32, i32) {
    %c0_i32 = arith.constant 0 : i32
    %c0_i32_0 = arith.constant 0 : i32
    %c0_i32_1 = arith.constant 0 : i32
    return %c0_i32, %arg0, %c0_i32_0 : i32, i32, i32
  }
  func.func @transform_2(%arg0: i32) -> (i32, i32) {
    %c0_i32 = arith.constant 0 : i32
    %c0_i32_0 = arith.constant 0 : i32
    return %arg0, %c0_i32 : i32, i32
  }
  func.func @transform_3(%arg0: i32) -> (i32, i32) {
    %c0_i32 = arith.constant 0 : i32
    %c0_i32_0 = arith.constant 0 : i32
    %c0_i32_1 = arith.constant 0 : i32
    return %c0_i32, %c0_i32_0 : i32, i32
  }
  func.func @transform_4(%arg0: i32) -> (i32, i32) {
    %c0_i32 = arith.constant 0 : i32
    %c0_i32_0 = arith.constant 0 : i32
    %c0_i32_1 = arith.constant 0 : i32
    return %c0_i32, %c0_i32_0 : i32, i32
  }
  func.func @transform_5(%arg0: i32) -> (i32, i32) {
    %c0_i32 = arith.constant 0 : i32
    %c0_i32_0 = arith.constant 0 : i32
    return %arg0, %c0_i32 : i32, i32
  }
}

module attributes {stable_mosaic.version = 14 : i64} {
  func.func @body(%arg0: i32, %arg1: memref<2x2000x8xf32, #tpu.memory_space<vmem>>, %arg2: memref<2x2000x8xf32, #tpu.memory_space<vmem>>, %arg3: memref<2000x8xf32, #tpu.memory_space<vmem>>, %arg4: memref<2000x1xf32, #tpu.memory_space<vmem>>) attributes {dimension_semantics = [#tpu.dimension_semantics<arbitrary>], iteration_bounds = array<i64: 5>, scalar_prefetch = 0 : i64, scratch_operands = 0 : i64, tpu.core_type = #tpu.core_type<tc>, window_params = [{transform_indices = @transform_0, window_bounds = array<i64: 2, 2000, 8>}, {transform_indices = @transform_1, window_bounds = array<i64: 2, 2000, 8>}, {transform_indices = @transform_2, window_bounds = array<i64: 2000, 8>}, {transform_indices = @transform_3, window_bounds = array<i64: 2000, 1>}]} {
    %get3A = arith.constant 0 : index
    %get3A_0 = arith.constant 0 : index
    %get3A_1 = arith.constant 0 : index
    %get3A_2 = vector.load %arg2[%get3A, %get3A_0, %get3A_1] : memref<2x2000x8xf32, #tpu.memory_space<vmem>>, vector<1x2000x1xf32>
    %get3A_3 = vector.shape_cast %get3A_2 : vector<1x2000x1xf32> to vector<2000x1xf32>
    %get3A_4 = arith.constant 1 : index
    %get3A_5 = arith.constant 0 : index
    %get3A_6 = arith.constant 0 : index
    %get3A_7 = vector.load %arg2[%get3A_4, %get3A_5, %get3A_6] : memref<2x2000x8xf32, #tpu.memory_space<vmem>>, vector<1x2000x1xf32>
    %get3A_8 = vector.shape_cast %get3A_7 : vector<1x2000x1xf32> to vector<2000x1xf32>
    %add3A = arith.addf %get3A_3, %get3A_8 : vector<2000x1xf32>
    %max3A = arith.constant 1.000000e+00 : f32
    %max3A_9 = vector.broadcast %max3A : f32 to vector<2000x1xf32>
    %max3A_10 = arith.maximumf %add3A, %max3A_9 : vector<2000x1xf32>
    %div3A = arith.constant 1.000000e+00 : f32
    %div3A_11 = vector.broadcast %div3A : f32 to vector<2000x1xf32>
    %div3A_12 = arith.divf %div3A_11, %max3A_10 : vector<2000x1xf32>
    %get3A_13 = arith.constant 0 : index
    %get3A_14 = arith.constant 0 : index
    %get3A_15 = arith.constant 0 : index
    %get3A_16 = vector.load %arg1[%get3A_13, %get3A_14, %get3A_15] : memref<2x2000x8xf32, #tpu.memory_space<vmem>>, vector<1x2000x1xf32>
    %get3A_17 = vector.shape_cast %get3A_16 : vector<1x2000x1xf32> to vector<2000x1xf32>
    %get3A_18 = arith.constant 1 : index
    %get3A_19 = arith.constant 0 : index
    %get3A_20 = arith.constant 0 : index
    %get3A_21 = vector.load %arg1[%get3A_18, %get3A_19, %get3A_20] : memref<2x2000x8xf32, #tpu.memory_space<vmem>>, vector<1x2000x1xf32>
    %get3A_22 = vector.shape_cast %get3A_21 : vector<1x2000x1xf32> to vector<2000x1xf32>
    %add3A_23 = arith.addf %get3A_17, %get3A_22 : vector<2000x1xf32>
    %mul3A = arith.mulf %add3A_23, %div3A_12 : vector<2000x1xf32>
    %get3A_24 = arith.constant 0 : index
    %get3A_25 = arith.constant 1 : index
    %get3A_26 = vector.load %arg3[%get3A_24, %get3A_25] : memref<2000x8xf32, #tpu.memory_space<vmem>>, vector<2000x1xf32>
    %add3A_27 = arith.addf %mul3A, %get3A_26 : vector<2000x1xf32>
    %swap3A = arith.constant 0 : index
    %swap3A_28 = arith.constant 0 : index
    %swap3A_29 = vector.load %arg4[%swap3A, %swap3A_28] : memref<2000x1xf32, #tpu.memory_space<vmem>>, vector<2000x1xf32>
    tpu.vector_store %arg4[%swap3A, %swap3A_28], %add3A_27 {strides = array<i32>} : memref<2000x1xf32, #tpu.memory_space<vmem>>, vector<2000x1xf32>,
    return
  }
  func.func @transform_0(%arg0: i32) -> (i32, i32, i32) {
    %c0_i32 = arith.constant 0 : i32
    %c0_i32_0 = arith.constant 0 : i32
    %c0_i32_1 = arith.constant 0 : i32
    return %c0_i32, %arg0, %c0_i32_0 : i32, i32, i32
  }
  func.func @transform_1(%arg0: i32) -> (i32, i32, i32) {
    %c0_i32 = arith.constant 0 : i32
    %c0_i32_0 = arith.constant 0 : i32
    %c0_i32_1 = arith.constant 0 : i32
    return %c0_i32, %arg0, %c0_i32_0 : i32, i32, i32
  }
  func.func @transform_2(%arg0: i32) -> (i32, i32) {
    %c0_i32 = arith.constant 0 : i32
    %c0_i32_0 = arith.constant 0 : i32
    return %arg0, %c0_i32 : i32, i32
  }
  func.func @transform_3(%arg0: i32) -> (i32, i32) {
    %c0_i32 = arith.constant 0 : i32
    %c0_i32_0 = arith.constant 0 : i32
    return %arg0, %c0_i32 : i32, i32
  }
}

</mosaic_0001>

<sc_bundles>
// kernel: kernel.10.cloned.1.call-start
scs
__scs_entry_jumppad:
0x0: {  	(pc) =	sbr.rel $0x88, $3  }
0x1: {  	(tag) =	ssettag $0x0;
	lr =	simm.s32 $0x1  }
0x2: {  	[smem:$0x3F96] =	sst lr;
	_ =	strace $0xD0000000  }
0x3: {  	_ = 	snop  }
0x4: {  	_ = 	snop  }
0x5: {  	_ = 	snop  }
0x6: {  	_ = 	snop  }
0x7: {  	_ = 	snop  }
__scs_overlays_trampoline_lowered:
0x8: {  	[smem:$0x3FA5] =	sst s0  }
0x9: {  	[smem:$0x3FA6] =	sst s1  }
0xa: {  	[smem:$0x3FA7] =	sst s2  }
0xb: {  	[smem:$0x3FA8] =	sst s3  }
0xc: {  	[smem:$0x3FA9] =	sst s4  }
0xd: {  	[smem:$0x3FAA] =	sst s5  }
0xe: {  	[smem:$0x3FAB] =	sst s6  }
0xf: {  	[smem:$0x3FAC] =	sst s7  }
0x10: {  	[smem:$0x3FAD] =	sst s8  }
0x11: {  	[smem:$0x3FAE] =	sst s9;
	s0 =	simm.s32 @!p0 $0x0  }
0x12: {  	s1 =	sld [smem:$0x3F94];
	s0 =	simm.s32 @p0 $0x1  }
0x13: {  	[smem:$0x3FAF] =	sst s0;
	s0 =	simm.s32 @!p1 $0x0  }
0x14: {  	s2 =	sld [smem:$0x3F93];
	s0 =	simm.s32 @p1 $0x1  }
0x15: {  	[smem:$0x3FB0] =	sst s0;
	s0 =	simm.s32 @!p2 $0x0  }
0x16: {  	s3 =	sld [smem:$0x3FDB];
	s0 =	simm.s32 @p2 $0x1  }
0x17: {  	s4 =	simm.s32 $0x1BF5;
	[smem:$0x3FB2] =	sst s0  }
0x18: {  	s0 =	sld [smem:$0x3F95];
	_ =	swait.ge [sflag:s4], $0x0  }
0x19: {  	s7 =	sld [smem:$0x3F96]  }
0x1a: {  	s8 =	sadd.s32 $0xFFFFE003, lr  }
0x1b: {  	s9 =	sadd.s32 $0xFFFFFEF7, lr;
	s5 =	simm.s32 $0xFFFFFFFF;
	p2 =	slt.u32 s8, $0xFFFFF086  }
0x1c: {  	p1 =	slt.u32 s9, $0xF7A;
	s5 =	simm.s32 @!p2 $0x0  }
0x1d: {  	s5 =	simm.s32 @p1 $0x1;
	p0 =	seq.s32 s7, s2  }
0x1e: {  	s7 =	smul.u32 @!p0 $0xF7A, s2;
	p2 =	seq.s32 @!p0 s5, $0x0  }
0x1f: {  	s9 =	smul.u32 $0xF7A, s1;
	s8 =	simm.s32 @!p0 $0x1BF5;
	p2 =	por !p2, p0  }
0x20: {  	[sflag:s8] =	ssyncset.s32 @!p0 $0xFFFFF086;
	s6 =	sadd.s32 @!p0 s3, s7;
	s7 =	simm.s32 @!p0 $0x108  }
0x21: {  	s3 =	sadd.s32 s3, s9;
	s6 =	sadd.s32 @!p0 $0x88, s6;
	s7 =	simm.s32 @p2 $0x1082  }
0x22: {  	[simem:s7], [sflag:s8] =	dma.local @!p0 [hbm:s6], $0xF7A  }
0x23: {  	s9 =	sor.u32 $0xD0000000, s2;
	s6 =	simm.s32 $0x108;
	_ =	swait.ge @!p0 [sflag:s8], $0x0  }
0x24: {  	s3 =	sadd.s32 $0x88, s3;
	s6 =	simm.s32 @!p1 $0x1082;
	[sflag:s4] =	ssyncset.s32 $0xFFFFF086  }
0x25: {  	[simem:s6], [sflag:s4] =	dma.local [hbm:s3], $0xF7A  }
0x26: {  	[smem:$0x3F96] =	sst s1;
	(tag) =	ssettag s2;
	_ =	strace s9  }
0x27: {  	s1 =	sld [smem:$0x3FA6]  }
0x28: {  	s2 =	sld [smem:$0x3FA7]  }
0x29: {  	s4 =	sld [smem:$0x3FA9]  }
0x2a: {  	p0 =	seq.s32 s5, $0x0;
	s5 =	sld [smem:$0x3FAA]  }
0x2b: {  	s6 =	sld [smem:$0x3FAB]  }
0x2c: {  	s7 =	sld [smem:$0x3FAC]  }
0x2d: {  	s3 =	simm.s32 $0x108;
	s8 =	sld [smem:$0x3FAD]  }
0x2e: {  	s3 =	simm.s32 @!p0 $0x1082;
	s9 =	sld [smem:$0x3FAE]  }
0x2f: {  	lr =	sadd.s32 s0, s3;
	s0 =	sld [smem:$0x3FA5]  }
0x30: {  	s3 =	sld [smem:$0x3FA8]  }
0x31: {  	[smem:$0x3FB1] =	sst s10  }
0x32: {  	s10 =	sld [smem:$0x3FAF];
	_ =	sdelay $0x3  }
0x33: {  	p0 =	seq.s32 s10, $0x1;
	s10 =	sld [smem:$0x3FB1];
	_ =	sdelay $0x3  }
0x34: {  	[smem:$0x3FB1] =	sst s10  }
0x35: {  	s10 =	sld [smem:$0x3FB0];
	_ =	sdelay $0x3  }
0x36: {  	p1 =	seq.s32 s10, $0x1;
	s10 =	sld [smem:$0x3FB1];
	_ =	sdelay $0x3  }
0x37: {  	[smem:$0x3FB1] =	sst s10  }
0x38: {  	s10 =	sld [smem:$0x3FB2]  }
0x39: {  	_ = 	snop;
	(pc) =	sbr.ind lr, $3  }
0x3a: {  	_ = 	snop  }
0x3b: {  	_ = 	snop  }
0x3c: {  	p2 =	seq.s32 s10, $0x1;
	s10 =	sld [smem:$0x3FB1]  }
0x3d: {  	_ =	shalt  }
0x3e: {  	_ =	shalt  }
0x3f: {  	_ =	shalt  }
0x40: {  	_ =	shalt  }
0x41: {  	_ =	shalt  }
0x42: {  	_ =	shalt  }
0x43: {  	_ =	shalt  }
0x44: {  	_ =	shalt  }
0x45: {  	_ =	shalt  }
0x46: {  	_ =	shalt  }
0x47: {  	_ =	shalt  }
0x48: {  	_ =	shalt  }
0x49: {  	_ =	shalt  }
0x4a: {  	_ =	shalt  }
0x4b: {  	_ =	shalt  }
0x4c: {  	_ =	shalt  }
0x4d: {  	_ =	shalt  }
0x4e: {  	_ =	shalt  }
0x4f: {  	_ =	shalt  }
0x50: {  	_ =	shalt  }
0x51: {  	_ =	shalt  }
0x52: {  	_ =	shalt  }
0x53: {  	_ =	shalt  }
0x54: {  	_ =	shalt  }
0x55: {  	_ =	shalt  }
0x56: {  	_ =	shalt  }
0x57: {  	_ =	shalt  }
0x58: {  	_ =	shalt  }
0x59: {  	_ =	shalt  }
0x5a: {  	_ =	shalt  }
0x5b: {  	_ =	shalt  }
0x5c: {  	_ =	shalt  }
0x5d: {  	_ =	shalt  }
0x5e: {  	_ =	shalt  }
0x5f: {  	_ =	shalt  }
0x60: {  	_ =	shalt  }
0x61: {  	_ =	shalt  }
0x62: {  	_ =	shalt  }
0x63: {  	_ =	shalt  }
0x64: {  	_ =	shalt  }
0x65: {  	_ =	shalt  }
0x66: {  	_ =	shalt  }
0x67: {  	_ =	shalt  }
0x68: {  	_ =	shalt  }
0x69: {  	_ =	shalt  }
0x6a: {  	_ =	shalt  }
0x6b: {  	_ =	shalt  }
0x6c: {  	_ =	shalt  }
0x6d: {  	_ =	shalt  }
0x6e: {  	_ =	shalt  }
0x6f: {  	_ =	shalt  }
0x70: {  	_ =	shalt  }
0x71: {  	_ =	shalt  }
0x72: {  	_ =	shalt  }
0x73: {  	_ =	shalt  }
0x74: {  	_ =	shalt  }
0x75: {  	_ =	shalt  }
0x76: {  	_ =	shalt  }
0x77: {  	_ =	shalt  }
0x78: {  	_ =	shalt  }
0x79: {  	_ =	shalt  }
0x7a: {  	_ =	shalt  }
0x7b: {  	_ =	shalt  }
0x7c: {  	_ =	shalt  }
0x7d: {  	_ =	shalt  }
0x7e: {  	_ =	shalt  }
0x7f: {  	_ =	shalt  }
0x80: {  	_ =	shalt  }
0x81: {  	_ =	shalt  }
0x82: {  	_ =	shalt  }
0x83: {  	_ =	shalt  }
0x84: {  	_ =	shalt  }
0x85: {  	_ =	shalt  }
0x86: {  	_ =	shalt  }
0x87: {  	_ =	shalt  }
.Lfunc_end0:
.L_simem_size_0:
called_computation_lowered:
.L_overlay_start_0:
0x88: {  	s2 =	sld [smem:$0x3FD9]  }
0x89: {  	s3 =	sld [smem:$0x3FFE];
	_ =	sdelay $0x1  }
0x8a: {  	s1 =	srdreg.scid  }
0x8b: {  	s0 =	sand.u32 $0x1, s1  }
0x8c: {  	s17 =	sshll.u32 s0, $0xA;
	s2 =	sadd.s32 s3, s2  }
0x8d: {  	s2 =	sadd.s32 s2, s17  }
0x8e: {  	[smem:$0x3FBD] =	sst s2  }
0x8f: {  	_ = 	snop  }
0x90: {  	(tm) =	ssettm $0x1  }
0x91: {  	s18 =	sld [smem:$0x3FFB];
	_ =	sdelay $0x3  }
0x92: {  	_ =	strace s18  }
0x93: {  	s2 =	sld [smem:$0x3FFC];
	_ =	sdelay $0x3  }
0x94: {  	_ =	strace s2  }
0x95: {  	s2 =	sld [smem:$0x3FFD];
	_ =	sdelay $0x3  }
0x96: {  	_ =	strace s2  }
0x97: {  	_ =	strace $0x8FFFFFFF  }
0x98: {  	s19 =	sld [smem:$0x3FDB];
	_ =	sdelay $0x1  }
0x99: {  	s20 =	simm.s32 $_scs_section_size  }
0x9a: {  	s4 =	simm.s32 $_size__tile_overlayer_lowered;
	s5 =	simm.s32 $_tile_overlayer_lowered  }
0x9b: {  	s6 =	simm.s32 $0x1BFF;
	s21 =	sshll.u32 s5, $0x1;
	s3 =	sadd.s32 s20, s19  }
0x9c: {  	s22 =	simm.s32 $0x0;
	s4 =	sshll.u32 s4, $0x1;
	s5 =	sadd.s32 s21, s3  }
0x9d: {  	[timem:s22], [sflag:s6] =	dma.local [hbm:s5], s4  }
0x9e: {  	_ =	swait.ge [sflag:s6], s4  }
0x9f: {  	s4 =	ssub.s32 $0x0, s4;
	[sflag:s6] =	ssyncset.done $0x0  }
0xa0: {  	[sflag:s6] =	ssyncadd.s32 s4;
	_ =	sdelay $0x1  }
0xa1: {  	s23 =	simm.s32 $0x1B8B  }
0xa2: {  	_ =	swait.ge [sflag:s23], $0x1  }
0xa3: {  	[sflag:s23] =	ssyncset.done $0x0  }
0xa4: {  	[sflag:s23] =	ssyncadd.s32 $0xFFFFFFFF  }
0xa5: {  	s4 =	sld [smem:$0x0]  }
0xa6: {  	s5 =	sand.u32 $0xFFFFFFFE, s1  }
0xa7: {  	p0 =	sne.s32 s1, s5  }
0xa8: {  	s5 =	sshll.u32 @p0 s5, $0xE  }
0xa9: {  	s5 =	sadd.s32 @p0 $0x11B8D, s5;
	s6 =	sshll.u32 @p0 s4, $0x11  }
0xaa: {  	s5 =	sor.u32 @p0 s6, s5  }
0xab: {  	[sflag:s5] =	ssyncadd.remote.s32 @p0 $0x1;
	_ =	sdelay $0x1  }
0xac: {  	s5 =	simm.s32 @p0 $0x1B8D  }
0xad: {  	_ =	swait.eq @p0 [sflag:s5], $0x1  }
0xae: {  	[sflag:s5] =	ssyncadd.s32 @p0 $0xFFFFFFFF  }
0xaf: {  	s6 =	sshll.u32 @!p0 s1, $0xE  }
0xb0: {  	s6 =	sor.u32 @!p0 $0x4000, s6;
	s5 =	simm.s32 @!p0 $0x1B8D  }
0xb1: {  	s4 =	sshll.u32 @!p0 s4, $0x11;
	s6 =	sadd.s32 @!p0 $0x11B8D, s6;
	_ =	swait.eq @!p0 [sflag:s5], $0x1  }
0xb2: {  	s4 =	sor.u32 @!p0 s4, s6;
	[sflag:s5] =	ssyncadd.s32 @!p0 $0xFFFFFFFF  }
0xb3: {  	s25 =	simm.s32 $0x1B8E;
	s24 =	sld [smem:$0x3FFE];
	[sflag:s4] =	ssyncadd.remote.s32 @!p0 $0x1  }
0xb4: {  	s26 =	simm.s32 $execute0_lowered;
	[smem:$0x3FD2] =	sst s25  }
0xb5: {  	s5 =	sshll.u32 s26, $0x1;
	_ =	strace $0x80000049;
	[dreg:$0x1] =	wrdreg $0xFFFFFFFF  }
0xb6: {  	s28 =	simm.s32 $_size_execute0_lowered;
	s3 =	sadd.s32 s3, s5;
	[dreg:$0x0] =	wrdreg $0x0  }
0xb7: {  	s5 =	sshll.u32 s28, $0x1;
	[dreg:$0x2] =	wrdreg s3  }
0xb8: {  	[dreg:$0x3] =	wrdreg s5  }
0xb9: {  	[dreg:$0x4] =	wrdreg $0xC0  }
0xba: {  	_ =	task [dreg:s22], $0x5FFFF  }
0xbb: {  	[dreg:$0x1] =	wrdreg $0xFFFFFFFF  }
0xbc: {  	[dreg:$0x0] =	wrdreg $0x60  }
0xbd: {  	[dreg:$0x2] =	wrdreg s24  }
0xbe: {  	[dreg:$0x3] =	wrdreg $0x2B800  }
0xbf: {  	[dreg:$0x4] =	wrdreg $0x9  }
0xc0: {  	_ =	task.clear_ibuf [dreg:s22], $0x5FFFF;
	_ =	strace $0x90000049  }
0xc1: {  	s29 =	simm.s32 $0x9;
	_ =	strace $0x8000004B  }
0xc2: {  	_ =	swait.ge [sflag:s29], $0x1  }
0xc3: {  	[sflag:s29] =	ssyncadd.s32 $0xFFFFFFFF  }
0xc4: {  	_ =	strace $0x9000004B  }
0xc5: {  	_ =	sfence  }
0xc6: {  	s30 =	sld [smem:$0x0];
	_ =	sdelay $0x2  }
0xc7: {  	s31 =	sshll.u32 s1, $0xD;
	s1 =	sshrl.u32 s1, $0x2  }
0xc8: {  	s4 =	sand.u32 $0x4000, s31;
	s1 =	sadd.s32 s1, s30  }
0xc9: {  	s0 =	sor.u32 s4, s0;
	s1 =	sshll.u32 s1, $0x11  }
0xca: {  	s0 =	sor.u32 s1, s0  }
0xcb: {  	s0 =	sadd.s32 $0x8F2B, s0  }
0xcc: {  	[sflag:s0] =	ssyncadd.remote.s32 $0x1  }
0xcd: {  	_ =	sfence.sel $0xFFFF  }
0xce: {  	[dreg:$0x0] =	wrdreg $0xFFFFFFFF;
	(pc) =	sbr.abs _section_cstart, $3  }
0xcf: {  	[dreg:$0x1] =	wrdreg $0xFFFFFFFF  }
0xd0: {  	_ =	task.clear_ibuf [dreg:s22], $0x2FFFF;
	_ =	strace $0x9FFFFFFF  }
0xd1: {  	(tm) =	ssettm $0x7FFFFFFF  }
tec
execute0_lowered:
.L_overlay_start_1:
0x0: {  	(tag) =	ssettag $0x1  }
0x1: {  	s0 =	rddreg [dreg:$0x0]  }
0x2: {  	s2 =	srdreg.scid;
	s16 =	stileid.u32  }
0x3: {  	s1 =	simm.s32 $0x0;
	s2 =	sand.u32 $0x1, s2;
	s4 =	smul.u32 $0x1400, s16  }
0x4: {  	s3 =	sshll.u32 s16, $0x1;
	[smem:$0x7FF] =	sst s1;
	s16 =	smul.u32 $0x5000, s16  }
0x5: {  	s3 =	sor.u32 s2, s3;
	s5 =	smul.u32 $0x14000, s2;
	s2 =	ssub.s32 $0x2, s2  }
0x6: {  	s6 =	sadd.s32 $0x70400, s0;
	s3 =	smul.u32 $0x4F0, s3;
	s7 =	sshrl.u32 s2, $0x1  }
0x7: {  	s9 =	sor.u32 $0x200, s4;
	s10 =	sadd.s32 $0x600, s4;
	s12 =	sadd.s32 $0x800, s4  }
0x8: {  	s22 =	sshrl.u32 s16, $0x2;
	s8 =	sadd.s32 s5, s4;
	s2 =	ssub.s32 s2, s7  }
0x9: {  	s24 =	sadd.s32 s5, s9;
	s11 =	sadd.s32 s5, s10;
	s13 =	sadd.s32 s5, s12  }
0xa: {  	s23 =	sshrl.u32 s8, $0x3;
	s25 =	sshrl.u32 s24, $0x3;
	s8 =	sadd.s32 $0x400, s4  }
0xb: {  	s11 =	sshrl.u32 s11, $0x3;
	s14 =	sshrl.u32 s13, $0x3;
	s7 =	sadd.s32 s6, s23  }
0xc: {  	s26 =	sadd.s32 s5, s8;
	[dreg:$0x3] =	wrdreg s7;
	s7 =	sadd.s32 s6, s25  }
0xd: {  	s13 =	sadd.s32 $0xA00, s4;
	[dreg:$0x4] =	wrdreg s7;
	s7 =	sshrl.u32 s26, $0x3  }
0xe: {  	s3 =	sadd.s32 s3, s0;
	s15 =	sadd.s32 s5, s13;
	s7 =	sadd.s32 s6, s7  }
0xf: {  	s23 =	sadd.s32 $0x70000, s0;
	s0 =	sadd.s32 $0x70200, s0;
	[dreg:$0x5] =	wrdreg s7  }
0x10: {  	s24 =	sadd.s32 $0x66200, s3;
	s7 =	sadd.s32 s6, s11;
	s11 =	rddreg [dreg:$0x1]  }
0x11: {  	s26 =	smax.u32 s2, $0x1;
	[dreg:$0x6] =	wrdreg s7;
	s7 =	sadd.s32 s6, s14  }
0x12: {  	s14 =	sadd.s32 $0xC00, s4;
	s16 =	sadd.s32 s22, s11;
	s25 =	sadd.s32 s4, s11  }
0x13: {  	s22 =	sadd.s32 s10, s11;
	[dreg:$0x7] =	wrdreg s7;
	s7 =	sshrl.u32 s15, $0x3  }
0x14: {  	s17 =	sadd.s32 s5, s14;
	s15 =	sadd.s32 $0xE00, s4;
	s30 =	sadd.s32 $0x200, s16  }
0x15: {  	s31 =	sadd.s32 $0x400, s16;
	s7 =	sadd.s32 s6, s7;
	s18 =	sshrl.u32 s17, $0x3  }
0x16: {  	s19 =	sadd.s32 s5, s15;
	s17 =	sadd.s32 $0x1000, s4;
	[dreg:$0x8] =	wrdreg s7  }
0x17: {  	s7 =	sadd.s32 s6, s18;
	s20 =	sshrl.u32 s19, $0x3;
	s21 =	sadd.s32 s5, s17  }
0x18: {  	s18 =	sadd.s32 $0x1200, s4;
	[dreg:$0x9] =	wrdreg s7;
	s7 =	sadd.s32 s6, s20  }
0x19: {  	s5 =	sadd.s32 s5, s18;
	[dreg:$0xa] =	wrdreg s7;
	s7 =	sshrl.u32 s21, $0x3  }
0x1a: {  	s10 =	sadd.s32 $0x600, s16;
	s5 =	sshrl.u32 s5, $0x3;
	s7 =	sadd.s32 s6, s7  }
0x1b: {  	s2 =	sadd.s32 $0xA00, s16;
	s5 =	sadd.s32 s6, s5;
	[dreg:$0xb] =	wrdreg s7  }
0x1c: {  	s3 =	sadd.s32 $0xC00, s16;
	s28 =	sadd.s32 s17, s11;
	[dreg:$0xc] =	wrdreg s5  }
0x1d: {  	s4 =	sadd.s32 $0xE00, s16;
	_ =	strace $0x8000004A;
	[dreg:$0xd] =	wrdreg s23  }
0x1e: {  	s20 =	sadd.s32 s9, s11;
	s29 =	sadd.s32 s18, s11;
	[dreg:$0xe] =	wrdreg s0  }
0x1f: {  	s9 =	simm.s32 $0x2780;
	s21 =	sadd.s32 s8, s11;
	[dreg:$0xf] =	wrdreg s24  }
0x20: {  	s8 =	simm.s32 $0x3;
	s6 =	sadd.s32 $0x1200, s16;
	[dreg:$0x10] =	wrdreg s25  }
0x21: {  	s5 =	sadd.s32 $0x1000, s16;
	s7 =	simm.s32 $0x2980;
	[dreg:$0x11] =	wrdreg s26  }
0x22: {  	s23 =	sadd.s32 s12, s11;
	s24 =	sadd.s32 s13, s11;
	s25 =	sadd.s32 s14, s11  }
0x23: {  	s26 =	sadd.s32 s15, s11;
	s0 =	sadd.s32 $0x800, s16;
	s12 =	simm.s32 $0x40  }
0x24: {  	s13 =	simm.s32 $0x1;
	s14 =	simm.s32 $0x2;
	s15 =	simm.s32 $0x0  }
.LBB2_1:
0x25: {  	s17 =	rddreg [dreg:$0xd]  }
0x26: {  	[tilespmem:s7], [sflag:$0x3] =	stream.linear.gather [hbm4b:s17+s1], $0x200, $0x38;
	[tilespmem:$0x3F80] =	vst v63  }
0x27: {  	_ =	swait.ge [sflag:s8], $0x200  }
0x28: {  	[sflag:s8] =	ssyncset.done $0x0  }
0x29: {  	[sflag:s8] =	ssyncadd.s32 $0xFFFFFE00  }
0x2a: {  	[spmem:s16] =	stream.linear.scatter [tilespmem:s7], [sflag:$0x3], $0x200, $0x38;
	[tilespmem:$0x3F80] =	vst v63  }
0x2b: {  	_ =	swait.ge [sflag:s8], $0x200  }
0x2c: {  	[sflag:s8] =	ssyncset.done $0x0  }
0x2d: {  	[sflag:s8] =	ssyncadd.s32 $0xFFFFFE00  }
0x2e: {  	[spmem:s30] =	stream.linear.scatter [tilespmem:s7], [sflag:$0x3], $0x200, $0x38;
	[tilespmem:$0x3F80] =	vst v63  }
0x2f: {  	_ =	swait.ge [sflag:s8], $0x200  }
0x30: {  	[sflag:s8] =	ssyncset.done $0x0  }
0x31: {  	[sflag:s8] =	ssyncadd.s32 $0xFFFFFE00  }
0x32: {  	[spmem:s31] =	stream.linear.scatter [tilespmem:s7], [sflag:$0x3], $0x200, $0x38;
	[tilespmem:$0x3F80] =	vst v63  }
0x33: {  	_ =	swait.ge [sflag:s8], $0x200  }
0x34: {  	[sflag:s8] =	ssyncset.done $0x0  }
0x35: {  	[sflag:s8] =	ssyncadd.s32 $0xFFFFFE00  }
0x36: {  	[spmem:s10] =	stream.linear.scatter [tilespmem:s7], [sflag:$0x3], $0x200, $0x38;
	[tilespmem:$0x3F80] =	vst v63  }
0x37: {  	_ =	swait.ge [sflag:s8], $0x200  }
0x38: {  	[sflag:s8] =	ssyncset.done $0x0  }
0x39: {  	[sflag:s8] =	ssyncadd.s32 $0xFFFFFE00  }
0x3a: {  	[spmem:s0] =	stream.linear.scatter [tilespmem:s7], [sflag:$0x3], $0x200, $0x38;
	[tilespmem:$0x3F80] =	vst v63  }
0x3b: {  	_ =	swait.ge [sflag:s8], $0x200  }
0x3c: {  	[sflag:s8] =	ssyncset.done $0x0  }
0x3d: {  	[sflag:s8] =	ssyncadd.s32 $0xFFFFFE00  }
0x3e: {  	[spmem:s2] =	stream.linear.scatter [tilespmem:s7], [sflag:$0x3], $0x200, $0x38;
	[tilespmem:$0x3F80] =	vst v63  }
0x3f: {  	_ =	swait.ge [sflag:s8], $0x200  }
0x40: {  	[sflag:s8] =	ssyncset.done $0x0  }
0x41: {  	[sflag:s8] =	ssyncadd.s32 $0xFFFFFE00  }
0x42: {  	[spmem:s3] =	stream.linear.scatter [tilespmem:s7], [sflag:$0x3], $0x200, $0x38;
	[tilespmem:$0x3F80] =	vst v63  }
0x43: {  	_ =	swait.ge [sflag:s8], $0x200  }
0x44: {  	[sflag:s8] =	ssyncset.done $0x0  }
0x45: {  	[sflag:s8] =	ssyncadd.s32 $0xFFFFFE00  }
0x46: {  	[spmem:s4] =	stream.linear.scatter [tilespmem:s7], [sflag:$0x3], $0x200, $0x38;
	[tilespmem:$0x3F80] =	vst v63  }
0x47: {  	_ =	swait.ge [sflag:s8], $0x200  }
0x48: {  	[sflag:s8] =	ssyncset.done $0x0  }
0x49: {  	[sflag:s8] =	ssyncadd.s32 $0xFFFFFE00  }
0x4a: {  	[spmem:s5] =	stream.linear.scatter [tilespmem:s7], [sflag:$0x3], $0x200, $0x38;
	[tilespmem:$0x3F80] =	vst v63  }
0x4b: {  	_ =	swait.ge [sflag:s8], $0x200  }
0x4c: {  	[sflag:s8] =	ssyncset.done $0x0  }
0x4d: {  	[sflag:s8] =	ssyncadd.s32 $0xFFFFFE00  }
0x4e: {  	[spmem:s6] =	stream.linear.scatter [tilespmem:s7], [sflag:$0x3], $0x200, $0x38;
	[tilespmem:$0x3F80] =	vst v63  }
0x4f: {  	_ =	swait.ge [sflag:s8], $0x200  }
0x50: {  	[sflag:s8] =	ssyncset.done $0x0  }
0x51: {  	s19 =	rddreg [dreg:$0xe];
	[sflag:s8] =	ssyncadd.s32 $0xFFFFFE00  }
0x52: {  	[tilespmem:s9], [sflag:$0x3] =	stream.linear.gather [hbm4b:s19+s1], $0x200, $0x38;
	[tilespmem:$0x3F80] =	vst v63  }
0x53: {  	_ =	swait.ge [sflag:s8], $0x200  }
0x54: {  	[sflag:s8] =	ssyncset.done $0x0  }
0x55: {  	s18 =	rddreg [dreg:$0xf];
	[sflag:s8] =	ssyncadd.s32 $0xFFFFFE00  }
0x56: {  	[tilespmem:s1], [sflag:$0x3] =	stream.linear.gather [hbm4b:s18+s1], $0x2780, $0x38;
	[tilespmem:$0x3F80] =	vst v63  }
0x57: {  	_ =	swait.ge [sflag:s8], $0x2780  }
0x58: {  	[sflag:s8] =	ssyncset.done $0x0  }
0x59: {  	[sflag:s8] =	ssyncadd.s32 $0xFFFFD880  }
0x5a: {  	[bflag:$0x0] =	sbarrier.arrive $0xFFFF  }
0x5b: {  	[spmem:s11] =	stream.indirect.scatter.add.f32 [tilespmem:s9], [sflag:$0x1], $0x8, s1, s12, $0xb8;
	[tilespmem:$0x3F80] =	vst v63  }
0x5c: {  	_ = 	snop  }
0x5d: {  	[spmem:s11] =	stream.indirect.scatter.add.f32 [tilespmem:s9], [sflag:$0x2], $0x8, s12, s12, $0xb8;
	[tilespmem:$0x3F80] =	vst v63  }
0x5e: {  	_ =	swait.ge [sflag:s13], $0x200  }
0x5f: {  	[sflag:s13] =	ssyncset.done $0x0  }
0x60: {  	s19 =	simm.s32 $0x80;
	[sflag:s13] =	ssyncadd.s32 $0xFFFFFE00  }
0x61: {  	[spmem:s11] =	stream.indirect.scatter.add.f32 [tilespmem:s9], [sflag:$0x1], $0x8, s19, s12, $0xb8;
	[tilespmem:$0x3F80] =	vst v63  }
0x62: {  	_ =	swait.ge [sflag:s14], $0x200  }
0x63: {  	[sflag:s14] =	ssyncset.done $0x0  }
0x64: {  	s17 =	simm.s32 $0xFFFF6600;
	s18 =	simm.s32 $0xC0;
	[sflag:s14] =	ssyncadd.s32 $0xFFFFFE00  }
.LBB2_2:
0x65: {  	[spmem:s11] =	stream.indirect.scatter.add.f32 [tilespmem:s9], [sflag:$0x2], $0x8, s18, s12, $0xb8;
	[tilespmem:$0x3F80] =	vst v63  }
0x66: {  	s18 =	smov.u32 s17  }
0x67: {  	p0 =	sne.s32 s17, $0xFFFFFE00;
	s17 =	sadd.s32 $0x200, s17;
	_ =	swait.ge [sflag:s13], $0x200  }
0x68: {  	s18 =	sshra.s32 s18, $0x2;
	[sflag:s13] =	ssyncset.done $0x0  }
.Ltmp0:
0x69: {  	s19 =	sadd.s32 $0x2780, s18;
	[sflag:s13] =	ssyncadd.s32 $0xFFFFFE00;
	(pc) =	sbr.rel @p0 .LBB2_2-.Ltmp0, $4  }
0x6a: {  	[spmem:s11] =	stream.indirect.scatter.add.f32 [tilespmem:s9], [sflag:$0x1], $0x8, s19, s12, $0xb8;
	[tilespmem:$0x3F80] =	vst v63  }
0x6b: {  	_ =	swait.ge [sflag:s14], $0x200  }
0x6c: {  	[sflag:s14] =	ssyncset.done $0x0  }
0x6d: {  	s18 =	sadd.s32 $0x27C0, s18;
	[sflag:s14] =	ssyncadd.s32 $0xFFFFFE00  }
0x6e: {  	[spmem:s11] =	stream.indirect.scatter.add.f32 [tilespmem:s9], [sflag:$0x2], $0x8, s18, s12, $0xb8;
	[tilespmem:$0x3F80] =	vst v63  }
0x6f: {  	_ =	swait.ge [sflag:s13], $0x200  }
0x70: {  	[sflag:s13] =	ssyncset.done $0x0  }
0x71: {  	[sflag:s13] =	ssyncadd.s32 $0xFFFFFE00  }
0x72: {  	_ =	swait.ge [sflag:s14], $0x200  }
0x73: {  	[sflag:s14] =	ssyncset.done $0x0  }
0x74: {  	[sflag:s14] =	ssyncadd.s32 $0xFFFFFE00  }
0x75: {  	[bflag:$0x0] =	sbarrier.arrive $0xFFFF  }
0x76: {  	s17 =	rddreg [dreg:$0x10]  }
0x77: {  	[tilespmem:s7], [sflag:$0x3] =	stream.linear.gather [spmem:s17], $0x200, $0x38;
	[tilespmem:$0x3F80] =	vst v63  }
0x78: {  	_ =	swait.ge [sflag:s8], $0x200  }
0x79: {  	[sflag:s8] =	ssyncset.done $0x0  }
0x7a: {  	s19 =	rddreg [dreg:$0x3];
	[sflag:s8] =	ssyncadd.s32 $0xFFFFFE00  }
0x7b: {  	[hbm4b:s19+s1] =	stream.linear.scatter [tilespmem:s7], [sflag:$0x3], $0x200, $0x38;
	[tilespmem:$0x3F80] =	vst v63  }
0x7c: {  	_ =	swait.ge [sflag:s8], $0x200  }
0x7d: {  	[sflag:s8] =	ssyncset.done $0x0  }
0x7e: {  	[sflag:s8] =	ssyncadd.s32 $0xFFFFFE00  }
0x7f: {  	[tilespmem:s7], [sflag:$0x3] =	stream.linear.gather [spmem:s20], $0x200, $0x38;
	[tilespmem:$0x3F80] =	vst v63  }
0x80: {  	_ =	swait.ge [sflag:s8], $0x200  }
0x81: {  	[sflag:s8] =	ssyncset.done $0x0  }
0x82: {  	s18 =	rddreg [dreg:$0x4];
	[sflag:s8] =	ssyncadd.s32 $0xFFFFFE00  }
0x83: {  	[hbm4b:s18+s1] =	stream.linear.scatter [tilespmem:s7], [sflag:$0x3], $0x200, $0x38;
	[tilespmem:$0x3F80] =	vst v63  }
0x84: {  	_ =	swait.ge [sflag:s8], $0x200  }
0x85: {  	[sflag:s8] =	ssyncset.done $0x0  }
0x86: {  	[sflag:s8] =	ssyncadd.s32 $0xFFFFFE00  }
0x87: {  	[tilespmem:s7], [sflag:$0x3] =	stream.linear.gather [spmem:s21], $0x200, $0x38;
	[tilespmem:$0x3F80] =	vst v63  }
0x88: {  	_ =	swait.ge [sflag:s8], $0x200  }
0x89: {  	[sflag:s8] =	ssyncset.done $0x0  }
0x8a: {  	s19 =	rddreg [dreg:$0x5];
	[sflag:s8] =	ssyncadd.s32 $0xFFFFFE00  }
0x8b: {  	[hbm4b:s19+s1] =	stream.linear.scatter [tilespmem:s7], [sflag:$0x3], $0x200, $0x38;
	[tilespmem:$0x3F80] =	vst v63  }
0x8c: {  	_ =	swait.ge [sflag:s8], $0x200  }
0x8d: {  	[sflag:s8] =	ssyncset.done $0x0  }
0x8e: {  	[sflag:s8] =	ssyncadd.s32 $0xFFFFFE00  }
0x8f: {  	[tilespmem:s7], [sflag:$0x3] =	stream.linear.gather [spmem:s22], $0x200, $0x38;
	[tilespmem:$0x3F80] =	vst v63  }
0x90: {  	_ =	swait.ge [sflag:s8], $0x200  }
0x91: {  	[sflag:s8] =	ssyncset.done $0x0  }
0x92: {  	s18 =	rddreg [dreg:$0x6];
	[sflag:s8] =	ssyncadd.s32 $0xFFFFFE00  }
0x93: {  	[hbm4b:s18+s1] =	stream.linear.scatter [tilespmem:s7], [sflag:$0x3], $0x200, $0x38;
	[tilespmem:$0x3F80] =	vst v63  }
0x94: {  	_ =	swait.ge [sflag:s8], $0x200  }
0x95: {  	[sflag:s8] =	ssyncset.done $0x0  }
0x96: {  	[sflag:s8] =	ssyncadd.s32 $0xFFFFFE00  }
0x97: {  	[tilespmem:s7], [sflag:$0x3] =	stream.linear.gather [spmem:s23], $0x200, $0x38;
	[tilespmem:$0x3F80] =	vst v63  }
0x98: {  	_ =	swait.ge [sflag:s8], $0x200  }
0x99: {  	[sflag:s8] =	ssyncset.done $0x0  }
0x9a: {  	s19 =	rddreg [dreg:$0x7];
	[sflag:s8] =	ssyncadd.s32 $0xFFFFFE00  }
0x9b: {  	[hbm4b:s19+s1] =	stream.linear.scatter [tilespmem:s7], [sflag:$0x3], $0x200, $0x38;
	[tilespmem:$0x3F80] =	vst v63  }
0x9c: {  	_ =	swait.ge [sflag:s8], $0x200  }
0x9d: {  	[sflag:s8] =	ssyncset.done $0x0  }
0x9e: {  	[sflag:s8] =	ssyncadd.s32 $0xFFFFFE00  }
0x9f: {  	[tilespmem:s7], [sflag:$0x3] =	stream.linear.gather [spmem:s24], $0x200, $0x38;
	[tilespmem:$0x3F80] =	vst v63  }
0xa0: {  	_ =	swait.ge [sflag:s8], $0x200  }
0xa1: {  	[sflag:s8] =	ssyncset.done $0x0  }
0xa2: {  	s18 =	rddreg [dreg:$0x8];
	[sflag:s8] =	ssyncadd.s32 $0xFFFFFE00  }
0xa3: {  	[hbm4b:s18+s1] =	stream.linear.scatter [tilespmem:s7], [sflag:$0x3], $0x200, $0x38;
	[tilespmem:$0x3F80] =	vst v63  }
0xa4: {  	_ =	swait.ge [sflag:s8], $0x200  }
0xa5: {  	[sflag:s8] =	ssyncset.done $0x0  }
0xa6: {  	[sflag:s8] =	ssyncadd.s32 $0xFFFFFE00  }
0xa7: {  	[tilespmem:s7], [sflag:$0x3] =	stream.linear.gather [spmem:s25], $0x200, $0x38;
	[tilespmem:$0x3F80] =	vst v63  }
0xa8: {  	_ =	swait.ge [sflag:s8], $0x200  }
0xa9: {  	[sflag:s8] =	ssyncset.done $0x0  }
0xaa: {  	s19 =	rddreg [dreg:$0x9];
	[sflag:s8] =	ssyncadd.s32 $0xFFFFFE00  }
0xab: {  	[hbm4b:s19+s1] =	stream.linear.scatter [tilespmem:s7], [sflag:$0x3], $0x200, $0x38;
	[tilespmem:$0x3F80] =	vst v63  }
0xac: {  	_ =	swait.ge [sflag:s8], $0x200  }
0xad: {  	[sflag:s8] =	ssyncset.done $0x0  }
0xae: {  	[sflag:s8] =	ssyncadd.s32 $0xFFFFFE00  }
0xaf: {  	[tilespmem:s7], [sflag:$0x3] =	stream.linear.gather [spmem:s26], $0x200, $0x38;
	[tilespmem:$0x3F80] =	vst v63  }
0xb0: {  	_ =	swait.ge [sflag:s8], $0x200  }
0xb1: {  	[sflag:s8] =	ssyncset.done $0x0  }
0xb2: {  	s18 =	rddreg [dreg:$0xa];
	[sflag:s8] =	ssyncadd.s32 $0xFFFFFE00  }
0xb3: {  	[hbm4b:s18+s1] =	stream.linear.scatter [tilespmem:s7], [sflag:$0x3], $0x200, $0x38;
	[tilespmem:$0x3F80] =	vst v63  }
0xb4: {  	_ =	swait.ge [sflag:s8], $0x200  }
0xb5: {  	[sflag:s8] =	ssyncset.done $0x0  }
0xb6: {  	[sflag:s8] =	ssyncadd.s32 $0xFFFFFE00  }
0xb7: {  	[tilespmem:s7], [sflag:$0x3] =	stream.linear.gather [spmem:s28], $0x200, $0x38;
	[tilespmem:$0x3F80] =	vst v63  }
0xb8: {  	_ =	swait.ge [sflag:s8], $0x200  }
0xb9: {  	[sflag:s8] =	ssyncset.done $0x0  }
0xba: {  	s19 =	rddreg [dreg:$0xb];
	[sflag:s8] =	ssyncadd.s32 $0xFFFFFE00  }
0xbb: {  	[hbm4b:s19+s1] =	stream.linear.scatter [tilespmem:s7], [sflag:$0x3], $0x200, $0x38;
	[tilespmem:$0x3F80] =	vst v63  }
0xbc: {  	_ =	swait.ge [sflag:s8], $0x200  }
0xbd: {  	[sflag:s8] =	ssyncset.done $0x0  }
0xbe: {  	[sflag:s8] =	ssyncadd.s32 $0xFFFFFE00  }
0xbf: {  	[tilespmem:s7], [sflag:$0x3] =	stream.linear.gather [spmem:s29], $0x200, $0x38;
	[tilespmem:$0x3F80] =	vst v63  }
0xc0: {  	_ =	swait.ge [sflag:s8], $0x200  }
0xc1: {  	[sflag:s8] =	ssyncset.done $0x0  }
0xc2: {  	s18 =	rddreg [dreg:$0xc];
	[sflag:s8] =	ssyncadd.s32 $0xFFFFFE00  }
0xc3: {  	[hbm4b:s18+s1] =	stream.linear.scatter [tilespmem:s7], [sflag:$0x3], $0x200, $0x38;
	[tilespmem:$0x3F80] =	vst v63  }
0xc4: {  	_ =	swait.ge [sflag:s8], $0x200  }
0xc5: {  	s15 =	sadd.s32 $0x1, s15;
	s19 =	rddreg [dreg:$0x11]  }
0xc6: {  	p0 =	sne.s32 s15, s19  }
.Ltmp1:
0xc7: {  	_ = 	snop;
	(pc) =	sbr.rel @p0 .LBB2_1-.Ltmp1, $3  }
0xc8: {  	_ =	sdelay $0x1  }
0xc9: {  	[sflag:s8] =	ssyncset.done $0x0  }
0xca: {  	[sflag:s8] =	ssyncadd.s32 $0xFFFFFE00  }
0xcb: {  	_ =	sfence.sel $0x180000  }
0xcc: {  	[bflag:$0x0] =	sbarrier.arrive $0xFFFF  }
0xcd: {  	_ =	strace $0x9000004A  }
0xce: {  	s0 =	stileid.u32;
	[bflag:$0x2] =	sbarrier.arrive $0xFFFF  }
0xcf: {  	p0 =	sne.s32 s0, $0x0;
	s0 =	rddreg [dreg:$0x2]  }
0xd0: {  	s0 =	sadd.s32 @!p0 $0x100000, s0  }
0xd1: {  	[sflag:s0] =	ssyncadd.tile.s32 @!p0 $0x1;
	_ =	shalt  }
.Lfunc_end2:
_tile_overlayer_lowered:
.L_overlay_start_2:
0xd2: {  	(tag) =	ssettag $0x2  }
0xd3: {  	s0 =	rddreg [dreg:$0x0];
	s2 =	stileid.u32  }
0xd4: {  	s1 =	rddreg [dreg:$0x1];
	p0 =	sne.s32 s2, $0x0  }
0xd5: {  	s3 =	rddreg [dreg:$0x2];
	[bflag:$0x3] =	sbarrier.arrive $0xFFFF;
	s2 =	simm.s32 @!p0 $0x1C03  }
0xd6: {  	[timem:s3], [sflag:s2] =	dma.local @!p0 [hbm:s0], s1  }
0xd7: {  	s0 =	simm.s32 @!p0 $0x3  }
0xd8: {  	_ =	swait.ge @!p0 [sflag:s0], s1  }
0xd9: {  	s1 =	ssub.s32 @!p0 $0x0, s1;
	[sflag:s0] =	ssyncset.done @!p0 $0x0  }
0xda: {  	[sflag:s0] =	ssyncadd.s32 @!p0 s1  }
0xdb: {  	[bflag:$0x3] =	sbarrier.arrive $0xFFFF  }
0xdc: {  	_ =	shalt  }

// kernel: kernel.13.cloned.1.call-start
scs
__scs_entry_jumppad:
0x0: {  	(pc) =	sbr.rel $0x88, $3  }
0x1: {  	(tag) =	ssettag $0x0;
	lr =	simm.s32 $0x1  }
0x2: {  	[smem:$0x3F96] =	sst lr;
	_ =	strace $0xD0000000  }
0x3: {  	_ = 	snop  }
0x4: {  	_ = 	snop  }
0x5: {  	_ = 	snop  }
0x6: {  	_ = 	snop  }
0x7: {  	_ = 	snop  }
__scs_overlays_trampoline_lowered:
0x8: {  	[smem:$0x3FA5] =	sst s0  }
0x9: {  	[smem:$0x3FA6] =	sst s1  }
0xa: {  	[smem:$0x3FA7] =	sst s2  }
0xb: {  	[smem:$0x3FA8] =	sst s3  }
0xc: {  	[smem:$0x3FA9] =	sst s4  }
0xd: {  	[smem:$0x3FAA] =	sst s5  }
0xe: {  	[smem:$0x3FAB] =	sst s6  }
0xf: {  	[smem:$0x3FAC] =	sst s7  }
0x10: {  	[smem:$0x3FAD] =	sst s8  }
0x11: {  	[smem:$0x3FAE] =	sst s9;
	s0 =	simm.s32 @!p0 $0x0  }
0x12: {  	s1 =	sld [smem:$0x3F94];
	s0 =	simm.s32 @p0 $0x1  }
0x13: {  	[smem:$0x3FAF] =	sst s0;
	s0 =	simm.s32 @!p1 $0x0  }
0x14: {  	s2 =	sld [smem:$0x3F93];
	s0 =	simm.s32 @p1 $0x1  }
0x15: {  	[smem:$0x3FB0] =	sst s0;
	s0 =	simm.s32 @!p2 $0x0  }
0x16: {  	s3 =	sld [smem:$0x3FDB];
	s0 =	simm.s32 @p2 $0x1  }
0x17: {  	s4 =	simm.s32 $0x1BF5;
	[smem:$0x3FB2] =	sst s0  }
0x18: {  	s0 =	sld [smem:$0x3F95];
	_ =	swait.ge [sflag:s4], $0x0  }
0x19: {  	s7 =	sld [smem:$0x3F96]  }
0x1a: {  	s8 =	sadd.s32 $0xFFFFE003, lr  }
0x1b: {  	s9 =	sadd.s32 $0xFFFFFEF7, lr;
	s5 =	simm.s32 $0xFFFFFFFF;
	p2 =	slt.u32 s8, $0xFFFFF086  }
0x1c: {  	p1 =	slt.u32 s9, $0xF7A;
	s5 =	simm.s32 @!p2 $0x0  }
0x1d: {  	s5 =	simm.s32 @p1 $0x1;
	p0 =	seq.s32 s7, s2  }
0x1e: {  	s7 =	smul.u32 @!p0 $0xF7A, s2;
	p2 =	seq.s32 @!p0 s5, $0x0  }
0x1f: {  	s9 =	smul.u32 $0xF7A, s1;
	s8 =	simm.s32 @!p0 $0x1BF5;
	p2 =	por !p2, p0  }
0x20: {  	[sflag:s8] =	ssyncset.s32 @!p0 $0xFFFFF086;
	s6 =	sadd.s32 @!p0 s3, s7;
	s7 =	simm.s32 @!p0 $0x108  }
0x21: {  	s3 =	sadd.s32 s3, s9;
	s6 =	sadd.s32 @!p0 $0x88, s6;
	s7 =	simm.s32 @p2 $0x1082  }
0x22: {  	[simem:s7], [sflag:s8] =	dma.local @!p0 [hbm:s6], $0xF7A  }
0x23: {  	s9 =	sor.u32 $0xD0000000, s2;
	s6 =	simm.s32 $0x108;
	_ =	swait.ge @!p0 [sflag:s8], $0x0  }
0x24: {  	s3 =	sadd.s32 $0x88, s3;
	s6 =	simm.s32 @!p1 $0x1082;
	[sflag:s4] =	ssyncset.s32 $0xFFFFF086  }
0x25: {  	[simem:s6], [sflag:s4] =	dma.local [hbm:s3], $0xF7A  }
0x26: {  	[smem:$0x3F96] =	sst s1;
	(tag) =	ssettag s2;
	_ =	strace s9  }
0x27: {  	s1 =	sld [smem:$0x3FA6]  }
0x28: {  	s2 =	sld [smem:$0x3FA7]  }
0x29: {  	s4 =	sld [smem:$0x3FA9]  }
0x2a: {  	p0 =	seq.s32 s5, $0x0;
	s5 =	sld [smem:$0x3FAA]  }
0x2b: {  	s6 =	sld [smem:$0x3FAB]  }
0x2c: {  	s7 =	sld [smem:$0x3FAC]  }
0x2d: {  	s3 =	simm.s32 $0x108;
	s8 =	sld [smem:$0x3FAD]  }
0x2e: {  	s3 =	simm.s32 @!p0 $0x1082;
	s9 =	sld [smem:$0x3FAE]  }
0x2f: {  	lr =	sadd.s32 s0, s3;
	s0 =	sld [smem:$0x3FA5]  }
0x30: {  	s3 =	sld [smem:$0x3FA8]  }
0x31: {  	[smem:$0x3FB1] =	sst s10  }
0x32: {  	s10 =	sld [smem:$0x3FAF];
	_ =	sdelay $0x3  }
0x33: {  	p0 =	seq.s32 s10, $0x1;
	s10 =	sld [smem:$0x3FB1];
	_ =	sdelay $0x3  }
0x34: {  	[smem:$0x3FB1] =	sst s10  }
0x35: {  	s10 =	sld [smem:$0x3FB0];
	_ =	sdelay $0x3  }
0x36: {  	p1 =	seq.s32 s10, $0x1;
	s10 =	sld [smem:$0x3FB1];
	_ =	sdelay $0x3  }
0x37: {  	[smem:$0x3FB1] =	sst s10  }
0x38: {  	s10 =	sld [smem:$0x3FB2]  }
0x39: {  	_ = 	snop;
	(pc) =	sbr.ind lr, $3  }
0x3a: {  	_ = 	snop  }
0x3b: {  	_ = 	snop  }
0x3c: {  	p2 =	seq.s32 s10, $0x1;
	s10 =	sld [smem:$0x3FB1]  }
0x3d: {  	_ =	shalt  }
0x3e: {  	_ =	shalt  }
0x3f: {  	_ =	shalt  }
0x40: {  	_ =	shalt  }
0x41: {  	_ =	shalt  }
0x42: {  	_ =	shalt  }
0x43: {  	_ =	shalt  }
0x44: {  	_ =	shalt  }
0x45: {  	_ =	shalt  }
0x46: {  	_ =	shalt  }
0x47: {  	_ =	shalt  }
0x48: {  	_ =	shalt  }
0x49: {  	_ =	shalt  }
0x4a: {  	_ =	shalt  }
0x4b: {  	_ =	shalt  }
0x4c: {  	_ =	shalt  }
0x4d: {  	_ =	shalt  }
0x4e: {  	_ =	shalt  }
0x4f: {  	_ =	shalt  }
0x50: {  	_ =	shalt  }
0x51: {  	_ =	shalt  }
0x52: {  	_ =	shalt  }
0x53: {  	_ =	shalt  }
0x54: {  	_ =	shalt  }
0x55: {  	_ =	shalt  }
0x56: {  	_ =	shalt  }
0x57: {  	_ =	shalt  }
0x58: {  	_ =	shalt  }
0x59: {  	_ =	shalt  }
0x5a: {  	_ =	shalt  }
0x5b: {  	_ =	shalt  }
0x5c: {  	_ =	shalt  }
0x5d: {  	_ =	shalt  }
0x5e: {  	_ =	shalt  }
0x5f: {  	_ =	shalt  }
0x60: {  	_ =	shalt  }
0x61: {  	_ =	shalt  }
0x62: {  	_ =	shalt  }
0x63: {  	_ =	shalt  }
0x64: {  	_ =	shalt  }
0x65: {  	_ =	shalt  }
0x66: {  	_ =	shalt  }
0x67: {  	_ =	shalt  }
0x68: {  	_ =	shalt  }
0x69: {  	_ =	shalt  }
0x6a: {  	_ =	shalt  }
0x6b: {  	_ =	shalt  }
0x6c: {  	_ =	shalt  }
0x6d: {  	_ =	shalt  }
0x6e: {  	_ =	shalt  }
0x6f: {  	_ =	shalt  }
0x70: {  	_ =	shalt  }
0x71: {  	_ =	shalt  }
0x72: {  	_ =	shalt  }
0x73: {  	_ =	shalt  }
0x74: {  	_ =	shalt  }
0x75: {  	_ =	shalt  }
0x76: {  	_ =	shalt  }
0x77: {  	_ =	shalt  }
0x78: {  	_ =	shalt  }
0x79: {  	_ =	shalt  }
0x7a: {  	_ =	shalt  }
0x7b: {  	_ =	shalt  }
0x7c: {  	_ =	shalt  }
0x7d: {  	_ =	shalt  }
0x7e: {  	_ =	shalt  }
0x7f: {  	_ =	shalt  }
0x80: {  	_ =	shalt  }
0x81: {  	_ =	shalt  }
0x82: {  	_ =	shalt  }
0x83: {  	_ =	shalt  }
0x84: {  	_ =	shalt  }
0x85: {  	_ =	shalt  }
0x86: {  	_ =	shalt  }
0x87: {  	_ =	shalt  }
.Lfunc_end0:
.L_simem_size_0:
called_computation.1_lowered:
.L_overlay_start_0:
0x88: {  	s2 =	sld [smem:$0x3FD9]  }
0x89: {  	s3 =	sld [smem:$0x3FFE];
	_ =	sdelay $0x1  }
0x8a: {  	s1 =	srdreg.scid  }
0x8b: {  	s0 =	sand.u32 $0x1, s1  }
0x8c: {  	s17 =	sshll.u32 s0, $0xA;
	s2 =	sadd.s32 s3, s2  }
0x8d: {  	s2 =	sadd.s32 s2, s17  }
0x8e: {  	[smem:$0x3FBD] =	sst s2  }
0x8f: {  	_ = 	snop  }
0x90: {  	s2 =	sld [smem:$0x3FD0];
	(tm) =	ssettm $0x1  }
0x91: {  	s18 =	sld [smem:$0x3FFB];
	_ =	sdelay $0x3  }
0x92: {  	_ =	strace s18  }
0x93: {  	s3 =	sld [smem:$0x3FFC];
	_ =	sdelay $0x3  }
0x94: {  	_ =	strace s3  }
0x95: {  	s3 =	sld [smem:$0x3FFD];
	_ =	sdelay $0x3  }
0x96: {  	_ =	strace s3  }
0x97: {  	_ =	strace $0x8FFFFFFF  }
0x98: {  	s19 =	sld [smem:$0x3FDB];
	_ =	sdelay $0x1  }
0x99: {  	s4 =	simm.s32 $_scs_section_size  }
0x9a: {  	s5 =	simm.s32 $_size__tile_overlayer_lowered;
	s6 =	simm.s32 $_tile_overlayer_lowered  }
0x9b: {  	s22 =	simm.s32 $0x1BFF;
	s21 =	sshll.u32 s6, $0x1;
	s3 =	sadd.s32 s4, s19  }
0x9c: {  	s7 =	simm.s32 $0x0;
	s20 =	sshll.u32 s5, $0x1;
	s5 =	sadd.s32 s21, s3  }
0x9d: {  	[timem:s7], [sflag:s22] =	dma.local [hbm:s5], s20  }
0x9e: {  	_ =	swait.ge [sflag:s22], s20  }
0x9f: {  	s4 =	ssub.s32 $0x0, s20;
	[sflag:s22] =	ssyncset.done $0x0  }
0xa0: {  	[sflag:s22] =	ssyncadd.s32 s4;
	_ =	sdelay $0x1  }
0xa1: {  	s23 =	simm.s32 $0x1B8B  }
0xa2: {  	_ =	swait.ge [sflag:s23], $0x1  }
0xa3: {  	[sflag:s23] =	ssyncset.done $0x0  }
0xa4: {  	s25 =	simm.s32 $0x1B8E;
	s24 =	sld [smem:$0x3FFE];
	[sflag:s23] =	ssyncadd.s32 $0xFFFFFFFF  }
0xa5: {  	s26 =	simm.s32 $execute0_lowered;
	[smem:$0x3FD2] =	sst s25  }
0xa6: {  	s5 =	sshll.u32 s26, $0x1;
	_ =	strace $0x80000046;
	[dreg:$0x1] =	wrdreg $0xFFFFFFFF  }
0xa7: {  	s28 =	simm.s32 $_size_execute0_lowered;
	s3 =	sadd.s32 s3, s5;
	[dreg:$0x0] =	wrdreg $0x0  }
0xa8: {  	s5 =	sshll.u32 s28, $0x1;
	[dreg:$0x2] =	wrdreg s3  }
0xa9: {  	[dreg:$0x3] =	wrdreg s5  }
0xaa: {  	[dreg:$0x4] =	wrdreg $0xC0  }
0xab: {  	_ =	task [dreg:s7], $0x5FFFF  }
0xac: {  	[dreg:$0x1] =	wrdreg $0xFFFFFFFF  }
0xad: {  	[dreg:$0x0] =	wrdreg $0x60  }
0xae: {  	[dreg:$0x2] =	wrdreg s24  }
0xaf: {  	[dreg:$0x3] =	wrdreg s2  }
0xb0: {  	[dreg:$0x4] =	wrdreg $0x15D000  }
0xb1: {  	[dreg:$0x5] =	wrdreg $0xBD000  }
0xb2: {  	[dreg:$0x6] =	wrdreg $0xA  }
0xb3: {  	_ =	task.clear_ibuf [dreg:s7], $0x7FFFF;
	_ =	strace $0x90000046  }
0xb4: {  	s29 =	simm.s32 $0xA;
	_ =	strace $0x80000048  }
0xb5: {  	_ =	swait.ge [sflag:s29], $0x1  }
0xb6: {  	[sflag:s29] =	ssyncadd.s32 $0xFFFFFFFF  }
0xb7: {  	_ =	strace $0x90000048  }
0xb8: {  	_ =	sfence  }
0xb9: {  	s30 =	sld [smem:$0x0];
	_ =	sdelay $0x2  }
0xba: {  	s31 =	sshll.u32 s1, $0xD;
	s1 =	sshrl.u32 s1, $0x2  }
0xbb: {  	s3 =	sand.u32 $0x4000, s31;
	s1 =	sadd.s32 s1, s30  }
0xbc: {  	s0 =	sor.u32 s3, s0;
	s1 =	sshll.u32 s1, $0x11  }
0xbd: {  	s0 =	sor.u32 s1, s0  }
0xbe: {  	s0 =	sadd.s32 $0x8F2B, s0  }
0xbf: {  	[sflag:s0] =	ssyncadd.remote.s32 $0x1  }
0xc0: {  	_ =	sfence.sel $0xFFFF  }
0xc1: {  	[dreg:$0x0] =	wrdreg $0xFFFFFFFF;
	(pc) =	sbr.abs _section_cstart, $3  }
0xc2: {  	[dreg:$0x1] =	wrdreg $0xFFFFFFFF  }
0xc3: {  	_ =	task.clear_ibuf [dreg:s7], $0x2FFFF;
	_ =	strace $0x9FFFFFFF  }
0xc4: {  	(tm) =	ssettm $0x7FFFFFFF  }
0xc5: {  	_ =	shalt  }
tec
execute0_lowered:
.L_overlay_start_1:
0x0: {  	(tag) =	ssettag $0x1  }
0x1: {  	s0 =	srdreg.scid;
	s19 =	stileid.u32  }
0x2: {  	s3 =	rddreg [dreg:$0x0];
	s4 =	smul.u32 $0x9D0, s19  }
0x3: {  	s1 =	simm.s32 $0x0;
	s0 =	sand.u32 $0x1, s0;
	s6 =	smul.u32 $0xA000, s19  }
0x4: {  	[smem:$0x7FF] =	sst s1;
	s2 =	smul.u32 $0x14000, s0  }
0x5: {  	s14 =	sadd.s32 $0x3E200, s3;
	s5 =	ssub.s32 $0x2, s0;
	s15 =	smul.u32 $0xA0000, s0  }
0x6: {  	s8 =	sadd.s32 s4, s3;
	s25 =	sshrl.u32 s5, $0x1;
	s11 =	sor.u32 $0x1000, s6  }
0x7: {  	s10 =	sadd.s32 $0x2000, s6;
	s9 =	sadd.s32 $0x3000, s6;
	s7 =	sadd.s32 $0x4000, s6  }
0x8: {  	s4 =	sadd.s32 $0x6000, s6;
	s0 =	sadd.s32 $0x9000, s6;
	s2 =	sadd.s32 s2, s3  }
0x9: {  	s12 =	ssub.s32 s5, s25;
	s5 =	sadd.s32 $0x5000, s6;
	s16 =	sadd.s32 s15, s6  }
0xa: {  	s3 =	sadd.s32 $0x8000, s6;
	s26 =	sadd.s32 s15, s11;
	s17 =	sadd.s32 s15, s10  }
0xb: {  	s18 =	sadd.s32 s15, s9;
	s20 =	sadd.s32 s15, s7;
	s22 =	sadd.s32 s15, s4  }
0xc: {  	s13 =	sadd.s32 $0x16200, s2;
	s16 =	sshrl.u32 s16, $0x3;
	s17 =	sshrl.u32 s17, $0x3  }
0xd: {  	s18 =	sshrl.u32 s18, $0x3;
	s21 =	sadd.s32 s15, s5;
	s16 =	sadd.s32 s14, s16  }
0xe: {  	s17 =	sadd.s32 s14, s17;
	[dreg:$0x5] =	wrdreg s16;
	s16 =	sshrl.u32 s26, $0x3  }
0xf: {  	[dreg:$0x7] =	wrdreg s17;
	s17 =	sshrl.u32 s21, $0x3;
	s16 =	sadd.s32 s14, s16  }
0x10: {  	s26 =	sadd.s32 s15, s3;
	s23 =	sadd.s32 s14, s17;
	[dreg:$0x6] =	wrdreg s16  }
0x11: {  	s17 =	sshrl.u32 s26, $0x3;
	s16 =	sadd.s32 s14, s18;
	[dreg:$0xa] =	wrdreg s23  }
0x12: {  	s17 =	sadd.s32 s14, s17;
	[dreg:$0x8] =	wrdreg s16;
	s16 =	sshrl.u32 s20, $0x3  }
0x13: {  	[dreg:$0xd] =	wrdreg s17;
	s20 =	sshrl.u32 s11, $0x3;
	s16 =	sadd.s32 s14, s16  }
0x14: {  	s2 =	sadd.s32 $0x7000, s6;
	s21 =	sadd.s32 s20, s13;
	[dreg:$0x9] =	wrdreg s16  }
0x15: {  	s24 =	sshrl.u32 s22, $0x3;
	s22 =	sshrl.u32 s10, $0x3;
	[dreg:$0x10] =	wrdreg s21  }
0x16: {  	s25 =	sadd.s32 s15, s2;
	s16 =	sadd.s32 s14, s24;
	s21 =	rddreg [dreg:$0x2]  }
0x17: {  	s15 =	sadd.s32 s15, s0;
	s24 =	sshrl.u32 s7, $0x3;
	[dreg:$0xb] =	wrdreg s16  }
0x18: {  	s16 =	sshrl.u32 s25, $0x3;
	s25 =	sadd.s32 s24, s13;
	s24 =	rddreg [dreg:$0x3]  }
0x19: {  	s15 =	sshrl.u32 s15, $0x3;
	s16 =	sadd.s32 s14, s16;
	[dreg:$0x13] =	wrdreg s25  }
0x1a: {  	s18 =	sshrl.u32 s6, $0x3;
	s14 =	sadd.s32 s14, s15;
	[dreg:$0xc] =	wrdreg s16  }
0x1b: {  	s26 =	sshrl.u32 s5, $0x3;
	[dreg:$0xe] =	wrdreg s14;
	s14 =	sadd.s32 s18, s13  }
0x1c: {  	s16 =	sshrl.u32 s2, $0x3;
	[dreg:$0xf] =	wrdreg s14;
	s14 =	sadd.s32 s22, s13  }
0x1d: {  	s23 =	sshrl.u32 s9, $0x3;
	s17 =	sadd.s32 s16, s13;
	[dreg:$0x11] =	wrdreg s14  }
0x1e: {  	s15 =	sshrl.u32 s4, $0x3;
	s14 =	sadd.s32 s23, s13;
	[dreg:$0x16] =	wrdreg s17  }
0x1f: {  	s18 =	smul.u32 $0x28000, s19;
	[dreg:$0x12] =	wrdreg s14;
	s14 =	sadd.s32 s26, s13  }
0x20: {  	s19 =	sshrl.u32 s3, $0x3;
	[dreg:$0x14] =	wrdreg s14;
	s14 =	sadd.s32 s15, s13  }
0x21: {  	s20 =	sshrl.u32 s0, $0x3;
	s15 =	sadd.s32 s19, s13;
	[dreg:$0x15] =	wrdreg s14  }
0x22: {  	s13 =	sadd.s32 s20, s13;
	[dreg:$0x17] =	wrdreg s15  }
0x23: {  	s23 =	sadd.s32 $0xC400, s8;
	[dreg:$0x18] =	wrdreg s13  }
0x24: {  	s8 =	sadd.s32 $0x2600, s8;
	_ =	strace $0x80000047;
	[dreg:$0x19] =	wrdreg s23  }
0x25: {  	s25 =	smax.u32 s12, $0x1;
	[dreg:$0x1a] =	wrdreg s8  }
0x26: {  	s12 =	sadd.s32 s6, s21;
	[dreg:$0x1b] =	wrdreg s25  }
0x27: {  	s6 =	sadd.s32 s6, s24;
	[dreg:$0x1c] =	wrdreg s12  }
0x28: {  	s13 =	sadd.s32 s11, s24;
	[dreg:$0x1d] =	wrdreg s6  }
0x29: {  	s14 =	sadd.s32 s11, s21;
	[dreg:$0x1e] =	wrdreg s13  }
0x2a: {  	s15 =	sadd.s32 s10, s24;
	[dreg:$0x1f] =	wrdreg s14  }
0x2b: {  	s16 =	sadd.s32 s10, s21;
	[smem:$0x7F3] =	sst s15  }
0x2c: {  	s22 =	sshrl.u32 s18, $0x2;
	s17 =	sadd.s32 s9, s24;
	[smem:$0x7F4] =	sst s16  }
0x2d: {  	s18 =	sadd.s32 s9, s21;
	s9 =	simm.s32 $0x0;
	[smem:$0x7F5] =	sst s17  }
0x2e: {  	s26 =	sadd.s32 s22, s21;
	s19 =	sadd.s32 s7, s24;
	[smem:$0x7F6] =	sst s18  }
0x2f: {  	s22 =	sadd.s32 s5, s24;
	s20 =	sadd.s32 s7, s21;
	[smem:$0x7F7] =	sst s19  }
0x30: {  	s5 =	sadd.s32 s5, s21;
	s28 =	sadd.s32 $0x5000, s26;
	[smem:$0x7F8] =	sst s20  }
0x31: {  	s29 =	sadd.s32 $0x6000, s26;
	s30 =	sadd.s32 $0x7000, s26;
	[smem:$0x7F9] =	sst s22  }
0x32: {  	s31 =	sadd.s32 $0x8000, s26;
	s7 =	simm.s32 $0x3;
	[smem:$0x7FA] =	sst s5  }
0x33: {  	s23 =	sadd.s32 s4, s24;
	s4 =	sadd.s32 s4, s21;
	s25 =	sadd.s32 s2, s24  }
0x34: {  	s13 =	sadd.s32 s2, s21;
	s14 =	sadd.s32 s3, s24;
	s15 =	sadd.s32 s3, s21  }
0x35: {  	s16 =	sadd.s32 s0, s24;
	s17 =	sadd.s32 s0, s21;
	s18 =	sadd.s32 $0x1000, s26  }
0x36: {  	s19 =	sadd.s32 $0x2000, s26;
	s22 =	sadd.s32 $0x9000, s26;
	s0 =	simm.s32 $0x9D00  }
0x37: {  	s20 =	simm.s32 $0x5;
	s2 =	simm.s32 $0x4E80;
	[smem:$0x7FB] =	sst s23  }
0x38: {  	s3 =	simm.s32 $0x40;
	s5 =	simm.s32 $0xAD00;
	[smem:$0x7FC] =	sst s4  }
0x39: {  	s6 =	simm.s32 $0x2;
	s8 =	simm.s32 $0x4;
	[smem:$0x7FD] =	sst s25  }
0x3a: {  	s23 =	sadd.s32 $0x3000, s26;
	s25 =	sadd.s32 $0x4000, s26;
	s4 =	simm.s32 $0x1  }
.LBB2_1:
0x3b: {  	s10 =	rddreg [dreg:$0x1]  }
0x3c: {  	[tilespmem:s0], [sflag:$0x5] =	stream.linear.gather [hbm4b:s10+s1], $0x1000, $0x38;
	[tilespmem:$0x1FD00] =	vst v63  }
0x3d: {  	_ =	swait.ge [sflag:s20], $0x1000  }
0x3e: {  	[sflag:s20] =	ssyncset.done $0x0  }
0x3f: {  	[sflag:s20] =	ssyncadd.s32 $0xFFFFF000  }
0x40: {  	[spmem:s26] =	stream.linear.scatter [tilespmem:s0], [sflag:$0x5], $0x1000, $0x38;
	[tilespmem:$0x1FD00] =	vst v63  }
0x41: {  	_ =	swait.ge [sflag:s20], $0x1000  }
0x42: {  	[sflag:s20] =	ssyncset.done $0x0  }
0x43: {  	[sflag:s20] =	ssyncadd.s32 $0xFFFFF000  }
0x44: {  	[spmem:s18] =	stream.linear.scatter [tilespmem:s0], [sflag:$0x5], $0x1000, $0x38;
	[tilespmem:$0x1FD00] =	vst v63  }
0x45: {  	_ =	swait.ge [sflag:s20], $0x1000  }
0x46: {  	[sflag:s20] =	ssyncset.done $0x0  }
0x47: {  	[sflag:s20] =	ssyncadd.s32 $0xFFFFF000  }
0x48: {  	[spmem:s19] =	stream.linear.scatter [tilespmem:s0], [sflag:$0x5], $0x1000, $0x38;
	[tilespmem:$0x1FD00] =	vst v63  }
0x49: {  	_ =	swait.ge [sflag:s20], $0x1000  }
0x4a: {  	[sflag:s20] =	ssyncset.done $0x0  }
0x4b: {  	[sflag:s20] =	ssyncadd.s32 $0xFFFFF000  }
0x4c: {  	[spmem:s23] =	stream.linear.scatter [tilespmem:s0], [sflag:$0x5], $0x1000, $0x38;
	[tilespmem:$0x1FD00] =	vst v63  }
0x4d: {  	_ =	swait.ge [sflag:s20], $0x1000  }
0x4e: {  	[sflag:s20] =	ssyncset.done $0x0  }
0x4f: {  	[sflag:s20] =	ssyncadd.s32 $0xFFFFF000  }
0x50: {  	[spmem:s25] =	stream.linear.scatter [tilespmem:s0], [sflag:$0x5], $0x1000, $0x38;
	[tilespmem:$0x1FD00] =	vst v63  }
0x51: {  	_ =	swait.ge [sflag:s20], $0x1000  }
0x52: {  	[sflag:s20] =	ssyncset.done $0x0  }
0x53: {  	[sflag:s20] =	ssyncadd.s32 $0xFFFFF000  }
0x54: {  	[spmem:s28] =	stream.linear.scatter [tilespmem:s0], [sflag:$0x5], $0x1000, $0x38;
	[tilespmem:$0x1FD00] =	vst v63  }
0x55: {  	_ =	swait.ge [sflag:s20], $0x1000  }
0x56: {  	[sflag:s20] =	ssyncset.done $0x0  }
0x57: {  	[sflag:s20] =	ssyncadd.s32 $0xFFFFF000  }
0x58: {  	[spmem:s29] =	stream.linear.scatter [tilespmem:s0], [sflag:$0x5], $0x1000, $0x38;
	[tilespmem:$0x1FD00] =	vst v63  }
0x59: {  	_ =	swait.ge [sflag:s20], $0x1000  }
0x5a: {  	[sflag:s20] =	ssyncset.done $0x0  }
0x5b: {  	[sflag:s20] =	ssyncadd.s32 $0xFFFFF000  }
0x5c: {  	[spmem:s30] =	stream.linear.scatter [tilespmem:s0], [sflag:$0x5], $0x1000, $0x38;
	[tilespmem:$0x1FD00] =	vst v63  }
0x5d: {  	_ =	swait.ge [sflag:s20], $0x1000  }
0x5e: {  	[sflag:s20] =	ssyncset.done $0x0  }
0x5f: {  	[sflag:s20] =	ssyncadd.s32 $0xFFFFF000  }
0x60: {  	[spmem:s31] =	stream.linear.scatter [tilespmem:s0], [sflag:$0x5], $0x1000, $0x38;
	[tilespmem:$0x1FD00] =	vst v63  }
0x61: {  	_ =	swait.ge [sflag:s20], $0x1000  }
0x62: {  	[sflag:s20] =	ssyncset.done $0x0  }
0x63: {  	[sflag:s20] =	ssyncadd.s32 $0xFFFFF000  }
0x64: {  	[spmem:s22] =	stream.linear.scatter [tilespmem:s0], [sflag:$0x5], $0x1000, $0x38;
	[tilespmem:$0x1FD00] =	vst v63  }
0x65: {  	_ =	swait.ge [sflag:s20], $0x1000  }
0x66: {  	[sflag:s20] =	ssyncset.done $0x0  }
0x67: {  	s11 =	rddreg [dreg:$0xf];
	[sflag:s20] =	ssyncadd.s32 $0xFFFFF000  }
0x68: {  	[tilespmem:s0], [sflag:$0x5] =	stream.linear.gather [hbm4b:s11+s1], $0x1000, $0x38;
	[tilespmem:$0x1FD00] =	vst v63  }
0x69: {  	_ =	swait.ge [sflag:s20], $0x1000  }
0x6a: {  	[sflag:s20] =	ssyncset.done $0x0  }
0x6b: {  	s12 =	rddreg [dreg:$0x1d];
	[sflag:s20] =	ssyncadd.s32 $0xFFFFF000  }
0x6c: {  	[spmem:s12] =	stream.linear.scatter [tilespmem:s0], [sflag:$0x5], $0x1000, $0x38;
	[tilespmem:$0x1FD00] =	vst v63  }
0x6d: {  	_ =	swait.ge [sflag:s20], $0x1000  }
0x6e: {  	[sflag:s20] =	ssyncset.done $0x0  }
0x6f: {  	s11 =	rddreg [dreg:$0x10];
	[sflag:s20] =	ssyncadd.s32 $0xFFFFF000  }
0x70: {  	[tilespmem:s0], [sflag:$0x5] =	stream.linear.gather [hbm4b:s11+s1], $0x1000, $0x38;
	[tilespmem:$0x1FD00] =	vst v63  }
0x71: {  	_ =	swait.ge [sflag:s20], $0x1000  }
0x72: {  	[sflag:s20] =	ssyncset.done $0x0  }
0x73: {  	s12 =	rddreg [dreg:$0x1e];
	[sflag:s20] =	ssyncadd.s32 $0xFFFFF000  }
0x74: {  	[spmem:s12] =	stream.linear.scatter [tilespmem:s0], [sflag:$0x5], $0x1000, $0x38;
	[tilespmem:$0x1FD00] =	vst v63  }
0x75: {  	_ =	swait.ge [sflag:s20], $0x1000  }
0x76: {  	[sflag:s20] =	ssyncset.done $0x0  }
0x77: {  	s11 =	rddreg [dreg:$0x11];
	[sflag:s20] =	ssyncadd.s32 $0xFFFFF000  }
0x78: {  	[tilespmem:s0], [sflag:$0x5] =	stream.linear.gather [hbm4b:s11+s1], $0x1000, $0x38;
	[tilespmem:$0x1FD00] =	vst v63  }
0x79: {  	_ =	swait.ge [sflag:s20], $0x1000  }
0x7a: {  	s12 =	sld [smem:$0x7F3]  }
0x7b: {  	[sflag:s20] =	ssyncset.done $0x0  }
0x7c: {  	[sflag:s20] =	ssyncadd.s32 $0xFFFFF000  }
0x7d: {  	[spmem:s12] =	stream.linear.scatter [tilespmem:s0], [sflag:$0x5], $0x1000, $0x38;
	[tilespmem:$0x1FD00] =	vst v63  }
0x7e: {  	_ =	swait.ge [sflag:s20], $0x1000  }
0x7f: {  	[sflag:s20] =	ssyncset.done $0x0  }
0x80: {  	s11 =	rddreg [dreg:$0x12];
	[sflag:s20] =	ssyncadd.s32 $0xFFFFF000  }
0x81: {  	[tilespmem:s0], [sflag:$0x5] =	stream.linear.gather [hbm4b:s11+s1], $0x1000, $0x38;
	[tilespmem:$0x1FD00] =	vst v63  }
0x82: {  	_ =	swait.ge [sflag:s20], $0x1000  }
0x83: {  	s12 =	sld [smem:$0x7F5]  }
0x84: {  	[sflag:s20] =	ssyncset.done $0x0  }
0x85: {  	[sflag:s20] =	ssyncadd.s32 $0xFFFFF000  }
0x86: {  	[spmem:s12] =	stream.linear.scatter [tilespmem:s0], [sflag:$0x5], $0x1000, $0x38;
	[tilespmem:$0x1FD00] =	vst v63  }
0x87: {  	_ =	swait.ge [sflag:s20], $0x1000  }
0x88: {  	[sflag:s20] =	ssyncset.done $0x0  }
0x89: {  	s11 =	rddreg [dreg:$0x13];
	[sflag:s20] =	ssyncadd.s32 $0xFFFFF000  }
0x8a: {  	[tilespmem:s0], [sflag:$0x5] =	stream.linear.gather [hbm4b:s11+s1], $0x1000, $0x38;
	[tilespmem:$0x1FD00] =	vst v63  }
0x8b: {  	_ =	swait.ge [sflag:s20], $0x1000  }
0x8c: {  	s12 =	sld [smem:$0x7F7]  }
0x8d: {  	[sflag:s20] =	ssyncset.done $0x0  }
0x8e: {  	[sflag:s20] =	ssyncadd.s32 $0xFFFFF000  }
0x8f: {  	[spmem:s12] =	stream.linear.scatter [tilespmem:s0], [sflag:$0x5], $0x1000, $0x38;
	[tilespmem:$0x1FD00] =	vst v63  }
0x90: {  	_ =	swait.ge [sflag:s20], $0x1000  }
0x91: {  	[sflag:s20] =	ssyncset.done $0x0  }
0x92: {  	s11 =	rddreg [dreg:$0x14];
	[sflag:s20] =	ssyncadd.s32 $0xFFFFF000  }
0x93: {  	[tilespmem:s0], [sflag:$0x5] =	stream.linear.gather [hbm4b:s11+s1], $0x1000, $0x38;
	[tilespmem:$0x1FD00] =	vst v63  }
0x94: {  	_ =	swait.ge [sflag:s20], $0x1000  }
0x95: {  	s12 =	sld [smem:$0x7F9]  }
0x96: {  	[sflag:s20] =	ssyncset.done $0x0  }
0x97: {  	[sflag:s20] =	ssyncadd.s32 $0xFFFFF000  }
0x98: {  	[spmem:s12] =	stream.linear.scatter [tilespmem:s0], [sflag:$0x5], $0x1000, $0x38;
	[tilespmem:$0x1FD00] =	vst v63  }
0x99: {  	_ =	swait.ge [sflag:s20], $0x1000  }
0x9a: {  	[sflag:s20] =	ssyncset.done $0x0  }
0x9b: {  	s11 =	rddreg [dreg:$0x15];
	[sflag:s20] =	ssyncadd.s32 $0xFFFFF000  }
0x9c: {  	[tilespmem:s0], [sflag:$0x5] =	stream.linear.gather [hbm4b:s11+s1], $0x1000, $0x38;
	[tilespmem:$0x1FD00] =	vst v63  }
0x9d: {  	_ =	swait.ge [sflag:s20], $0x1000  }
0x9e: {  	s12 =	sld [smem:$0x7FB]  }
0x9f: {  	[sflag:s20] =	ssyncset.done $0x0  }
0xa0: {  	[sflag:s20] =	ssyncadd.s32 $0xFFFFF000  }
0xa1: {  	[spmem:s12] =	stream.linear.scatter [tilespmem:s0], [sflag:$0x5], $0x1000, $0x38;
	[tilespmem:$0x1FD00] =	vst v63  }
0xa2: {  	_ =	swait.ge [sflag:s20], $0x1000  }
0xa3: {  	[sflag:s20] =	ssyncset.done $0x0  }
0xa4: {  	s11 =	rddreg [dreg:$0x16];
	[sflag:s20] =	ssyncadd.s32 $0xFFFFF000  }
0xa5: {  	[tilespmem:s0], [sflag:$0x5] =	stream.linear.gather [hbm4b:s11+s1], $0x1000, $0x38;
	[tilespmem:$0x1FD00] =	vst v63  }
0xa6: {  	_ =	swait.ge [sflag:s20], $0x1000  }
0xa7: {  	s12 =	sld [smem:$0x7FD]  }
0xa8: {  	[sflag:s20] =	ssyncset.done $0x0  }
0xa9: {  	[sflag:s20] =	ssyncadd.s32 $0xFFFFF000  }
0xaa: {  	[spmem:s12] =	stream.linear.scatter [tilespmem:s0], [sflag:$0x5], $0x1000, $0x38;
	[tilespmem:$0x1FD00] =	vst v63  }
0xab: {  	_ =	swait.ge [sflag:s20], $0x1000  }
0xac: {  	[sflag:s20] =	ssyncset.done $0x0  }
0xad: {  	s11 =	rddreg [dreg:$0x17];
	[sflag:s20] =	ssyncadd.s32 $0xFFFFF000  }
0xae: {  	[tilespmem:s0], [sflag:$0x5] =	stream.linear.gather [hbm4b:s11+s1], $0x1000, $0x38;
	[tilespmem:$0x1FD00] =	vst v63  }
0xaf: {  	_ =	swait.ge [sflag:s20], $0x1000  }
0xb0: {  	[sflag:s20] =	ssyncset.done $0x0  }
0xb1: {  	[sflag:s20] =	ssyncadd.s32 $0xFFFFF000  }
0xb2: {  	[spmem:s14] =	stream.linear.scatter [tilespmem:s0], [sflag:$0x5], $0x1000, $0x38;
	[tilespmem:$0x1FD00] =	vst v63  }
0xb3: {  	_ =	swait.ge [sflag:s20], $0x1000  }
0xb4: {  	[sflag:s20] =	ssyncset.done $0x0  }
0xb5: {  	s12 =	rddreg [dreg:$0x18];
	[sflag:s20] =	ssyncadd.s32 $0xFFFFF000  }
0xb6: {  	[tilespmem:s0], [sflag:$0x5] =	stream.linear.gather [hbm4b:s12+s1], $0x1000, $0x38;
	[tilespmem:$0x1FD00] =	vst v63  }
0xb7: {  	_ =	swait.ge [sflag:s20], $0x1000  }
0xb8: {  	[sflag:s20] =	ssyncset.done $0x0  }
0xb9: {  	[sflag:s20] =	ssyncadd.s32 $0xFFFFF000  }
0xba: {  	[spmem:s16] =	stream.linear.scatter [tilespmem:s0], [sflag:$0x5], $0x1000, $0x38;
	[tilespmem:$0x1FD00] =	vst v63  }
0xbb: {  	_ =	swait.ge [sflag:s20], $0x1000  }
0xbc: {  	[sflag:s20] =	ssyncset.done $0x0  }
0xbd: {  	s11 =	rddreg [dreg:$0x19];
	[sflag:s20] =	ssyncadd.s32 $0xFFFFF000  }
0xbe: {  	[tilespmem:s1], [sflag:$0x5] =	stream.linear.gather [hbm4b:s11+s1], $0x4E80, $0x38;
	[tilespmem:$0x1FD00] =	vst v63  }
0xbf: {  	_ =	swait.ge [sflag:s20], $0x4E80  }
0xc0: {  	[sflag:s20] =	ssyncset.done $0x0  }
0xc1: {  	s12 =	rddreg [dreg:$0x1a];
	[sflag:s20] =	ssyncadd.s32 $0xFFFFB180  }
0xc2: {  	[tilespmem:s2], [sflag:$0x5] =	stream.linear.gather [hbm4b:s12+s1], $0x4E80, $0x38;
	[tilespmem:$0x1FD00] =	vst v63  }
0xc3: {  	_ =	swait.ge [sflag:s20], $0x4E80  }
0xc4: {  	[sflag:s20] =	ssyncset.done $0x0  }
0xc5: {  	[sflag:s20] =	ssyncadd.s32 $0xFFFFB180  }
0xc6: {  	[bflag:$0x0] =	sbarrier.arrive $0xFFFF  }
0xc7: {  	[tilespmem:s0], [sflag:$0x1] =	stream.indirect.gather [spmem:s24], $0x40, s1, s3, $0xb8;
	[tilespmem:$0x1FD00] =	vst v63  }
0xc8: {  	_ =	swait.ge [sflag:s4], $0x1000  }
0xc9: {  	[sflag:s4] =	ssyncset.done $0x0  }
0xca: {  	[sflag:s4] =	ssyncadd.s32 $0xFFFFF000  }
0xcb: {  	[spmem:s21] =	stream.indirect.scatter.add.f32 [tilespmem:s0], [sflag:$0x3], $0x40, s2, s3, $0xb8;
	[tilespmem:$0x1FD00] =	vst v63  }
0xcc: {  	_ = 	snop  }
0xcd: {  	[tilespmem:s5], [sflag:$0x2] =	stream.indirect.gather [spmem:s24], $0x40, s3, s3, $0xb8;
	[tilespmem:$0x1FD00] =	vst v63  }
0xce: {  	_ =	swait.ge [sflag:s6], $0x1000  }
0xcf: {  	[sflag:s6] =	ssyncset.done $0x0  }
0xd0: {  	s11 =	simm.s32 $0x4EC0;
	[sflag:s6] =	ssyncadd.s32 $0xFFFFF000  }
0xd1: {  	[spmem:s21] =	stream.indirect.scatter.add.f32 [tilespmem:s5], [sflag:$0x4], $0x40, s11, s3, $0xb8;
	[tilespmem:$0x1FD00] =	vst v63  }
0xd2: {  	_ =	swait.ge [sflag:s7], $0x1000  }
0xd3: {  	[sflag:s7] =	ssyncset.done $0x0  }
0xd4: {  	s12 =	simm.s32 $0x80;
	[sflag:s7] =	ssyncadd.s32 $0xFFFFF000  }
0xd5: {  	[tilespmem:s0], [sflag:$0x1] =	stream.indirect.gather [spmem:s24], $0x40, s12, s3, $0xb8;
	[tilespmem:$0x1FD00] =	vst v63  }
0xd6: {  	_ =	swait.ge [sflag:s4], $0x1000  }
0xd7: {  	[sflag:s4] =	ssyncset.done $0x0  }
0xd8: {  	s11 =	simm.s32 $0x4F00;
	[sflag:s4] =	ssyncadd.s32 $0xFFFFF000  }
0xd9: {  	[spmem:s21] =	stream.indirect.scatter.add.f32 [tilespmem:s0], [sflag:$0x3], $0x40, s11, s3, $0xb8;
	[tilespmem:$0x1FD00] =	vst v63  }
0xda: {  	_ =	swait.ge [sflag:s8], $0x1000  }
0xdb: {  	[sflag:s8] =	ssyncset.done $0x0  }
0xdc: {  	s12 =	simm.s32 $0xC0;
	[sflag:s8] =	ssyncadd.s32 $0xFFFFF000  }
0xdd: {  	[tilespmem:s5], [sflag:$0x2] =	stream.indirect.gather [spmem:s24], $0x40, s12, s3, $0xb8;
	[tilespmem:$0x1FD00] =	vst v63  }
0xde: {  	_ =	swait.ge [sflag:s6], $0x1000  }
0xdf: {  	[sflag:s6] =	ssyncset.done $0x0  }
0xe0: {  	s10 =	simm.s32 $0xFFFECA00;
	s11 =	simm.s32 $0x4F40;
	[sflag:s6] =	ssyncadd.s32 $0xFFFFF000  }
.LBB2_2:
0xe1: {  	[spmem:s21] =	stream.indirect.scatter.add.f32 [tilespmem:s5], [sflag:$0x4], $0x40, s11, s3, $0xb8;
	[tilespmem:$0x1FD00] =	vst v63  }
0xe2: {  	s11 =	smov.u32 s10  }
0xe3: {  	p0 =	sne.s32 s10, $0xFFFFFE00;
	s10 =	sadd.s32 $0x200, s10;
	_ =	swait.ge [sflag:s7], $0x1000  }
0xe4: {  	s11 =	sshra.s32 s11, $0x2;
	[sflag:s7] =	ssyncset.done $0x0  }
0xe5: {  	s12 =	sadd.s32 $0x4E80, s11;
	[sflag:s7] =	ssyncadd.s32 $0xFFFFF000  }
0xe6: {  	[tilespmem:s0], [sflag:$0x1] =	stream.indirect.gather [spmem:s24], $0x40, s12, s3, $0xb8;
	[tilespmem:$0x1FD00] =	vst v63  }
0xe7: {  	_ =	swait.ge [sflag:s4], $0x1000  }
0xe8: {  	[sflag:s4] =	ssyncset.done $0x0  }
0xe9: {  	s12 =	sadd.s32 $0x9D00, s11;
	[sflag:s4] =	ssyncadd.s32 $0xFFFFF000  }
0xea: {  	[spmem:s21] =	stream.indirect.scatter.add.f32 [tilespmem:s0], [sflag:$0x3], $0x40, s12, s3, $0xb8;
	[tilespmem:$0x1FD00] =	vst v63  }
0xeb: {  	_ =	swait.ge [sflag:s8], $0x1000  }
0xec: {  	[sflag:s8] =	ssyncset.done $0x0  }
.Ltmp0:
0xed: {  	s12 =	sadd.s32 $0x4EC0, s11;
	[sflag:s8] =	ssyncadd.s32 $0xFFFFF000;
	(pc) =	sbr.rel @p0 .LBB2_2-.Ltmp0, $4  }
0xee: {  	[tilespmem:s5], [sflag:$0x2] =	stream.indirect.gather [spmem:s24], $0x40, s12, s3, $0xb8;
	[tilespmem:$0x1FD00] =	vst v63  }
0xef: {  	_ =	swait.ge [sflag:s6], $0x1000  }
0xf0: {  	[sflag:s6] =	ssyncset.done $0x0  }
0xf1: {  	s11 =	sadd.s32 $0x9D40, s11;
	[sflag:s6] =	ssyncadd.s32 $0xFFFFF000  }
0xf2: {  	[spmem:s21] =	stream.indirect.scatter.add.f32 [tilespmem:s5], [sflag:$0x4], $0x40, s11, s3, $0xb8;
	[tilespmem:$0x1FD00] =	vst v63  }
0xf3: {  	_ =	swait.ge [sflag:s7], $0x1000  }
0xf4: {  	[sflag:s7] =	ssyncset.done $0x0  }
0xf5: {  	[sflag:s7] =	ssyncadd.s32 $0xFFFFF000  }
0xf6: {  	_ =	swait.ge [sflag:s8], $0x1000  }
0xf7: {  	[sflag:s8] =	ssyncset.done $0x0  }
0xf8: {  	[sflag:s8] =	ssyncadd.s32 $0xFFFFF000  }
0xf9: {  	[bflag:$0x0] =	sbarrier.arrive $0xFFFF  }
0xfa: {  	s10 =	rddreg [dreg:$0x1c]  }
0xfb: {  	[tilespmem:s0], [sflag:$0x5] =	stream.linear.gather [spmem:s10], $0x1000, $0x38;
	[tilespmem:$0x1FD00] =	vst v63  }
0xfc: {  	_ =	swait.ge [sflag:s20], $0x1000  }
0xfd: {  	[sflag:s20] =	ssyncset.done $0x0  }
0xfe: {  	s12 =	rddreg [dreg:$0x5];
	[sflag:s20] =	ssyncadd.s32 $0xFFFFF000  }
0xff: {  	[hbm4b:s12+s1] =	stream.linear.scatter [tilespmem:s0], [sflag:$0x5], $0x1000, $0x38;
	[tilespmem:$0x1FD00] =	vst v63  }
0x100: {  	_ =	swait.ge [sflag:s20], $0x1000  }
0x101: {  	[sflag:s20] =	ssyncset.done $0x0  }
0x102: {  	s11 =	rddreg [dreg:$0x1f];
	[sflag:s20] =	ssyncadd.s32 $0xFFFFF000  }
0x103: {  	[tilespmem:s0], [sflag:$0x5] =	stream.linear.gather [spmem:s11], $0x1000, $0x38;
	[tilespmem:$0x1FD00] =	vst v63  }
0x104: {  	_ =	swait.ge [sflag:s20], $0x1000  }
0x105: {  	[sflag:s20] =	ssyncset.done $0x0  }
0x106: {  	s12 =	rddreg [dreg:$0x6];
	[sflag:s20] =	ssyncadd.s32 $0xFFFFF000  }
0x107: {  	[hbm4b:s12+s1] =	stream.linear.scatter [tilespmem:s0], [sflag:$0x5], $0x1000, $0x38;
	[tilespmem:$0x1FD00] =	vst v63  }
0x108: {  	_ =	swait.ge [sflag:s20], $0x1000  }
0x109: {  	s11 =	sld [smem:$0x7F4]  }
0x10a: {  	[sflag:s20] =	ssyncset.done $0x0  }
0x10b: {  	[sflag:s20] =	ssyncadd.s32 $0xFFFFF000  }
0x10c: {  	[tilespmem:s0], [sflag:$0x5] =	stream.linear.gather [spmem:s11], $0x1000, $0x38;
	[tilespmem:$0x1FD00] =	vst v63  }
0x10d: {  	_ =	swait.ge [sflag:s20], $0x1000  }
0x10e: {  	[sflag:s20] =	ssyncset.done $0x0  }
0x10f: {  	s12 =	rddreg [dreg:$0x7];
	[sflag:s20] =	ssyncadd.s32 $0xFFFFF000  }
0x110: {  	[hbm4b:s12+s1] =	stream.linear.scatter [tilespmem:s0], [sflag:$0x5], $0x1000, $0x38;
	[tilespmem:$0x1FD00] =	vst v63  }
0x111: {  	_ =	swait.ge [sflag:s20], $0x1000  }
0x112: {  	s11 =	sld [smem:$0x7F6]  }
0x113: {  	[sflag:s20] =	ssyncset.done $0x0  }
0x114: {  	[sflag:s20] =	ssyncadd.s32 $0xFFFFF000  }
0x115: {  	[tilespmem:s0], [sflag:$0x5] =	stream.linear.gather [spmem:s11], $0x1000, $0x38;
	[tilespmem:$0x1FD00] =	vst v63  }
0x116: {  	_ =	swait.ge [sflag:s20], $0x1000  }
0x117: {  	[sflag:s20] =	ssyncset.done $0x0  }
0x118: {  	s12 =	rddreg [dreg:$0x8];
	[sflag:s20] =	ssyncadd.s32 $0xFFFFF000  }
0x119: {  	[hbm4b:s12+s1] =	stream.linear.scatter [tilespmem:s0], [sflag:$0x5], $0x1000, $0x38;
	[tilespmem:$0x1FD00] =	vst v63  }
0x11a: {  	_ =	swait.ge [sflag:s20], $0x1000  }
0x11b: {  	s11 =	sld [smem:$0x7F8]  }
0x11c: {  	[sflag:s20] =	ssyncset.done $0x0  }
0x11d: {  	[sflag:s20] =	ssyncadd.s32 $0xFFFFF000  }
0x11e: {  	[tilespmem:s0], [sflag:$0x5] =	stream.linear.gather [spmem:s11], $0x1000, $0x38;
	[tilespmem:$0x1FD00] =	vst v63  }
0x11f: {  	_ =	swait.ge [sflag:s20], $0x1000  }
0x120: {  	[sflag:s20] =	ssyncset.done $0x0  }
0x121: {  	s12 =	rddreg [dreg:$0x9];
	[sflag:s20] =	ssyncadd.s32 $0xFFFFF000  }
0x122: {  	[hbm4b:s12+s1] =	stream.linear.scatter [tilespmem:s0], [sflag:$0x5], $0x1000, $0x38;
	[tilespmem:$0x1FD00] =	vst v63  }
0x123: {  	_ =	swait.ge [sflag:s20], $0x1000  }
0x124: {  	s11 =	sld [smem:$0x7FA]  }
0x125: {  	[sflag:s20] =	ssyncset.done $0x0  }
0x126: {  	[sflag:s20] =	ssyncadd.s32 $0xFFFFF000  }
0x127: {  	[tilespmem:s0], [sflag:$0x5] =	stream.linear.gather [spmem:s11], $0x1000, $0x38;
	[tilespmem:$0x1FD00] =	vst v63  }
0x128: {  	_ =	swait.ge [sflag:s20], $0x1000  }
0x129: {  	[sflag:s20] =	ssyncset.done $0x0  }
0x12a: {  	s12 =	rddreg [dreg:$0xa];
	[sflag:s20] =	ssyncadd.s32 $0xFFFFF000  }
0x12b: {  	[hbm4b:s12+s1] =	stream.linear.scatter [tilespmem:s0], [sflag:$0x5], $0x1000, $0x38;
	[tilespmem:$0x1FD00] =	vst v63  }
0x12c: {  	_ =	swait.ge [sflag:s20], $0x1000  }
0x12d: {  	s11 =	sld [smem:$0x7FC]  }
0x12e: {  	[sflag:s20] =	ssyncset.done $0x0  }
0x12f: {  	[sflag:s20] =	ssyncadd.s32 $0xFFFFF000  }
0x130: {  	[tilespmem:s0], [sflag:$0x5] =	stream.linear.gather [spmem:s11], $0x1000, $0x38;
	[tilespmem:$0x1FD00] =	vst v63  }
0x131: {  	_ =	swait.ge [sflag:s20], $0x1000  }
0x132: {  	[sflag:s20] =	ssyncset.done $0x0  }
0x133: {  	s12 =	rddreg [dreg:$0xb];
	[sflag:s20] =	ssyncadd.s32 $0xFFFFF000  }
0x134: {  	[hbm4b:s12+s1] =	stream.linear.scatter [tilespmem:s0], [sflag:$0x5], $0x1000, $0x38;
	[tilespmem:$0x1FD00] =	vst v63  }
0x135: {  	_ =	swait.ge [sflag:s20], $0x1000  }
0x136: {  	[sflag:s20] =	ssyncset.done $0x0  }
0x137: {  	[sflag:s20] =	ssyncadd.s32 $0xFFFFF000  }
0x138: {  	[tilespmem:s0], [sflag:$0x5] =	stream.linear.gather [spmem:s13], $0x1000, $0x38;
	[tilespmem:$0x1FD00] =	vst v63  }
0x139: {  	_ =	swait.ge [sflag:s20], $0x1000  }
0x13a: {  	[sflag:s20] =	ssyncset.done $0x0  }
0x13b: {  	s11 =	rddreg [dreg:$0xc];
	[sflag:s20] =	ssyncadd.s32 $0xFFFFF000  }
0x13c: {  	[hbm4b:s11+s1] =	stream.linear.scatter [tilespmem:s0], [sflag:$0x5], $0x1000, $0x38;
	[tilespmem:$0x1FD00] =	vst v63  }
0x13d: {  	_ =	swait.ge [sflag:s20], $0x1000  }
0x13e: {  	[sflag:s20] =	ssyncset.done $0x0  }
0x13f: {  	[sflag:s20] =	ssyncadd.s32 $0xFFFFF000  }
0x140: {  	[tilespmem:s0], [sflag:$0x5] =	stream.linear.gather [spmem:s15], $0x1000, $0x38;
	[tilespmem:$0x1FD00] =	vst v63  }
0x141: {  	_ =	swait.ge [sflag:s20], $0x1000  }
0x142: {  	[sflag:s20] =	ssyncset.done $0x0  }
0x143: {  	s12 =	rddreg [dreg:$0xd];
	[sflag:s20] =	ssyncadd.s32 $0xFFFFF000  }
0x144: {  	[hbm4b:s12+s1] =	stream.linear.scatter [tilespmem:s0], [sflag:$0x5], $0x1000, $0x38;
	[tilespmem:$0x1FD00] =	vst v63  }
0x145: {  	_ =	swait.ge [sflag:s20], $0x1000  }
0x146: {  	[sflag:s20] =	ssyncset.done $0x0  }
0x147: {  	[sflag:s20] =	ssyncadd.s32 $0xFFFFF000  }
0x148: {  	[tilespmem:s0], [sflag:$0x5] =	stream.linear.gather [spmem:s17], $0x1000, $0x38;
	[tilespmem:$0x1FD00] =	vst v63  }
0x149: {  	_ =	swait.ge [sflag:s20], $0x1000  }
0x14a: {  	[sflag:s20] =	ssyncset.done $0x0  }
0x14b: {  	s11 =	rddreg [dreg:$0xe];
	[sflag:s20] =	ssyncadd.s32 $0xFFFFF000  }
0x14c: {  	[hbm4b:s11+s1] =	stream.linear.scatter [tilespmem:s0], [sflag:$0x5], $0x1000, $0x38;
	[tilespmem:$0x1FD00] =	vst v63  }
0x14d: {  	_ =	swait.ge [sflag:s20], $0x1000  }
0x14e: {  	s9 =	sadd.s32 $0x1, s9;
	s12 =	rddreg [dreg:$0x1b]  }
0x14f: {  	p0 =	sne.s32 s9, s12  }
.Ltmp1:
0x150: {  	_ = 	snop;
	(pc) =	sbr.rel @p0 .LBB2_1-.Ltmp1, $3  }
0x151: {  	_ =	sdelay $0x1  }
0x152: {  	[sflag:s20] =	ssyncset.done $0x0  }
0x153: {  	[sflag:s20] =	ssyncadd.s32 $0xFFFFF000  }
0x154: {  	_ =	sfence.sel $0x180000  }
0x155: {  	[bflag:$0x0] =	sbarrier.arrive $0xFFFF  }
0x156: {  	_ =	strace $0x90000047  }
0x157: {  	s0 =	stileid.u32;
	[bflag:$0x2] =	sbarrier.arrive $0xFFFF  }
0x158: {  	p0 =	sne.s32 s0, $0x0;
	s0 =	rddreg [dreg:$0x4]  }
0x159: {  	s0 =	sadd.s32 @!p0 $0x100000, s0  }
0x15a: {  	[sflag:s0] =	ssyncadd.tile.s32 @!p0 $0x1;
	_ =	shalt  }
.Lfunc_end2:
_tile_overlayer_lowered:
.L_overlay_start_2:
0x15b: {  	(tag) =	ssettag $0x2  }
0x15c: {  	s0 =	rddreg [dreg:$0x0];
	s2 =	stileid.u32  }
0x15d: {  	s1 =	rddreg [dreg:$0x1];
	p0 =	sne.s32 s2, $0x0  }
0x15e: {  	s3 =	rddreg [dreg:$0x2];
	[bflag:$0x3] =	sbarrier.arrive $0xFFFF;
	s2 =	simm.s32 @!p0 $0x1C05  }
0x15f: {  	[timem:s3], [sflag:s2] =	dma.local @!p0 [hbm:s0], s1  }
0x160: {  	s0 =	simm.s32 @!p0 $0x5  }
0x161: {  	_ =	swait.ge @!p0 [sflag:s0], s1  }
0x162: {  	s1 =	ssub.s32 @!p0 $0x0, s1;
	[sflag:s0] =	ssyncset.done @!p0 $0x0  }
0x163: {  	[sflag:s0] =	ssyncadd.s32 @!p0 s1  }
0x164: {  	[bflag:$0x3] =	sbarrier.arrive $0xFFFF  }
0x165: {  	_ =	shalt  }

// kernel: kernel.16.cloned.1.call-start
scs
__scs_entry_jumppad:
0x0: {  	(pc) =	sbr.rel $0x88, $3  }
0x1: {  	(tag) =	ssettag $0x0;
	lr =	simm.s32 $0x1  }
0x2: {  	[smem:$0x3F96] =	sst lr;
	_ =	strace $0xD0000000  }
0x3: {  	_ = 	snop  }
0x4: {  	_ = 	snop  }
0x5: {  	_ = 	snop  }
0x6: {  	_ = 	snop  }
0x7: {  	_ = 	snop  }
__scs_overlays_trampoline_lowered:
0x8: {  	[smem:$0x3FA5] =	sst s0  }
0x9: {  	[smem:$0x3FA6] =	sst s1  }
0xa: {  	[smem:$0x3FA7] =	sst s2  }
0xb: {  	[smem:$0x3FA8] =	sst s3  }
0xc: {  	[smem:$0x3FA9] =	sst s4  }
0xd: {  	[smem:$0x3FAA] =	sst s5  }
0xe: {  	[smem:$0x3FAB] =	sst s6  }
0xf: {  	[smem:$0x3FAC] =	sst s7  }
0x10: {  	[smem:$0x3FAD] =	sst s8  }
0x11: {  	[smem:$0x3FAE] =	sst s9;
	s0 =	simm.s32 @!p0 $0x0  }
0x12: {  	s1 =	sld [smem:$0x3F94];
	s0 =	simm.s32 @p0 $0x1  }
0x13: {  	[smem:$0x3FAF] =	sst s0;
	s0 =	simm.s32 @!p1 $0x0  }
0x14: {  	s2 =	sld [smem:$0x3F93];
	s0 =	simm.s32 @p1 $0x1  }
0x15: {  	[smem:$0x3FB0] =	sst s0;
	s0 =	simm.s32 @!p2 $0x0  }
0x16: {  	s3 =	sld [smem:$0x3FDB];
	s0 =	simm.s32 @p2 $0x1  }
0x17: {  	s4 =	simm.s32 $0x1BF5;
	[smem:$0x3FB2] =	sst s0  }
0x18: {  	s0 =	sld [smem:$0x3F95];
	_ =	swait.ge [sflag:s4], $0x0  }
0x19: {  	s7 =	sld [smem:$0x3F96]  }
0x1a: {  	s8 =	sadd.s32 $0xFFFFE003, lr  }
0x1b: {  	s9 =	sadd.s32 $0xFFFFFEF7, lr;
	s5 =	simm.s32 $0xFFFFFFFF;
	p2 =	slt.u32 s8, $0xFFFFF086  }
0x1c: {  	p1 =	slt.u32 s9, $0xF7A;
	s5 =	simm.s32 @!p2 $0x0  }
0x1d: {  	s5 =	simm.s32 @p1 $0x1;
	p0 =	seq.s32 s7, s2  }
0x1e: {  	s7 =	smul.u32 @!p0 $0xF7A, s2;
	p2 =	seq.s32 @!p0 s5, $0x0  }
0x1f: {  	s9 =	smul.u32 $0xF7A, s1;
	s8 =	simm.s32 @!p0 $0x1BF5;
	p2 =	por !p2, p0  }
0x20: {  	[sflag:s8] =	ssyncset.s32 @!p0 $0xFFFFF086;
	s6 =	sadd.s32 @!p0 s3, s7;
	s7 =	simm.s32 @!p0 $0x108  }
0x21: {  	s3 =	sadd.s32 s3, s9;
	s6 =	sadd.s32 @!p0 $0x88, s6;
	s7 =	simm.s32 @p2 $0x1082  }
0x22: {  	[simem:s7], [sflag:s8] =	dma.local @!p0 [hbm:s6], $0xF7A  }
0x23: {  	s9 =	sor.u32 $0xD0000000, s2;
	s6 =	simm.s32 $0x108;
	_ =	swait.ge @!p0 [sflag:s8], $0x0  }
0x24: {  	s3 =	sadd.s32 $0x88, s3;
	s6 =	simm.s32 @!p1 $0x1082;
	[sflag:s4] =	ssyncset.s32 $0xFFFFF086  }
0x25: {  	[simem:s6], [sflag:s4] =	dma.local [hbm:s3], $0xF7A  }
0x26: {  	[smem:$0x3F96] =	sst s1;
	(tag) =	ssettag s2;
	_ =	strace s9  }
0x27: {  	s1 =	sld [smem:$0x3FA6]  }
0x28: {  	s2 =	sld [smem:$0x3FA7]  }
0x29: {  	s4 =	sld [smem:$0x3FA9]  }
0x2a: {  	p0 =	seq.s32 s5, $0x0;
	s5 =	sld [smem:$0x3FAA]  }
0x2b: {  	s6 =	sld [smem:$0x3FAB]  }
0x2c: {  	s7 =	sld [smem:$0x3FAC]  }
0x2d: {  	s3 =	simm.s32 $0x108;
	s8 =	sld [smem:$0x3FAD]  }
0x2e: {  	s3 =	simm.s32 @!p0 $0x1082;
	s9 =	sld [smem:$0x3FAE]  }
0x2f: {  	lr =	sadd.s32 s0, s3;
	s0 =	sld [smem:$0x3FA5]  }
0x30: {  	s3 =	sld [smem:$0x3FA8]  }
0x31: {  	[smem:$0x3FB1] =	sst s10  }
0x32: {  	s10 =	sld [smem:$0x3FAF];
	_ =	sdelay $0x3  }
0x33: {  	p0 =	seq.s32 s10, $0x1;
	s10 =	sld [smem:$0x3FB1];
	_ =	sdelay $0x3  }
0x34: {  	[smem:$0x3FB1] =	sst s10  }
0x35: {  	s10 =	sld [smem:$0x3FB0];
	_ =	sdelay $0x3  }
0x36: {  	p1 =	seq.s32 s10, $0x1;
	s10 =	sld [smem:$0x3FB1];
	_ =	sdelay $0x3  }
0x37: {  	[smem:$0x3FB1] =	sst s10  }
0x38: {  	s10 =	sld [smem:$0x3FB2]  }
0x39: {  	_ = 	snop;
	(pc) =	sbr.ind lr, $3  }
0x3a: {  	_ = 	snop  }
0x3b: {  	_ = 	snop  }
0x3c: {  	p2 =	seq.s32 s10, $0x1;
	s10 =	sld [smem:$0x3FB1]  }
0x3d: {  	_ =	shalt  }
0x3e: {  	_ =	shalt  }
0x3f: {  	_ =	shalt  }
0x40: {  	_ =	shalt  }
0x41: {  	_ =	shalt  }
0x42: {  	_ =	shalt  }
0x43: {  	_ =	shalt  }
0x44: {  	_ =	shalt  }
0x45: {  	_ =	shalt  }
0x46: {  	_ =	shalt  }
0x47: {  	_ =	shalt  }
0x48: {  	_ =	shalt  }
0x49: {  	_ =	shalt  }
0x4a: {  	_ =	shalt  }
0x4b: {  	_ =	shalt  }
0x4c: {  	_ =	shalt  }
0x4d: {  	_ =	shalt  }
0x4e: {  	_ =	shalt  }
0x4f: {  	_ =	shalt  }
0x50: {  	_ =	shalt  }
0x51: {  	_ =	shalt  }
0x52: {  	_ =	shalt  }
0x53: {  	_ =	shalt  }
0x54: {  	_ =	shalt  }
0x55: {  	_ =	shalt  }
0x56: {  	_ =	shalt  }
0x57: {  	_ =	shalt  }
0x58: {  	_ =	shalt  }
0x59: {  	_ =	shalt  }
0x5a: {  	_ =	shalt  }
0x5b: {  	_ =	shalt  }
0x5c: {  	_ =	shalt  }
0x5d: {  	_ =	shalt  }
0x5e: {  	_ =	shalt  }
0x5f: {  	_ =	shalt  }
0x60: {  	_ =	shalt  }
0x61: {  	_ =	shalt  }
0x62: {  	_ =	shalt  }
0x63: {  	_ =	shalt  }
0x64: {  	_ =	shalt  }
0x65: {  	_ =	shalt  }
0x66: {  	_ =	shalt  }
0x67: {  	_ =	shalt  }
0x68: {  	_ =	shalt  }
0x69: {  	_ =	shalt  }
0x6a: {  	_ =	shalt  }
0x6b: {  	_ =	shalt  }
0x6c: {  	_ =	shalt  }
0x6d: {  	_ =	shalt  }
0x6e: {  	_ =	shalt  }
0x6f: {  	_ =	shalt  }
0x70: {  	_ =	shalt  }
0x71: {  	_ =	shalt  }
0x72: {  	_ =	shalt  }
0x73: {  	_ =	shalt  }
0x74: {  	_ =	shalt  }
0x75: {  	_ =	shalt  }
0x76: {  	_ =	shalt  }
0x77: {  	_ =	shalt  }
0x78: {  	_ =	shalt  }
0x79: {  	_ =	shalt  }
0x7a: {  	_ =	shalt  }
0x7b: {  	_ =	shalt  }
0x7c: {  	_ =	shalt  }
0x7d: {  	_ =	shalt  }
0x7e: {  	_ =	shalt  }
0x7f: {  	_ =	shalt  }
0x80: {  	_ =	shalt  }
0x81: {  	_ =	shalt  }
0x82: {  	_ =	shalt  }
0x83: {  	_ =	shalt  }
0x84: {  	_ =	shalt  }
0x85: {  	_ =	shalt  }
0x86: {  	_ =	shalt  }
0x87: {  	_ =	shalt  }
.Lfunc_end0:
.L_simem_size_0:
called_computation.2_lowered:
.L_overlay_start_0:
0x88: {  	s2 =	sld [smem:$0x3FD9]  }
0x89: {  	s3 =	sld [smem:$0x3FFE];
	_ =	sdelay $0x1  }
0x8a: {  	s1 =	srdreg.scid  }
0x8b: {  	s0 =	sand.u32 $0x1, s1  }
0x8c: {  	s17 =	sshll.u32 s0, $0xA;
	s2 =	sadd.s32 s3, s2  }
0x8d: {  	s2 =	sadd.s32 s2, s17  }
0x8e: {  	[smem:$0x3FBD] =	sst s2  }
0x8f: {  	_ = 	snop  }
0x90: {  	s2 =	sld [smem:$0x3FD0];
	(tm) =	ssettm $0x1  }
0x91: {  	s18 =	sld [smem:$0x3FFB];
	_ =	sdelay $0x3  }
0x92: {  	_ =	strace s18  }
0x93: {  	s3 =	sld [smem:$0x3FFC];
	_ =	sdelay $0x3  }
0x94: {  	_ =	strace s3  }
0x95: {  	s3 =	sld [smem:$0x3FFD];
	_ =	sdelay $0x3  }
0x96: {  	_ =	strace s3  }
0x97: {  	_ =	strace $0x8FFFFFFF  }
0x98: {  	s19 =	sld [smem:$0x3FDB];
	_ =	sdelay $0x1  }
0x99: {  	s4 =	simm.s32 $_scs_section_size  }
0x9a: {  	s5 =	simm.s32 $_size__tile_overlayer_lowered;
	s6 =	simm.s32 $_tile_overlayer_lowered  }
0x9b: {  	s22 =	simm.s32 $0x1BFF;
	s21 =	sshll.u32 s6, $0x1;
	s3 =	sadd.s32 s4, s19  }
0x9c: {  	s7 =	simm.s32 $0x0;
	s20 =	sshll.u32 s5, $0x1;
	s5 =	sadd.s32 s21, s3  }
0x9d: {  	[timem:s7], [sflag:s22] =	dma.local [hbm:s5], s20  }
0x9e: {  	_ =	swait.ge [sflag:s22], s20  }
0x9f: {  	s4 =	ssub.s32 $0x0, s20;
	[sflag:s22] =	ssyncset.done $0x0  }
0xa0: {  	[sflag:s22] =	ssyncadd.s32 s4;
	_ =	sdelay $0x1  }
0xa1: {  	s23 =	simm.s32 $0x1B8B  }
0xa2: {  	_ =	swait.ge [sflag:s23], $0x1  }
0xa3: {  	[sflag:s23] =	ssyncset.done $0x0  }
0xa4: {  	s25 =	simm.s32 $0x1B8E;
	s24 =	sld [smem:$0x3FFE];
	[sflag:s23] =	ssyncadd.s32 $0xFFFFFFFF  }
0xa5: {  	s26 =	simm.s32 $execute0_lowered;
	[smem:$0x3FD2] =	sst s25  }
0xa6: {  	s5 =	sshll.u32 s26, $0x1;
	_ =	strace $0x8000004C;
	[dreg:$0x1] =	wrdreg $0xFFFFFFFF  }
0xa7: {  	s28 =	simm.s32 $_size_execute0_lowered;
	s3 =	sadd.s32 s3, s5;
	[dreg:$0x0] =	wrdreg $0x0  }
0xa8: {  	s5 =	sshll.u32 s28, $0x1;
	[dreg:$0x2] =	wrdreg s3  }
0xa9: {  	[dreg:$0x3] =	wrdreg s5  }
0xaa: {  	[dreg:$0x4] =	wrdreg $0xC0  }
0xab: {  	_ =	task [dreg:s7], $0x5FFFF  }
0xac: {  	[dreg:$0x1] =	wrdreg $0xFFFFFFFF  }
0xad: {  	[dreg:$0x0] =	wrdreg $0x60  }
0xae: {  	[dreg:$0x2] =	wrdreg s24  }
0xaf: {  	[dreg:$0x3] =	wrdreg s2  }
0xb0: {  	[dreg:$0x4] =	wrdreg $0x15D000  }
0xb1: {  	[dreg:$0x5] =	wrdreg $0xBD000  }
0xb2: {  	[dreg:$0x6] =	wrdreg $0x9  }
0xb3: {  	_ =	task.clear_ibuf [dreg:s7], $0x7FFFF;
	_ =	strace $0x9000004C  }
0xb4: {  	s29 =	simm.s32 $0x9;
	_ =	strace $0x8000004E  }
0xb5: {  	_ =	swait.ge [sflag:s29], $0x1  }
0xb6: {  	[sflag:s29] =	ssyncadd.s32 $0xFFFFFFFF  }
0xb7: {  	_ =	strace $0x9000004E  }
0xb8: {  	_ =	sfence  }
0xb9: {  	s30 =	sld [smem:$0x0];
	_ =	sdelay $0x2  }
0xba: {  	s31 =	sshll.u32 s1, $0xD;
	s1 =	sshrl.u32 s1, $0x2  }
0xbb: {  	s3 =	sand.u32 $0x4000, s31;
	s1 =	sadd.s32 s1, s30  }
0xbc: {  	s0 =	sor.u32 s3, s0;
	s1 =	sshll.u32 s1, $0x11  }
0xbd: {  	s0 =	sor.u32 s1, s0  }
0xbe: {  	s0 =	sadd.s32 $0x8F2B, s0  }
0xbf: {  	[sflag:s0] =	ssyncadd.remote.s32 $0x1  }
0xc0: {  	_ =	sfence.sel $0xFFFF  }
0xc1: {  	[dreg:$0x0] =	wrdreg $0xFFFFFFFF;
	(pc) =	sbr.abs _section_cstart, $3  }
0xc2: {  	[dreg:$0x1] =	wrdreg $0xFFFFFFFF  }
0xc3: {  	_ =	task.clear_ibuf [dreg:s7], $0x2FFFF;
	_ =	strace $0x9FFFFFFF  }
0xc4: {  	(tm) =	ssettm $0x7FFFFFFF  }
0xc5: {  	_ =	shalt  }
tec
execute0_lowered:
.L_overlay_start_1:
0x0: {  	(tag) =	ssettag $0x1  }
0x1: {  	s0 =	srdreg.scid;
	s19 =	stileid.u32  }
0x2: {  	s3 =	rddreg [dreg:$0x0];
	s4 =	smul.u32 $0x9D0, s19  }
0x3: {  	s1 =	simm.s32 $0x0;
	s0 =	sand.u32 $0x1, s0;
	s6 =	smul.u32 $0xA000, s19  }
0x4: {  	[smem:$0x7FF] =	sst s1;
	s2 =	smul.u32 $0x14000, s0  }
0x5: {  	s14 =	sadd.s32 $0x98200, s3;
	s5 =	ssub.s32 $0x2, s0;
	s15 =	smul.u32 $0xA0000, s0  }
0x6: {  	s8 =	sadd.s32 s4, s3;
	s25 =	sshrl.u32 s5, $0x1;
	s11 =	sor.u32 $0x1000, s6  }
0x7: {  	s10 =	sadd.s32 $0x2000, s6;
	s9 =	sadd.s32 $0x3000, s6;
	s7 =	sadd.s32 $0x4000, s6  }
0x8: {  	s4 =	sadd.s32 $0x6000, s6;
	s0 =	sadd.s32 $0x9000, s6;
	s2 =	sadd.s32 s2, s3  }
0x9: {  	s12 =	ssub.s32 s5, s25;
	s5 =	sadd.s32 $0x5000, s6;
	s16 =	sadd.s32 s15, s6  }
0xa: {  	s3 =	sadd.s32 $0x8000, s6;
	s26 =	sadd.s32 s15, s11;
	s17 =	sadd.s32 s15, s10  }
0xb: {  	s18 =	sadd.s32 s15, s9;
	s20 =	sadd.s32 s15, s7;
	s22 =	sadd.s32 s15, s4  }
0xc: {  	s13 =	sadd.s32 $0x70200, s2;
	s16 =	sshrl.u32 s16, $0x3;
	s17 =	sshrl.u32 s17, $0x3  }
0xd: {  	s18 =	sshrl.u32 s18, $0x3;
	s21 =	sadd.s32 s15, s5;
	s16 =	sadd.s32 s14, s16  }
0xe: {  	s17 =	sadd.s32 s14, s17;
	[dreg:$0x5] =	wrdreg s16;
	s16 =	sshrl.u32 s26, $0x3  }
0xf: {  	[dreg:$0x7] =	wrdreg s17;
	s17 =	sshrl.u32 s21, $0x3;
	s16 =	sadd.s32 s14, s16  }
0x10: {  	s26 =	sadd.s32 s15, s3;
	s23 =	sadd.s32 s14, s17;
	[dreg:$0x6] =	wrdreg s16  }
0x11: {  	s17 =	sshrl.u32 s26, $0x3;
	s16 =	sadd.s32 s14, s18;
	[dreg:$0xa] =	wrdreg s23  }
0x12: {  	s17 =	sadd.s32 s14, s17;
	[dreg:$0x8] =	wrdreg s16;
	s16 =	sshrl.u32 s20, $0x3  }
0x13: {  	[dreg:$0xd] =	wrdreg s17;
	s20 =	sshrl.u32 s11, $0x3;
	s16 =	sadd.s32 s14, s16  }
0x14: {  	s2 =	sadd.s32 $0x7000, s6;
	s21 =	sadd.s32 s20, s13;
	[dreg:$0x9] =	wrdreg s16  }
0x15: {  	s24 =	sshrl.u32 s22, $0x3;
	s22 =	sshrl.u32 s10, $0x3;
	[dreg:$0x10] =	wrdreg s21  }
0x16: {  	s25 =	sadd.s32 s15, s2;
	s16 =	sadd.s32 s14, s24;
	s21 =	rddreg [dreg:$0x2]  }
0x17: {  	s15 =	sadd.s32 s15, s0;
	s24 =	sshrl.u32 s7, $0x3;
	[dreg:$0xb] =	wrdreg s16  }
0x18: {  	s16 =	sshrl.u32 s25, $0x3;
	s25 =	sadd.s32 s24, s13;
	s24 =	rddreg [dreg:$0x3]  }
0x19: {  	s15 =	sshrl.u32 s15, $0x3;
	s16 =	sadd.s32 s14, s16;
	[dreg:$0x13] =	wrdreg s25  }
0x1a: {  	s18 =	sshrl.u32 s6, $0x3;
	s14 =	sadd.s32 s14, s15;
	[dreg:$0xc] =	wrdreg s16  }
0x1b: {  	s26 =	sshrl.u32 s5, $0x3;
	[dreg:$0xe] =	wrdreg s14;
	s14 =	sadd.s32 s18, s13  }
0x1c: {  	s16 =	sshrl.u32 s2, $0x3;
	[dreg:$0xf] =	wrdreg s14;
	s14 =	sadd.s32 s22, s13  }
0x1d: {  	s23 =	sshrl.u32 s9, $0x3;
	s17 =	sadd.s32 s16, s13;
	[dreg:$0x11] =	wrdreg s14  }
0x1e: {  	s15 =	sshrl.u32 s4, $0x3;
	s14 =	sadd.s32 s23, s13;
	[dreg:$0x16] =	wrdreg s17  }
0x1f: {  	s18 =	smul.u32 $0x28000, s19;
	[dreg:$0x12] =	wrdreg s14;
	s14 =	sadd.s32 s26, s13  }
0x20: {  	s19 =	sshrl.u32 s3, $0x3;
	[dreg:$0x14] =	wrdreg s14;
	s14 =	sadd.s32 s15, s13  }
0x21: {  	s20 =	sshrl.u32 s0, $0x3;
	s15 =	sadd.s32 s19, s13;
	[dreg:$0x15] =	wrdreg s14  }
0x22: {  	s13 =	sadd.s32 s20, s13;
	[dreg:$0x17] =	wrdreg s15  }
0x23: {  	s23 =	sadd.s32 $0xC400, s8;
	[dreg:$0x18] =	wrdreg s13  }
0x24: {  	s8 =	sadd.s32 $0x2600, s8;
	_ =	strace $0x8000004D;
	[dreg:$0x19] =	wrdreg s23  }
0x25: {  	s25 =	smax.u32 s12, $0x1;
	[dreg:$0x1a] =	wrdreg s8  }
0x26: {  	s12 =	sadd.s32 s6, s21;
	[dreg:$0x1b] =	wrdreg s25  }
0x27: {  	s6 =	sadd.s32 s6, s24;
	[dreg:$0x1c] =	wrdreg s12  }
0x28: {  	s13 =	sadd.s32 s11, s24;
	[dreg:$0x1d] =	wrdreg s6  }
0x29: {  	s14 =	sadd.s32 s11, s21;
	[dreg:$0x1e] =	wrdreg s13  }
0x2a: {  	s15 =	sadd.s32 s10, s24;
	[dreg:$0x1f] =	wrdreg s14  }
0x2b: {  	s16 =	sadd.s32 s10, s21;
	[smem:$0x7F3] =	sst s15  }
0x2c: {  	s22 =	sshrl.u32 s18, $0x2;
	s17 =	sadd.s32 s9, s24;
	[smem:$0x7F4] =	sst s16  }
0x2d: {  	s18 =	sadd.s32 s9, s21;
	s9 =	simm.s32 $0x0;
	[smem:$0x7F5] =	sst s17  }
0x2e: {  	s26 =	sadd.s32 s22, s21;
	s19 =	sadd.s32 s7, s24;
	[smem:$0x7F6] =	sst s18  }
0x2f: {  	s22 =	sadd.s32 s5, s24;
	s20 =	sadd.s32 s7, s21;
	[smem:$0x7F7] =	sst s19  }
0x30: {  	s5 =	sadd.s32 s5, s21;
	s28 =	sadd.s32 $0x5000, s26;
	[smem:$0x7F8] =	sst s20  }
0x31: {  	s29 =	sadd.s32 $0x6000, s26;
	s30 =	sadd.s32 $0x7000, s26;
	[smem:$0x7F9] =	sst s22  }
0x32: {  	s31 =	sadd.s32 $0x8000, s26;
	s7 =	simm.s32 $0x3;
	[smem:$0x7FA] =	sst s5  }
0x33: {  	s23 =	sadd.s32 s4, s24;
	s4 =	sadd.s32 s4, s21;
	s25 =	sadd.s32 s2, s24  }
0x34: {  	s13 =	sadd.s32 s2, s21;
	s14 =	sadd.s32 s3, s24;
	s15 =	sadd.s32 s3, s21  }
0x35: {  	s16 =	sadd.s32 s0, s24;
	s17 =	sadd.s32 s0, s21;
	s18 =	sadd.s32 $0x1000, s26  }
0x36: {  	s19 =	sadd.s32 $0x2000, s26;
	s22 =	sadd.s32 $0x9000, s26;
	s0 =	simm.s32 $0x9D00  }
0x37: {  	s20 =	simm.s32 $0x5;
	s2 =	simm.s32 $0x4E80;
	[smem:$0x7FB] =	sst s23  }
0x38: {  	s3 =	simm.s32 $0x40;
	s5 =	simm.s32 $0xAD00;
	[smem:$0x7FC] =	sst s4  }
0x39: {  	s6 =	simm.s32 $0x2;
	s8 =	simm.s32 $0x4;
	[smem:$0x7FD] =	sst s25  }
0x3a: {  	s23 =	sadd.s32 $0x3000, s26;
	s25 =	sadd.s32 $0x4000, s26;
	s4 =	simm.s32 $0x1  }
.LBB2_1:
0x3b: {  	s10 =	rddreg [dreg:$0x1]  }
0x3c: {  	[tilespmem:s0], [sflag:$0x5] =	stream.linear.gather [hbm4b:s10+s1], $0x1000, $0x38;
	[tilespmem:$0x1FD00] =	vst v63  }
0x3d: {  	_ =	swait.ge [sflag:s20], $0x1000  }
0x3e: {  	[sflag:s20] =	ssyncset.done $0x0  }
0x3f: {  	[sflag:s20] =	ssyncadd.s32 $0xFFFFF000  }
0x40: {  	[spmem:s26] =	stream.linear.scatter [tilespmem:s0], [sflag:$0x5], $0x1000, $0x38;
	[tilespmem:$0x1FD00] =	vst v63  }
0x41: {  	_ =	swait.ge [sflag:s20], $0x1000  }
0x42: {  	[sflag:s20] =	ssyncset.done $0x0  }
0x43: {  	[sflag:s20] =	ssyncadd.s32 $0xFFFFF000  }
0x44: {  	[spmem:s18] =	stream.linear.scatter [tilespmem:s0], [sflag:$0x5], $0x1000, $0x38;
	[tilespmem:$0x1FD00] =	vst v63  }
0x45: {  	_ =	swait.ge [sflag:s20], $0x1000  }
0x46: {  	[sflag:s20] =	ssyncset.done $0x0  }
0x47: {  	[sflag:s20] =	ssyncadd.s32 $0xFFFFF000  }
0x48: {  	[spmem:s19] =	stream.linear.scatter [tilespmem:s0], [sflag:$0x5], $0x1000, $0x38;
	[tilespmem:$0x1FD00] =	vst v63  }
0x49: {  	_ =	swait.ge [sflag:s20], $0x1000  }
0x4a: {  	[sflag:s20] =	ssyncset.done $0x0  }
0x4b: {  	[sflag:s20] =	ssyncadd.s32 $0xFFFFF000  }
0x4c: {  	[spmem:s23] =	stream.linear.scatter [tilespmem:s0], [sflag:$0x5], $0x1000, $0x38;
	[tilespmem:$0x1FD00] =	vst v63  }
0x4d: {  	_ =	swait.ge [sflag:s20], $0x1000  }
0x4e: {  	[sflag:s20] =	ssyncset.done $0x0  }
0x4f: {  	[sflag:s20] =	ssyncadd.s32 $0xFFFFF000  }
0x50: {  	[spmem:s25] =	stream.linear.scatter [tilespmem:s0], [sflag:$0x5], $0x1000, $0x38;
	[tilespmem:$0x1FD00] =	vst v63  }
0x51: {  	_ =	swait.ge [sflag:s20], $0x1000  }
0x52: {  	[sflag:s20] =	ssyncset.done $0x0  }
0x53: {  	[sflag:s20] =	ssyncadd.s32 $0xFFFFF000  }
0x54: {  	[spmem:s28] =	stream.linear.scatter [tilespmem:s0], [sflag:$0x5], $0x1000, $0x38;
	[tilespmem:$0x1FD00] =	vst v63  }
0x55: {  	_ =	swait.ge [sflag:s20], $0x1000  }
0x56: {  	[sflag:s20] =	ssyncset.done $0x0  }
0x57: {  	[sflag:s20] =	ssyncadd.s32 $0xFFFFF000  }
0x58: {  	[spmem:s29] =	stream.linear.scatter [tilespmem:s0], [sflag:$0x5], $0x1000, $0x38;
	[tilespmem:$0x1FD00] =	vst v63  }
0x59: {  	_ =	swait.ge [sflag:s20], $0x1000  }
0x5a: {  	[sflag:s20] =	ssyncset.done $0x0  }
0x5b: {  	[sflag:s20] =	ssyncadd.s32 $0xFFFFF000  }
0x5c: {  	[spmem:s30] =	stream.linear.scatter [tilespmem:s0], [sflag:$0x5], $0x1000, $0x38;
	[tilespmem:$0x1FD00] =	vst v63  }
0x5d: {  	_ =	swait.ge [sflag:s20], $0x1000  }
0x5e: {  	[sflag:s20] =	ssyncset.done $0x0  }
0x5f: {  	[sflag:s20] =	ssyncadd.s32 $0xFFFFF000  }
0x60: {  	[spmem:s31] =	stream.linear.scatter [tilespmem:s0], [sflag:$0x5], $0x1000, $0x38;
	[tilespmem:$0x1FD00] =	vst v63  }
0x61: {  	_ =	swait.ge [sflag:s20], $0x1000  }
0x62: {  	[sflag:s20] =	ssyncset.done $0x0  }
0x63: {  	[sflag:s20] =	ssyncadd.s32 $0xFFFFF000  }
0x64: {  	[spmem:s22] =	stream.linear.scatter [tilespmem:s0], [sflag:$0x5], $0x1000, $0x38;
	[tilespmem:$0x1FD00] =	vst v63  }
0x65: {  	_ =	swait.ge [sflag:s20], $0x1000  }
0x66: {  	[sflag:s20] =	ssyncset.done $0x0  }
0x67: {  	s11 =	rddreg [dreg:$0xf];
	[sflag:s20] =	ssyncadd.s32 $0xFFFFF000  }
0x68: {  	[tilespmem:s0], [sflag:$0x5] =	stream.linear.gather [hbm4b:s11+s1], $0x1000, $0x38;
	[tilespmem:$0x1FD00] =	vst v63  }
0x69: {  	_ =	swait.ge [sflag:s20], $0x1000  }
0x6a: {  	[sflag:s20] =	ssyncset.done $0x0  }
0x6b: {  	s12 =	rddreg [dreg:$0x1d];
	[sflag:s20] =	ssyncadd.s32 $0xFFFFF000  }
0x6c: {  	[spmem:s12] =	stream.linear.scatter [tilespmem:s0], [sflag:$0x5], $0x1000, $0x38;
	[tilespmem:$0x1FD00] =	vst v63  }
0x6d: {  	_ =	swait.ge [sflag:s20], $0x1000  }
0x6e: {  	[sflag:s20] =	ssyncset.done $0x0  }
0x6f: {  	s11 =	rddreg [dreg:$0x10];
	[sflag:s20] =	ssyncadd.s32 $0xFFFFF000  }
0x70: {  	[tilespmem:s0], [sflag:$0x5] =	stream.linear.gather [hbm4b:s11+s1], $0x1000, $0x38;
	[tilespmem:$0x1FD00] =	vst v63  }
0x71: {  	_ =	swait.ge [sflag:s20], $0x1000  }
0x72: {  	[sflag:s20] =	ssyncset.done $0x0  }
0x73: {  	s12 =	rddreg [dreg:$0x1e];
	[sflag:s20] =	ssyncadd.s32 $0xFFFFF000  }
0x74: {  	[spmem:s12] =	stream.linear.scatter [tilespmem:s0], [sflag:$0x5], $0x1000, $0x38;
	[tilespmem:$0x1FD00] =	vst v63  }
0x75: {  	_ =	swait.ge [sflag:s20], $0x1000  }
0x76: {  	[sflag:s20] =	ssyncset.done $0x0  }
0x77: {  	s11 =	rddreg [dreg:$0x11];
	[sflag:s20] =	ssyncadd.s32 $0xFFFFF000  }
0x78: {  	[tilespmem:s0], [sflag:$0x5] =	stream.linear.gather [hbm4b:s11+s1], $0x1000, $0x38;
	[tilespmem:$0x1FD00] =	vst v63  }
0x79: {  	_ =	swait.ge [sflag:s20], $0x1000  }
0x7a: {  	s12 =	sld [smem:$0x7F3]  }
0x7b: {  	[sflag:s20] =	ssyncset.done $0x0  }
0x7c: {  	[sflag:s20] =	ssyncadd.s32 $0xFFFFF000  }
0x7d: {  	[spmem:s12] =	stream.linear.scatter [tilespmem:s0], [sflag:$0x5], $0x1000, $0x38;
	[tilespmem:$0x1FD00] =	vst v63  }
0x7e: {  	_ =	swait.ge [sflag:s20], $0x1000  }
0x7f: {  	[sflag:s20] =	ssyncset.done $0x0  }
0x80: {  	s11 =	rddreg [dreg:$0x12];
	[sflag:s20] =	ssyncadd.s32 $0xFFFFF000  }
0x81: {  	[tilespmem:s0], [sflag:$0x5] =	stream.linear.gather [hbm4b:s11+s1], $0x1000, $0x38;
	[tilespmem:$0x1FD00] =	vst v63  }
0x82: {  	_ =	swait.ge [sflag:s20], $0x1000  }
0x83: {  	s12 =	sld [smem:$0x7F5]  }
0x84: {  	[sflag:s20] =	ssyncset.done $0x0  }
0x85: {  	[sflag:s20] =	ssyncadd.s32 $0xFFFFF000  }
0x86: {  	[spmem:s12] =	stream.linear.scatter [tilespmem:s0], [sflag:$0x5], $0x1000, $0x38;
	[tilespmem:$0x1FD00] =	vst v63  }
0x87: {  	_ =	swait.ge [sflag:s20], $0x1000  }
0x88: {  	[sflag:s20] =	ssyncset.done $0x0  }
0x89: {  	s11 =	rddreg [dreg:$0x13];
	[sflag:s20] =	ssyncadd.s32 $0xFFFFF000  }
0x8a: {  	[tilespmem:s0], [sflag:$0x5] =	stream.linear.gather [hbm4b:s11+s1], $0x1000, $0x38;
	[tilespmem:$0x1FD00] =	vst v63  }
0x8b: {  	_ =	swait.ge [sflag:s20], $0x1000  }
0x8c: {  	s12 =	sld [smem:$0x7F7]  }
0x8d: {  	[sflag:s20] =	ssyncset.done $0x0  }
0x8e: {  	[sflag:s20] =	ssyncadd.s32 $0xFFFFF000  }
0x8f: {  	[spmem:s12] =	stream.linear.scatter [tilespmem:s0], [sflag:$0x5], $0x1000, $0x38;
	[tilespmem:$0x1FD00] =	vst v63  }
0x90: {  	_ =	swait.ge [sflag:s20], $0x1000  }
0x91: {  	[sflag:s20] =	ssyncset.done $0x0  }
0x92: {  	s11 =	rddreg [dreg:$0x14];
	[sflag:s20] =	ssyncadd.s32 $0xFFFFF000  }
0x93: {  	[tilespmem:s0], [sflag:$0x5] =	stream.linear.gather [hbm4b:s11+s1], $0x1000, $0x38;
	[tilespmem:$0x1FD00] =	vst v63  }
0x94: {  	_ =	swait.ge [sflag:s20], $0x1000  }
0x95: {  	s12 =	sld [smem:$0x7F9]  }
0x96: {  	[sflag:s20] =	ssyncset.done $0x0  }
0x97: {  	[sflag:s20] =	ssyncadd.s32 $0xFFFFF000  }
0x98: {  	[spmem:s12] =	stream.linear.scatter [tilespmem:s0], [sflag:$0x5], $0x1000, $0x38;
	[tilespmem:$0x1FD00] =	vst v63  }
0x99: {  	_ =	swait.ge [sflag:s20], $0x1000  }
0x9a: {  	[sflag:s20] =	ssyncset.done $0x0  }
0x9b: {  	s11 =	rddreg [dreg:$0x15];
	[sflag:s20] =	ssyncadd.s32 $0xFFFFF000  }
0x9c: {  	[tilespmem:s0], [sflag:$0x5] =	stream.linear.gather [hbm4b:s11+s1], $0x1000, $0x38;
	[tilespmem:$0x1FD00] =	vst v63  }
0x9d: {  	_ =	swait.ge [sflag:s20], $0x1000  }
0x9e: {  	s12 =	sld [smem:$0x7FB]  }
0x9f: {  	[sflag:s20] =	ssyncset.done $0x0  }
0xa0: {  	[sflag:s20] =	ssyncadd.s32 $0xFFFFF000  }
0xa1: {  	[spmem:s12] =	stream.linear.scatter [tilespmem:s0], [sflag:$0x5], $0x1000, $0x38;
	[tilespmem:$0x1FD00] =	vst v63  }
0xa2: {  	_ =	swait.ge [sflag:s20], $0x1000  }
0xa3: {  	[sflag:s20] =	ssyncset.done $0x0  }
0xa4: {  	s11 =	rddreg [dreg:$0x16];
	[sflag:s20] =	ssyncadd.s32 $0xFFFFF000  }
0xa5: {  	[tilespmem:s0], [sflag:$0x5] =	stream.linear.gather [hbm4b:s11+s1], $0x1000, $0x38;
	[tilespmem:$0x1FD00] =	vst v63  }
0xa6: {  	_ =	swait.ge [sflag:s20], $0x1000  }
0xa7: {  	s12 =	sld [smem:$0x7FD]  }
0xa8: {  	[sflag:s20] =	ssyncset.done $0x0  }
0xa9: {  	[sflag:s20] =	ssyncadd.s32 $0xFFFFF000  }
0xaa: {  	[spmem:s12] =	stream.linear.scatter [tilespmem:s0], [sflag:$0x5], $0x1000, $0x38;
	[tilespmem:$0x1FD00] =	vst v63  }
0xab: {  	_ =	swait.ge [sflag:s20], $0x1000  }
0xac: {  	[sflag:s20] =	ssyncset.done $0x0  }
0xad: {  	s11 =	rddreg [dreg:$0x17];
	[sflag:s20] =	ssyncadd.s32 $0xFFFFF000  }
0xae: {  	[tilespmem:s0], [sflag:$0x5] =	stream.linear.gather [hbm4b:s11+s1], $0x1000, $0x38;
	[tilespmem:$0x1FD00] =	vst v63  }
0xaf: {  	_ =	swait.ge [sflag:s20], $0x1000  }
0xb0: {  	[sflag:s20] =	ssyncset.done $0x0  }
0xb1: {  	[sflag:s20] =	ssyncadd.s32 $0xFFFFF000  }
0xb2: {  	[spmem:s14] =	stream.linear.scatter [tilespmem:s0], [sflag:$0x5], $0x1000, $0x38;
	[tilespmem:$0x1FD00] =	vst v63  }
0xb3: {  	_ =	swait.ge [sflag:s20], $0x1000  }
0xb4: {  	[sflag:s20] =	ssyncset.done $0x0  }
0xb5: {  	s12 =	rddreg [dreg:$0x18];
	[sflag:s20] =	ssyncadd.s32 $0xFFFFF000  }
0xb6: {  	[tilespmem:s0], [sflag:$0x5] =	stream.linear.gather [hbm4b:s12+s1], $0x1000, $0x38;
	[tilespmem:$0x1FD00] =	vst v63  }
0xb7: {  	_ =	swait.ge [sflag:s20], $0x1000  }
0xb8: {  	[sflag:s20] =	ssyncset.done $0x0  }
0xb9: {  	[sflag:s20] =	ssyncadd.s32 $0xFFFFF000  }
0xba: {  	[spmem:s16] =	stream.linear.scatter [tilespmem:s0], [sflag:$0x5], $0x1000, $0x38;
	[tilespmem:$0x1FD00] =	vst v63  }
0xbb: {  	_ =	swait.ge [sflag:s20], $0x1000  }
0xbc: {  	[sflag:s20] =	ssyncset.done $0x0  }
0xbd: {  	s11 =	rddreg [dreg:$0x19];
	[sflag:s20] =	ssyncadd.s32 $0xFFFFF000  }
0xbe: {  	[tilespmem:s1], [sflag:$0x5] =	stream.linear.gather [hbm4b:s11+s1], $0x4E80, $0x38;
	[tilespmem:$0x1FD00] =	vst v63  }
0xbf: {  	_ =	swait.ge [sflag:s20], $0x4E80  }
0xc0: {  	[sflag:s20] =	ssyncset.done $0x0  }
0xc1: {  	s12 =	rddreg [dreg:$0x1a];
	[sflag:s20] =	ssyncadd.s32 $0xFFFFB180  }
0xc2: {  	[tilespmem:s2], [sflag:$0x5] =	stream.linear.gather [hbm4b:s12+s1], $0x4E80, $0x38;
	[tilespmem:$0x1FD00] =	vst v63  }
0xc3: {  	_ =	swait.ge [sflag:s20], $0x4E80  }
0xc4: {  	[sflag:s20] =	ssyncset.done $0x0  }
0xc5: {  	[sflag:s20] =	ssyncadd.s32 $0xFFFFB180  }
0xc6: {  	[bflag:$0x0] =	sbarrier.arrive $0xFFFF  }
0xc7: {  	[tilespmem:s0], [sflag:$0x1] =	stream.indirect.gather [spmem:s24], $0x40, s1, s3, $0xb8;
	[tilespmem:$0x1FD00] =	vst v63  }
0xc8: {  	_ =	swait.ge [sflag:s4], $0x1000  }
0xc9: {  	[sflag:s4] =	ssyncset.done $0x0  }
0xca: {  	[sflag:s4] =	ssyncadd.s32 $0xFFFFF000  }
0xcb: {  	[spmem:s21] =	stream.indirect.scatter.add.f32 [tilespmem:s0], [sflag:$0x3], $0x40, s2, s3, $0xb8;
	[tilespmem:$0x1FD00] =	vst v63  }
0xcc: {  	_ = 	snop  }
0xcd: {  	[tilespmem:s5], [sflag:$0x2] =	stream.indirect.gather [spmem:s24], $0x40, s3, s3, $0xb8;
	[tilespmem:$0x1FD00] =	vst v63  }
0xce: {  	_ =	swait.ge [sflag:s6], $0x1000  }
0xcf: {  	[sflag:s6] =	ssyncset.done $0x0  }
0xd0: {  	s11 =	simm.s32 $0x4EC0;
	[sflag:s6] =	ssyncadd.s32 $0xFFFFF000  }
0xd1: {  	[spmem:s21] =	stream.indirect.scatter.add.f32 [tilespmem:s5], [sflag:$0x4], $0x40, s11, s3, $0xb8;
	[tilespmem:$0x1FD00] =	vst v63  }
0xd2: {  	_ =	swait.ge [sflag:s7], $0x1000  }
0xd3: {  	[sflag:s7] =	ssyncset.done $0x0  }
0xd4: {  	s12 =	simm.s32 $0x80;
	[sflag:s7] =	ssyncadd.s32 $0xFFFFF000  }
0xd5: {  	[tilespmem:s0], [sflag:$0x1] =	stream.indirect.gather [spmem:s24], $0x40, s12, s3, $0xb8;
	[tilespmem:$0x1FD00] =	vst v63  }
0xd6: {  	_ =	swait.ge [sflag:s4], $0x1000  }
0xd7: {  	[sflag:s4] =	ssyncset.done $0x0  }
0xd8: {  	s11 =	simm.s32 $0x4F00;
	[sflag:s4] =	ssyncadd.s32 $0xFFFFF000  }
0xd9: {  	[spmem:s21] =	stream.indirect.scatter.add.f32 [tilespmem:s0], [sflag:$0x3], $0x40, s11, s3, $0xb8;
	[tilespmem:$0x1FD00] =	vst v63  }
0xda: {  	_ =	swait.ge [sflag:s8], $0x1000  }
0xdb: {  	[sflag:s8] =	ssyncset.done $0x0  }
0xdc: {  	s12 =	simm.s32 $0xC0;
	[sflag:s8] =	ssyncadd.s32 $0xFFFFF000  }
0xdd: {  	[tilespmem:s5], [sflag:$0x2] =	stream.indirect.gather [spmem:s24], $0x40, s12, s3, $0xb8;
	[tilespmem:$0x1FD00] =	vst v63  }
0xde: {  	_ =	swait.ge [sflag:s6], $0x1000  }
0xdf: {  	[sflag:s6] =	ssyncset.done $0x0  }
0xe0: {  	s10 =	simm.s32 $0xFFFECA00;
	s11 =	simm.s32 $0x4F40;
	[sflag:s6] =	ssyncadd.s32 $0xFFFFF000  }
.LBB2_2:
0xe1: {  	[spmem:s21] =	stream.indirect.scatter.add.f32 [tilespmem:s5], [sflag:$0x4], $0x40, s11, s3, $0xb8;
	[tilespmem:$0x1FD00] =	vst v63  }
0xe2: {  	s11 =	smov.u32 s10  }
0xe3: {  	p0 =	sne.s32 s10, $0xFFFFFE00;
	s10 =	sadd.s32 $0x200, s10;
	_ =	swait.ge [sflag:s7], $0x1000  }
0xe4: {  	s11 =	sshra.s32 s11, $0x2;
	[sflag:s7] =	ssyncset.done $0x0  }
0xe5: {  	s12 =	sadd.s32 $0x4E80, s11;
	[sflag:s7] =	ssyncadd.s32 $0xFFFFF000  }
0xe6: {  	[tilespmem:s0], [sflag:$0x1] =	stream.indirect.gather [spmem:s24], $0x40, s12, s3, $0xb8;
	[tilespmem:$0x1FD00] =	vst v63  }
0xe7: {  	_ =	swait.ge [sflag:s4], $0x1000  }
0xe8: {  	[sflag:s4] =	ssyncset.done $0x0  }
0xe9: {  	s12 =	sadd.s32 $0x9D00, s11;
	[sflag:s4] =	ssyncadd.s32 $0xFFFFF000  }
0xea: {  	[spmem:s21] =	stream.indirect.scatter.add.f32 [tilespmem:s0], [sflag:$0x3], $0x40, s12, s3, $0xb8;
	[tilespmem:$0x1FD00] =	vst v63  }
0xeb: {  	_ =	swait.ge [sflag:s8], $0x1000  }
0xec: {  	[sflag:s8] =	ssyncset.done $0x0  }
.Ltmp0:
0xed: {  	s12 =	sadd.s32 $0x4EC0, s11;
	[sflag:s8] =	ssyncadd.s32 $0xFFFFF000;
	(pc) =	sbr.rel @p0 .LBB2_2-.Ltmp0, $4  }
0xee: {  	[tilespmem:s5], [sflag:$0x2] =	stream.indirect.gather [spmem:s24], $0x40, s12, s3, $0xb8;
	[tilespmem:$0x1FD00] =	vst v63  }
0xef: {  	_ =	swait.ge [sflag:s6], $0x1000  }
0xf0: {  	[sflag:s6] =	ssyncset.done $0x0  }
0xf1: {  	s11 =	sadd.s32 $0x9D40, s11;
	[sflag:s6] =	ssyncadd.s32 $0xFFFFF000  }
0xf2: {  	[spmem:s21] =	stream.indirect.scatter.add.f32 [tilespmem:s5], [sflag:$0x4], $0x40, s11, s3, $0xb8;
	[tilespmem:$0x1FD00] =	vst v63  }
0xf3: {  	_ =	swait.ge [sflag:s7], $0x1000  }
0xf4: {  	[sflag:s7] =	ssyncset.done $0x0  }
0xf5: {  	[sflag:s7] =	ssyncadd.s32 $0xFFFFF000  }
0xf6: {  	_ =	swait.ge [sflag:s8], $0x1000  }
0xf7: {  	[sflag:s8] =	ssyncset.done $0x0  }
0xf8: {  	[sflag:s8] =	ssyncadd.s32 $0xFFFFF000  }
0xf9: {  	[bflag:$0x0] =	sbarrier.arrive $0xFFFF  }
0xfa: {  	s10 =	rddreg [dreg:$0x1c]  }
0xfb: {  	[tilespmem:s0], [sflag:$0x5] =	stream.linear.gather [spmem:s10], $0x1000, $0x38;
	[tilespmem:$0x1FD00] =	vst v63  }
0xfc: {  	_ =	swait.ge [sflag:s20], $0x1000  }
0xfd: {  	[sflag:s20] =	ssyncset.done $0x0  }
0xfe: {  	s12 =	rddreg [dreg:$0x5];
	[sflag:s20] =	ssyncadd.s32 $0xFFFFF000  }
0xff: {  	[hbm4b:s12+s1] =	stream.linear.scatter [tilespmem:s0], [sflag:$0x5], $0x1000, $0x38;
	[tilespmem:$0x1FD00] =	vst v63  }
0x100: {  	_ =	swait.ge [sflag:s20], $0x1000  }
0x101: {  	[sflag:s20] =	ssyncset.done $0x0  }
0x102: {  	s11 =	rddreg [dreg:$0x1f];
	[sflag:s20] =	ssyncadd.s32 $0xFFFFF000  }
0x103: {  	[tilespmem:s0], [sflag:$0x5] =	stream.linear.gather [spmem:s11], $0x1000, $0x38;
	[tilespmem:$0x1FD00] =	vst v63  }
0x104: {  	_ =	swait.ge [sflag:s20], $0x1000  }
0x105: {  	[sflag:s20] =	ssyncset.done $0x0  }
0x106: {  	s12 =	rddreg [dreg:$0x6];
	[sflag:s20] =	ssyncadd.s32 $0xFFFFF000  }
0x107: {  	[hbm4b:s12+s1] =	stream.linear.scatter [tilespmem:s0], [sflag:$0x5], $0x1000, $0x38;
	[tilespmem:$0x1FD00] =	vst v63  }
0x108: {  	_ =	swait.ge [sflag:s20], $0x1000  }
0x109: {  	s11 =	sld [smem:$0x7F4]  }
0x10a: {  	[sflag:s20] =	ssyncset.done $0x0  }
0x10b: {  	[sflag:s20] =	ssyncadd.s32 $0xFFFFF000  }
0x10c: {  	[tilespmem:s0], [sflag:$0x5] =	stream.linear.gather [spmem:s11], $0x1000, $0x38;
	[tilespmem:$0x1FD00] =	vst v63  }
0x10d: {  	_ =	swait.ge [sflag:s20], $0x1000  }
0x10e: {  	[sflag:s20] =	ssyncset.done $0x0  }
0x10f: {  	s12 =	rddreg [dreg:$0x7];
	[sflag:s20] =	ssyncadd.s32 $0xFFFFF000  }
0x110: {  	[hbm4b:s12+s1] =	stream.linear.scatter [tilespmem:s0], [sflag:$0x5], $0x1000, $0x38;
	[tilespmem:$0x1FD00] =	vst v63  }
0x111: {  	_ =	swait.ge [sflag:s20], $0x1000  }
0x112: {  	s11 =	sld [smem:$0x7F6]  }
0x113: {  	[sflag:s20] =	ssyncset.done $0x0  }
0x114: {  	[sflag:s20] =	ssyncadd.s32 $0xFFFFF000  }
0x115: {  	[tilespmem:s0], [sflag:$0x5] =	stream.linear.gather [spmem:s11], $0x1000, $0x38;
	[tilespmem:$0x1FD00] =	vst v63  }
0x116: {  	_ =	swait.ge [sflag:s20], $0x1000  }
0x117: {  	[sflag:s20] =	ssyncset.done $0x0  }
0x118: {  	s12 =	rddreg [dreg:$0x8];
	[sflag:s20] =	ssyncadd.s32 $0xFFFFF000  }
0x119: {  	[hbm4b:s12+s1] =	stream.linear.scatter [tilespmem:s0], [sflag:$0x5], $0x1000, $0x38;
	[tilespmem:$0x1FD00] =	vst v63  }
0x11a: {  	_ =	swait.ge [sflag:s20], $0x1000  }
0x11b: {  	s11 =	sld [smem:$0x7F8]  }
0x11c: {  	[sflag:s20] =	ssyncset.done $0x0  }
0x11d: {  	[sflag:s20] =	ssyncadd.s32 $0xFFFFF000  }
0x11e: {  	[tilespmem:s0], [sflag:$0x5] =	stream.linear.gather [spmem:s11], $0x1000, $0x38;
	[tilespmem:$0x1FD00] =	vst v63  }
0x11f: {  	_ =	swait.ge [sflag:s20], $0x1000  }
0x120: {  	[sflag:s20] =	ssyncset.done $0x0  }
0x121: {  	s12 =	rddreg [dreg:$0x9];
	[sflag:s20] =	ssyncadd.s32 $0xFFFFF000  }
0x122: {  	[hbm4b:s12+s1] =	stream.linear.scatter [tilespmem:s0], [sflag:$0x5], $0x1000, $0x38;
	[tilespmem:$0x1FD00] =	vst v63  }
0x123: {  	_ =	swait.ge [sflag:s20], $0x1000  }
0x124: {  	s11 =	sld [smem:$0x7FA]  }
0x125: {  	[sflag:s20] =	ssyncset.done $0x0  }
0x126: {  	[sflag:s20] =	ssyncadd.s32 $0xFFFFF000  }
0x127: {  	[tilespmem:s0], [sflag:$0x5] =	stream.linear.gather [spmem:s11], $0x1000, $0x38;
	[tilespmem:$0x1FD00] =	vst v63  }
0x128: {  	_ =	swait.ge [sflag:s20], $0x1000  }
0x129: {  	[sflag:s20] =	ssyncset.done $0x0  }
0x12a: {  	s12 =	rddreg [dreg:$0xa];
	[sflag:s20] =	ssyncadd.s32 $0xFFFFF000  }
0x12b: {  	[hbm4b:s12+s1] =	stream.linear.scatter [tilespmem:s0], [sflag:$0x5], $0x1000, $0x38;
	[tilespmem:$0x1FD00] =	vst v63  }
0x12c: {  	_ =	swait.ge [sflag:s20], $0x1000  }
0x12d: {  	s11 =	sld [smem:$0x7FC]  }
0x12e: {  	[sflag:s20] =	ssyncset.done $0x0  }
0x12f: {  	[sflag:s20] =	ssyncadd.s32 $0xFFFFF000  }
0x130: {  	[tilespmem:s0], [sflag:$0x5] =	stream.linear.gather [spmem:s11], $0x1000, $0x38;
	[tilespmem:$0x1FD00] =	vst v63  }
0x131: {  	_ =	swait.ge [sflag:s20], $0x1000  }
0x132: {  	[sflag:s20] =	ssyncset.done $0x0  }
0x133: {  	s12 =	rddreg [dreg:$0xb];
	[sflag:s20] =	ssyncadd.s32 $0xFFFFF000  }
0x134: {  	[hbm4b:s12+s1] =	stream.linear.scatter [tilespmem:s0], [sflag:$0x5], $0x1000, $0x38;
	[tilespmem:$0x1FD00] =	vst v63  }
0x135: {  	_ =	swait.ge [sflag:s20], $0x1000  }
0x136: {  	[sflag:s20] =	ssyncset.done $0x0  }
0x137: {  	[sflag:s20] =	ssyncadd.s32 $0xFFFFF000  }
0x138: {  	[tilespmem:s0], [sflag:$0x5] =	stream.linear.gather [spmem:s13], $0x1000, $0x38;
	[tilespmem:$0x1FD00] =	vst v63  }
0x139: {  	_ =	swait.ge [sflag:s20], $0x1000  }
0x13a: {  	[sflag:s20] =	ssyncset.done $0x0  }
0x13b: {  	s11 =	rddreg [dreg:$0xc];
	[sflag:s20] =	ssyncadd.s32 $0xFFFFF000  }
0x13c: {  	[hbm4b:s11+s1] =	stream.linear.scatter [tilespmem:s0], [sflag:$0x5], $0x1000, $0x38;
	[tilespmem:$0x1FD00] =	vst v63  }
0x13d: {  	_ =	swait.ge [sflag:s20], $0x1000  }
0x13e: {  	[sflag:s20] =	ssyncset.done $0x0  }
0x13f: {  	[sflag:s20] =	ssyncadd.s32 $0xFFFFF000  }
0x140: {  	[tilespmem:s0], [sflag:$0x5] =	stream.linear.gather [spmem:s15], $0x1000, $0x38;
	[tilespmem:$0x1FD00] =	vst v63  }
0x141: {  	_ =	swait.ge [sflag:s20], $0x1000  }
0x142: {  	[sflag:s20] =	ssyncset.done $0x0  }
0x143: {  	s12 =	rddreg [dreg:$0xd];
	[sflag:s20] =	ssyncadd.s32 $0xFFFFF000  }
0x144: {  	[hbm4b:s12+s1] =	stream.linear.scatter [tilespmem:s0], [sflag:$0x5], $0x1000, $0x38;
	[tilespmem:$0x1FD00] =	vst v63  }
0x145: {  	_ =	swait.ge [sflag:s20], $0x1000  }
0x146: {  	[sflag:s20] =	ssyncset.done $0x0  }
0x147: {  	[sflag:s20] =	ssyncadd.s32 $0xFFFFF000  }
0x148: {  	[tilespmem:s0], [sflag:$0x5] =	stream.linear.gather [spmem:s17], $0x1000, $0x38;
	[tilespmem:$0x1FD00] =	vst v63  }
0x149: {  	_ =	swait.ge [sflag:s20], $0x1000  }
0x14a: {  	[sflag:s20] =	ssyncset.done $0x0  }
0x14b: {  	s11 =	rddreg [dreg:$0xe];
	[sflag:s20] =	ssyncadd.s32 $0xFFFFF000  }
0x14c: {  	[hbm4b:s11+s1] =	stream.linear.scatter [tilespmem:s0], [sflag:$0x5], $0x1000, $0x38;
	[tilespmem:$0x1FD00] =	vst v63  }
0x14d: {  	_ =	swait.ge [sflag:s20], $0x1000  }
0x14e: {  	s9 =	sadd.s32 $0x1, s9;
	s12 =	rddreg [dreg:$0x1b]  }
0x14f: {  	p0 =	sne.s32 s9, s12  }
.Ltmp1:
0x150: {  	_ = 	snop;
	(pc) =	sbr.rel @p0 .LBB2_1-.Ltmp1, $3  }
0x151: {  	_ =	sdelay $0x1  }
0x152: {  	[sflag:s20] =	ssyncset.done $0x0  }
0x153: {  	[sflag:s20] =	ssyncadd.s32 $0xFFFFF000  }
0x154: {  	_ =	sfence.sel $0x180000  }
0x155: {  	[bflag:$0x0] =	sbarrier.arrive $0xFFFF  }
0x156: {  	_ =	strace $0x9000004D  }
0x157: {  	s0 =	stileid.u32;
	[bflag:$0x2] =	sbarrier.arrive $0xFFFF  }
0x158: {  	p0 =	sne.s32 s0, $0x0;
	s0 =	rddreg [dreg:$0x4]  }
0x159: {  	s0 =	sadd.s32 @!p0 $0x100000, s0  }
0x15a: {  	[sflag:s0] =	ssyncadd.tile.s32 @!p0 $0x1;
	_ =	shalt  }
.Lfunc_end2:
_tile_overlayer_lowered:
.L_overlay_start_2:
0x15b: {  	(tag) =	ssettag $0x2  }
0x15c: {  	s0 =	rddreg [dreg:$0x0];
	s2 =	stileid.u32  }
0x15d: {  	s1 =	rddreg [dreg:$0x1];
	p0 =	sne.s32 s2, $0x0  }
0x15e: {  	s3 =	rddreg [dreg:$0x2];
	[bflag:$0x3] =	sbarrier.arrive $0xFFFF;
	s2 =	simm.s32 @!p0 $0x1C05  }
0x15f: {  	[timem:s3], [sflag:s2] =	dma.local @!p0 [hbm:s0], s1  }
0x160: {  	s0 =	simm.s32 @!p0 $0x5  }
0x161: {  	_ =	swait.ge @!p0 [sflag:s0], s1  }
0x162: {  	s1 =	ssub.s32 @!p0 $0x0, s1;
	[sflag:s0] =	ssyncset.done @!p0 $0x0  }
0x163: {  	[sflag:s0] =	ssyncadd.s32 @!p0 s1  }
0x164: {  	[bflag:$0x3] =	sbarrier.arrive $0xFFFF  }
0x165: {  	_ =	shalt  }

// kernel: kernel.19.cloned.1.call-start
scs
__scs_entry_jumppad:
0x0: {  	(pc) =	sbr.rel $0x88, $3  }
0x1: {  	(tag) =	ssettag $0x0;
	lr =	simm.s32 $0x1  }
0x2: {  	[smem:$0x3F96] =	sst lr;
	_ =	strace $0xD0000000  }
0x3: {  	_ = 	snop  }
0x4: {  	_ = 	snop  }
0x5: {  	_ = 	snop  }
0x6: {  	_ = 	snop  }
0x7: {  	_ = 	snop  }
__scs_overlays_trampoline_lowered:
0x8: {  	[smem:$0x3FA5] =	sst s0  }
0x9: {  	[smem:$0x3FA6] =	sst s1  }
0xa: {  	[smem:$0x3FA7] =	sst s2  }
0xb: {  	[smem:$0x3FA8] =	sst s3  }
0xc: {  	[smem:$0x3FA9] =	sst s4  }
0xd: {  	[smem:$0x3FAA] =	sst s5  }
0xe: {  	[smem:$0x3FAB] =	sst s6  }
0xf: {  	[smem:$0x3FAC] =	sst s7  }
0x10: {  	[smem:$0x3FAD] =	sst s8  }
0x11: {  	[smem:$0x3FAE] =	sst s9;
	s0 =	simm.s32 @!p0 $0x0  }
0x12: {  	s1 =	sld [smem:$0x3F94];
	s0 =	simm.s32 @p0 $0x1  }
0x13: {  	[smem:$0x3FAF] =	sst s0;
	s0 =	simm.s32 @!p1 $0x0  }
0x14: {  	s2 =	sld [smem:$0x3F93];
	s0 =	simm.s32 @p1 $0x1  }
0x15: {  	[smem:$0x3FB0] =	sst s0;
	s0 =	simm.s32 @!p2 $0x0  }
0x16: {  	s3 =	sld [smem:$0x3FDB];
	s0 =	simm.s32 @p2 $0x1  }
0x17: {  	s4 =	simm.s32 $0x1BF5;
	[smem:$0x3FB2] =	sst s0  }
0x18: {  	s0 =	sld [smem:$0x3F95];
	_ =	swait.ge [sflag:s4], $0x0  }
0x19: {  	s7 =	sld [smem:$0x3F96]  }
0x1a: {  	s8 =	sadd.s32 $0xFFFFE003, lr  }
0x1b: {  	s9 =	sadd.s32 $0xFFFFFEF7, lr;
	s5 =	simm.s32 $0xFFFFFFFF;
	p2 =	slt.u32 s8, $0xFFFFF086  }
0x1c: {  	p1 =	slt.u32 s9, $0xF7A;
	s5 =	simm.s32 @!p2 $0x0  }
0x1d: {  	s5 =	simm.s32 @p1 $0x1;
	p0 =	seq.s32 s7, s2  }
0x1e: {  	s7 =	smul.u32 @!p0 $0xF7A, s2;
	p2 =	seq.s32 @!p0 s5, $0x0  }
0x1f: {  	s9 =	smul.u32 $0xF7A, s1;
	s8 =	simm.s32 @!p0 $0x1BF5;
	p2 =	por !p2, p0  }
0x20: {  	[sflag:s8] =	ssyncset.s32 @!p0 $0xFFFFF086;
	s6 =	sadd.s32 @!p0 s3, s7;
	s7 =	simm.s32 @!p0 $0x108  }
0x21: {  	s3 =	sadd.s32 s3, s9;
	s6 =	sadd.s32 @!p0 $0x88, s6;
	s7 =	simm.s32 @p2 $0x1082  }
0x22: {  	[simem:s7], [sflag:s8] =	dma.local @!p0 [hbm:s6], $0xF7A  }
0x23: {  	s9 =	sor.u32 $0xD0000000, s2;
	s6 =	simm.s32 $0x108;
	_ =	swait.ge @!p0 [sflag:s8], $0x0  }
0x24: {  	s3 =	sadd.s32 $0x88, s3;
	s6 =	simm.s32 @!p1 $0x1082;
	[sflag:s4] =	ssyncset.s32 $0xFFFFF086  }
0x25: {  	[simem:s6], [sflag:s4] =	dma.local [hbm:s3], $0xF7A  }
0x26: {  	[smem:$0x3F96] =	sst s1;
	(tag) =	ssettag s2;
	_ =	strace s9  }
0x27: {  	s1 =	sld [smem:$0x3FA6]  }
0x28: {  	s2 =	sld [smem:$0x3FA7]  }
0x29: {  	s4 =	sld [smem:$0x3FA9]  }
0x2a: {  	p0 =	seq.s32 s5, $0x0;
	s5 =	sld [smem:$0x3FAA]  }
0x2b: {  	s6 =	sld [smem:$0x3FAB]  }
0x2c: {  	s7 =	sld [smem:$0x3FAC]  }
0x2d: {  	s3 =	simm.s32 $0x108;
	s8 =	sld [smem:$0x3FAD]  }
0x2e: {  	s3 =	simm.s32 @!p0 $0x1082;
	s9 =	sld [smem:$0x3FAE]  }
0x2f: {  	lr =	sadd.s32 s0, s3;
	s0 =	sld [smem:$0x3FA5]  }
0x30: {  	s3 =	sld [smem:$0x3FA8]  }
0x31: {  	[smem:$0x3FB1] =	sst s10  }
0x32: {  	s10 =	sld [smem:$0x3FAF];
	_ =	sdelay $0x3  }
0x33: {  	p0 =	seq.s32 s10, $0x1;
	s10 =	sld [smem:$0x3FB1];
	_ =	sdelay $0x3  }
0x34: {  	[smem:$0x3FB1] =	sst s10  }
0x35: {  	s10 =	sld [smem:$0x3FB0];
	_ =	sdelay $0x3  }
0x36: {  	p1 =	seq.s32 s10, $0x1;
	s10 =	sld [smem:$0x3FB1];
	_ =	sdelay $0x3  }
0x37: {  	[smem:$0x3FB1] =	sst s10  }
0x38: {  	s10 =	sld [smem:$0x3FB2]  }
0x39: {  	_ = 	snop;
	(pc) =	sbr.ind lr, $3  }
0x3a: {  	_ = 	snop  }
0x3b: {  	_ = 	snop  }
0x3c: {  	p2 =	seq.s32 s10, $0x1;
	s10 =	sld [smem:$0x3FB1]  }
0x3d: {  	_ =	shalt  }
0x3e: {  	_ =	shalt  }
0x3f: {  	_ =	shalt  }
0x40: {  	_ =	shalt  }
0x41: {  	_ =	shalt  }
0x42: {  	_ =	shalt  }
0x43: {  	_ =	shalt  }
0x44: {  	_ =	shalt  }
0x45: {  	_ =	shalt  }
0x46: {  	_ =	shalt  }
0x47: {  	_ =	shalt  }
0x48: {  	_ =	shalt  }
0x49: {  	_ =	shalt  }
0x4a: {  	_ =	shalt  }
0x4b: {  	_ =	shalt  }
0x4c: {  	_ =	shalt  }
0x4d: {  	_ =	shalt  }
0x4e: {  	_ =	shalt  }
0x4f: {  	_ =	shalt  }
0x50: {  	_ =	shalt  }
0x51: {  	_ =	shalt  }
0x52: {  	_ =	shalt  }
0x53: {  	_ =	shalt  }
0x54: {  	_ =	shalt  }
0x55: {  	_ =	shalt  }
0x56: {  	_ =	shalt  }
0x57: {  	_ =	shalt  }
0x58: {  	_ =	shalt  }
0x59: {  	_ =	shalt  }
0x5a: {  	_ =	shalt  }
0x5b: {  	_ =	shalt  }
0x5c: {  	_ =	shalt  }
0x5d: {  	_ =	shalt  }
0x5e: {  	_ =	shalt  }
0x5f: {  	_ =	shalt  }
0x60: {  	_ =	shalt  }
0x61: {  	_ =	shalt  }
0x62: {  	_ =	shalt  }
0x63: {  	_ =	shalt  }
0x64: {  	_ =	shalt  }
0x65: {  	_ =	shalt  }
0x66: {  	_ =	shalt  }
0x67: {  	_ =	shalt  }
0x68: {  	_ =	shalt  }
0x69: {  	_ =	shalt  }
0x6a: {  	_ =	shalt  }
0x6b: {  	_ =	shalt  }
0x6c: {  	_ =	shalt  }
0x6d: {  	_ =	shalt  }
0x6e: {  	_ =	shalt  }
0x6f: {  	_ =	shalt  }
0x70: {  	_ =	shalt  }
0x71: {  	_ =	shalt  }
0x72: {  	_ =	shalt  }
0x73: {  	_ =	shalt  }
0x74: {  	_ =	shalt  }
0x75: {  	_ =	shalt  }
0x76: {  	_ =	shalt  }
0x77: {  	_ =	shalt  }
0x78: {  	_ =	shalt  }
0x79: {  	_ =	shalt  }
0x7a: {  	_ =	shalt  }
0x7b: {  	_ =	shalt  }
0x7c: {  	_ =	shalt  }
0x7d: {  	_ =	shalt  }
0x7e: {  	_ =	shalt  }
0x7f: {  	_ =	shalt  }
0x80: {  	_ =	shalt  }
0x81: {  	_ =	shalt  }
0x82: {  	_ =	shalt  }
0x83: {  	_ =	shalt  }
0x84: {  	_ =	shalt  }
0x85: {  	_ =	shalt  }
0x86: {  	_ =	shalt  }
0x87: {  	_ =	shalt  }
.Lfunc_end0:
.L_simem_size_0:
called_computation.3_lowered:
.L_overlay_start_0:
0x88: {  	s2 =	sld [smem:$0x3FD9]  }
0x89: {  	s3 =	sld [smem:$0x3FFE];
	_ =	sdelay $0x1  }
0x8a: {  	s1 =	srdreg.scid  }
0x8b: {  	s0 =	sand.u32 $0x1, s1  }
0x8c: {  	s16 =	sshll.u32 s0, $0xA;
	s2 =	sadd.s32 s3, s2  }
0x8d: {  	s2 =	sadd.s32 s2, s16  }
0x8e: {  	[smem:$0x3FBD] =	sst s2  }
0x8f: {  	_ = 	snop  }
0x90: {  	(tm) =	ssettm $0x1  }
0x91: {  	s17 =	sld [smem:$0x3FFB];
	_ =	sdelay $0x3  }
0x92: {  	_ =	strace s17  }
0x93: {  	s2 =	sld [smem:$0x3FFC];
	_ =	sdelay $0x3  }
0x94: {  	_ =	strace s2  }
0x95: {  	s2 =	sld [smem:$0x3FFD];
	_ =	sdelay $0x3  }
0x96: {  	_ =	strace s2  }
0x97: {  	_ =	strace $0x8FFFFFFF  }
0x98: {  	s18 =	sld [smem:$0x3FDB];
	_ =	sdelay $0x1  }
0x99: {  	s19 =	simm.s32 $_scs_section_size  }
0x9a: {  	s4 =	simm.s32 $_size__tile_overlayer_lowered;
	s5 =	simm.s32 $_tile_overlayer_lowered  }
0x9b: {  	s22 =	simm.s32 $0x1BFF;
	s21 =	sshll.u32 s5, $0x1;
	s2 =	sadd.s32 s19, s18  }
0x9c: {  	s6 =	simm.s32 $0x0;
	s20 =	sshll.u32 s4, $0x1;
	s4 =	sadd.s32 s21, s2  }
0x9d: {  	[timem:s6], [sflag:s22] =	dma.local [hbm:s4], s20  }
0x9e: {  	_ =	swait.ge [sflag:s22], s20  }
0x9f: {  	s3 =	ssub.s32 $0x0, s20;
	[sflag:s22] =	ssyncset.done $0x0  }
0xa0: {  	[sflag:s22] =	ssyncadd.s32 s3;
	_ =	sdelay $0x1  }
0xa1: {  	s23 =	simm.s32 $0x1B8B  }
0xa2: {  	_ =	swait.ge [sflag:s23], $0x1  }
0xa3: {  	[sflag:s23] =	ssyncset.done $0x0  }
0xa4: {  	s25 =	simm.s32 $0x1B8E;
	s24 =	sld [smem:$0x3FFE];
	[sflag:s23] =	ssyncadd.s32 $0xFFFFFFFF  }
0xa5: {  	s26 =	simm.s32 $execute0_lowered;
	[smem:$0x3FD2] =	sst s25  }
0xa6: {  	s4 =	sshll.u32 s26, $0x1;
	_ =	strace $0x8000004F;
	[dreg:$0x1] =	wrdreg $0xFFFFFFFF  }
0xa7: {  	s28 =	simm.s32 $_size_execute0_lowered;
	s2 =	sadd.s32 s2, s4;
	[dreg:$0x0] =	wrdreg $0x0  }
0xa8: {  	s4 =	sshll.u32 s28, $0x1;
	[dreg:$0x2] =	wrdreg s2  }
0xa9: {  	[dreg:$0x3] =	wrdreg s4  }
0xaa: {  	[dreg:$0x4] =	wrdreg $0xC0  }
0xab: {  	_ =	task [dreg:s6], $0x5FFFF  }
0xac: {  	[dreg:$0x1] =	wrdreg $0xFFFFFFFF  }
0xad: {  	[dreg:$0x0] =	wrdreg $0x60  }
0xae: {  	[dreg:$0x2] =	wrdreg s24  }
0xaf: {  	[dreg:$0x3] =	wrdreg $0x67000  }
0xb0: {  	[dreg:$0x4] =	wrdreg $0x53000  }
0xb1: {  	[dreg:$0x5] =	wrdreg $0x9  }
0xb2: {  	_ =	task.clear_ibuf [dreg:s6], $0x6FFFF;
	_ =	strace $0x9000004F  }
0xb3: {  	s29 =	simm.s32 $0x9;
	_ =	strace $0x80000051  }
0xb4: {  	_ =	swait.ge [sflag:s29], $0x1  }
0xb5: {  	[sflag:s29] =	ssyncadd.s32 $0xFFFFFFFF  }
0xb6: {  	_ =	strace $0x90000051  }
0xb7: {  	_ =	sfence  }
0xb8: {  	s30 =	sld [smem:$0x0];
	_ =	sdelay $0x2  }
0xb9: {  	s31 =	sshll.u32 s1, $0xD;
	s1 =	sshrl.u32 s1, $0x2  }
0xba: {  	s3 =	sand.u32 $0x4000, s31;
	s1 =	sadd.s32 s1, s30  }
0xbb: {  	s0 =	sor.u32 s3, s0;
	s1 =	sshll.u32 s1, $0x11  }
0xbc: {  	s0 =	sor.u32 s1, s0  }
0xbd: {  	s0 =	sadd.s32 $0x8F2B, s0  }
0xbe: {  	[sflag:s0] =	ssyncadd.remote.s32 $0x1  }
0xbf: {  	_ =	sfence.sel $0xFFFF  }
0xc0: {  	[dreg:$0x0] =	wrdreg $0xFFFFFFFF;
	(pc) =	sbr.abs _section_cstart, $3  }
0xc1: {  	[dreg:$0x1] =	wrdreg $0xFFFFFFFF  }
0xc2: {  	_ =	task.clear_ibuf [dreg:s6], $0x2FFFF;
	_ =	strace $0x9FFFFFFF  }
0xc3: {  	(tm) =	ssettm $0x7FFFFFFF  }
tec
execute0_lowered:
.L_overlay_start_1:
0x0: {  	(tag) =	ssettag $0x1  }
0x1: {  	s0 =	srdreg.scid  }
0x2: {  	s2 =	rddreg [dreg:$0x0];
	s19 =	stileid.u32;
	s1 =	simm.s32 $0x0  }
0x3: {  	s3 =	sand.u32 $0x1, s0;
	s0 =	smul.u32 $0x1400, s19;
	s11 =	sadd.s32 $0x2600, s2  }
0x4: {  	s5 =	sshll.u32 s19, $0x1;
	[smem:$0x7FF] =	sst s1;
	s4 =	ssub.s32 $0x2, s3  }
0x5: {  	s12 =	sor.u32 s3, s5;
	s13 =	smul.u32 $0x14000, s3;
	s6 =	sshrl.u32 s4, $0x1  }
0x6: {  	s9 =	sshrl.u32 s0, $0x3;
	s5 =	sor.u32 $0x200, s0;
	s3 =	sadd.s32 $0x600, s0  }
0x7: {  	s4 =	ssub.s32 s4, s6;
	s10 =	sadd.s32 s11, s9;
	s7 =	sshrl.u32 s5, $0x3  }
0x8: {  	s6 =	sadd.s32 $0x400, s0;
	s8 =	sshrl.u32 s3, $0x3;
	s9 =	sadd.s32 $0xA00, s0  }
0x9: {  	s20 =	sadd.s32 s13, s0;
	s21 =	sadd.s32 s13, s5;
	s24 =	sadd.s32 s13, s3  }
0xa: {  	[dreg:$0x4] =	wrdreg s10;
	s7 =	sadd.s32 s11, s7;
	s14 =	sshrl.u32 s6, $0x3  }
0xb: {  	s15 =	sadd.s32 s11, s8;
	s8 =	sadd.s32 $0x800, s0;
	s16 =	sshrl.u32 s9, $0x3  }
0xc: {  	s23 =	sadd.s32 s13, s6;
	s25 =	sshrl.u32 s24, $0x3;
	[dreg:$0x5] =	wrdreg s7  }
0xd: {  	s7 =	sadd.s32 s11, s14;
	[dreg:$0x7] =	wrdreg s15;
	s10 =	sshrl.u32 s8, $0x3  }
0xe: {  	[dreg:$0x6] =	wrdreg s7;
	s7 =	sadd.s32 $0xC00, s0;
	s10 =	sadd.s32 s11, s10  }
0xf: {  	[dreg:$0x8] =	wrdreg s10;
	s14 =	sshrl.u32 s7, $0x3;
	s10 =	sadd.s32 s11, s16  }
0x10: {  	s16 =	sadd.s32 $0x1000, s0;
	s17 =	sadd.s32 s11, s14;
	s14 =	sadd.s32 $0xE00, s0  }
0x11: {  	[dreg:$0x9] =	wrdreg s10;
	s10 =	sadd.s32 $0x1200, s0;
	s15 =	sshrl.u32 s14, $0x3  }
0x12: {  	s18 =	sshrl.u32 s16, $0x3;
	[dreg:$0xa] =	wrdreg s17;
	s15 =	sadd.s32 s11, s15  }
0x13: {  	s17 =	sshrl.u32 s10, $0x3;
	[dreg:$0xb] =	wrdreg s15;
	s15 =	sadd.s32 s11, s18  }
0x14: {  	s11 =	sadd.s32 s11, s17;
	s17 =	sadd.s32 $0x4E00, s2;
	s18 =	sadd.s32 s13, s8  }
0x15: {  	[dreg:$0xd] =	wrdreg s11;
	s11 =	smul.u32 $0x4F0, s12;
	s12 =	sshrl.u32 s20, $0x3  }
0x16: {  	[dreg:$0xc] =	wrdreg s15;
	s15 =	sshrl.u32 s21, $0x3;
	s12 =	sadd.s32 s17, s12  }
0x17: {  	s26 =	sshrl.u32 s18, $0x3;
	s22 =	sadd.s32 s17, s15;
	[dreg:$0xe] =	wrdreg s12  }
0x18: {  	s18 =	sadd.s32 s13, s9;
	s15 =	sadd.s32 s17, s26;
	[dreg:$0xf] =	wrdreg s22  }
0x19: {  	s21 =	sadd.s32 s13, s14;
	s12 =	sshrl.u32 s23, $0x3;
	[dreg:$0x12] =	wrdreg s15  }
0x1a: {  	s23 =	sshrl.u32 s21, $0x3;
	s21 =	rddreg [dreg:$0x1];
	s12 =	sadd.s32 s17, s12  }
0x1b: {  	s20 =	sadd.s32 s13, s7;
	[dreg:$0x10] =	wrdreg s12;
	s12 =	sadd.s32 s17, s25  }
0x1c: {  	s24 =	sadd.s32 s17, s23;
	[dreg:$0x11] =	wrdreg s12;
	s12 =	sshrl.u32 s18, $0x3  }
0x1d: {  	s22 =	sshrl.u32 s20, $0x3;
	[dreg:$0x15] =	wrdreg s24;
	s12 =	sadd.s32 s17, s12  }
0x1e: {  	s25 =	sadd.s32 s13, s16;
	s13 =	sadd.s32 s13, s10;
	[dreg:$0x13] =	wrdreg s12  }
0x1f: {  	s13 =	sshrl.u32 s13, $0x3;
	s12 =	sadd.s32 s17, s22;
	s22 =	rddreg [dreg:$0x2]  }
0x20: {  	s18 =	sadd.s32 s17, s13;
	[dreg:$0x14] =	wrdreg s12;
	s12 =	sshrl.u32 s25, $0x3  }
0x21: {  	[dreg:$0x17] =	wrdreg s18;
	s12 =	sadd.s32 s17, s12  }
0x22: {  	s11 =	sadd.s32 s11, s2;
	s2 =	sadd.s32 $0x70000, s2;
	[dreg:$0x16] =	wrdreg s12  }
0x23: {  	s20 =	sadd.s32 $0xC0200, s11;
	_ =	strace $0x80000050;
	[dreg:$0x18] =	wrdreg s2  }
0x24: {  	s23 =	sadd.s32 $0x66200, s11;
	[dreg:$0x19] =	wrdreg s20  }
0x25: {  	s24 =	smax.u32 s4, $0x1;
	[dreg:$0x1a] =	wrdreg s23  }
0x26: {  	s25 =	sadd.s32 s0, s21;
	[dreg:$0x1b] =	wrdreg s24  }
0x27: {  	s26 =	smul.u32 $0x5000, s19;
	s0 =	sadd.s32 s0, s22;
	[dreg:$0x1c] =	wrdreg s25  }
0x28: {  	s4 =	sadd.s32 s5, s22;
	[dreg:$0x1d] =	wrdreg s0  }
0x29: {  	s19 =	sshrl.u32 s26, $0x2;
	s5 =	sadd.s32 s5, s21;
	[dreg:$0x1e] =	wrdreg s4  }
0x2a: {  	s15 =	sadd.s32 s3, s21;
	s11 =	sadd.s32 s6, s22;
	[dreg:$0x1f] =	wrdreg s5  }
0x2b: {  	s26 =	sadd.s32 s19, s21;
	s12 =	sadd.s32 s6, s21;
	[smem:$0x7F3] =	sst s11  }
0x2c: {  	s28 =	sadd.s32 $0xA00, s26;
	s13 =	sadd.s32 s3, s22;
	[smem:$0x7F4] =	sst s12  }
0x2d: {  	s29 =	sadd.s32 $0xC00, s26;
	s30 =	sadd.s32 $0xE00, s26;
	[smem:$0x7F5] =	sst s13  }
0x2e: {  	s31 =	sadd.s32 $0x1000, s26;
	s17 =	sadd.s32 s8, s22;
	[smem:$0x7F6] =	sst s15  }
0x2f: {  	s18 =	sadd.s32 s8, s21;
	s19 =	sadd.s32 s9, s22;
	[smem:$0x7F7] =	sst s17  }
0x30: {  	s3 =	simm.s32 $0x2780;
	s8 =	simm.s32 $0x3;
	[smem:$0x7F8] =	sst s18  }
0x31: {  	s6 =	simm.s32 $0x5100;
	[smem:$0x7F9] =	sst s19;
	s20 =	sadd.s32 s9, s21  }
0x32: {  	s23 =	sadd.s32 s7, s22;
	s24 =	sadd.s32 s7, s21;
	s25 =	sadd.s32 s14, s22  }
0x33: {  	s14 =	sadd.s32 s14, s21;
	s15 =	sadd.s32 s16, s22;
	s16 =	sadd.s32 s16, s21  }
0x34: {  	s17 =	sadd.s32 s10, s22;
	s18 =	sadd.s32 s10, s21;
	s19 =	sadd.s32 $0x200, s26  }
0x35: {  	s0 =	simm.s32 $0x4F00;
	s2 =	simm.s32 $0x5;
	[smem:$0x7FA] =	sst s20  }
0x36: {  	s4 =	simm.s32 $0x40;
	s5 =	simm.s32 $0x1;
	[smem:$0x7FB] =	sst s23  }
0x37: {  	s7 =	simm.s32 $0x2;
	s9 =	simm.s32 $0x4;
	[smem:$0x7FC] =	sst s24  }
0x38: {  	s10 =	simm.s32 $0x0;
	[smem:$0x7FD] =	sst s25;
	s23 =	sadd.s32 $0x400, s26  }
0x39: {  	s24 =	sadd.s32 $0x600, s26;
	s25 =	sadd.s32 $0x800, s26;
	s20 =	sadd.s32 $0x1200, s26  }
.LBB2_1:
0x3a: {  	s11 =	rddreg [dreg:$0x18]  }
0x3b: {  	[tilespmem:s0], [sflag:$0x5] =	stream.linear.gather [hbm4b:s11+s1], $0x200, $0x38;
	[tilespmem:$0x7B00] =	vst v63  }
0x3c: {  	_ =	swait.ge [sflag:s2], $0x200  }
0x3d: {  	[sflag:s2] =	ssyncset.done $0x0  }
0x3e: {  	[sflag:s2] =	ssyncadd.s32 $0xFFFFFE00  }
0x3f: {  	[spmem:s26] =	stream.linear.scatter [tilespmem:s0], [sflag:$0x5], $0x200, $0x38;
	[tilespmem:$0x7B00] =	vst v63  }
0x40: {  	_ =	swait.ge [sflag:s2], $0x200  }
0x41: {  	[sflag:s2] =	ssyncset.done $0x0  }
0x42: {  	[sflag:s2] =	ssyncadd.s32 $0xFFFFFE00  }
0x43: {  	[spmem:s19] =	stream.linear.scatter [tilespmem:s0], [sflag:$0x5], $0x200, $0x38;
	[tilespmem:$0x7B00] =	vst v63  }
0x44: {  	_ =	swait.ge [sflag:s2], $0x200  }
0x45: {  	[sflag:s2] =	ssyncset.done $0x0  }
0x46: {  	[sflag:s2] =	ssyncadd.s32 $0xFFFFFE00  }
0x47: {  	[spmem:s23] =	stream.linear.scatter [tilespmem:s0], [sflag:$0x5], $0x200, $0x38;
	[tilespmem:$0x7B00] =	vst v63  }
0x48: {  	_ =	swait.ge [sflag:s2], $0x200  }
0x49: {  	[sflag:s2] =	ssyncset.done $0x0  }
0x4a: {  	[sflag:s2] =	ssyncadd.s32 $0xFFFFFE00  }
0x4b: {  	[spmem:s24] =	stream.linear.scatter [tilespmem:s0], [sflag:$0x5], $0x200, $0x38;
	[tilespmem:$0x7B00] =	vst v63  }
0x4c: {  	_ =	swait.ge [sflag:s2], $0x200  }
0x4d: {  	[sflag:s2] =	ssyncset.done $0x0  }
0x4e: {  	[sflag:s2] =	ssyncadd.s32 $0xFFFFFE00  }
0x4f: {  	[spmem:s25] =	stream.linear.scatter [tilespmem:s0], [sflag:$0x5], $0x200, $0x38;
	[tilespmem:$0x7B00] =	vst v63  }
0x50: {  	_ =	swait.ge [sflag:s2], $0x200  }
0x51: {  	[sflag:s2] =	ssyncset.done $0x0  }
0x52: {  	[sflag:s2] =	ssyncadd.s32 $0xFFFFFE00  }
0x53: {  	[spmem:s28] =	stream.linear.scatter [tilespmem:s0], [sflag:$0x5], $0x200, $0x38;
	[tilespmem:$0x7B00] =	vst v63  }
0x54: {  	_ =	swait.ge [sflag:s2], $0x200  }
0x55: {  	[sflag:s2] =	ssyncset.done $0x0  }
0x56: {  	[sflag:s2] =	ssyncadd.s32 $0xFFFFFE00  }
0x57: {  	[spmem:s29] =	stream.linear.scatter [tilespmem:s0], [sflag:$0x5], $0x200, $0x38;
	[tilespmem:$0x7B00] =	vst v63  }
0x58: {  	_ =	swait.ge [sflag:s2], $0x200  }
0x59: {  	[sflag:s2] =	ssyncset.done $0x0  }
0x5a: {  	[sflag:s2] =	ssyncadd.s32 $0xFFFFFE00  }
0x5b: {  	[spmem:s30] =	stream.linear.scatter [tilespmem:s0], [sflag:$0x5], $0x200, $0x38;
	[tilespmem:$0x7B00] =	vst v63  }
0x5c: {  	_ =	swait.ge [sflag:s2], $0x200  }
0x5d: {  	[sflag:s2] =	ssyncset.done $0x0  }
0x5e: {  	[sflag:s2] =	ssyncadd.s32 $0xFFFFFE00  }
0x5f: {  	[spmem:s31] =	stream.linear.scatter [tilespmem:s0], [sflag:$0x5], $0x200, $0x38;
	[tilespmem:$0x7B00] =	vst v63  }
0x60: {  	_ =	swait.ge [sflag:s2], $0x200  }
0x61: {  	[sflag:s2] =	ssyncset.done $0x0  }
0x62: {  	[sflag:s2] =	ssyncadd.s32 $0xFFFFFE00  }
0x63: {  	[spmem:s20] =	stream.linear.scatter [tilespmem:s0], [sflag:$0x5], $0x200, $0x38;
	[tilespmem:$0x7B00] =	vst v63  }
0x64: {  	_ =	swait.ge [sflag:s2], $0x200  }
0x65: {  	[sflag:s2] =	ssyncset.done $0x0  }
0x66: {  	s12 =	rddreg [dreg:$0x4];
	[sflag:s2] =	ssyncadd.s32 $0xFFFFFE00  }
0x67: {  	[tilespmem:s0], [sflag:$0x5] =	stream.linear.gather [hbm4b:s12+s1], $0x200, $0x38;
	[tilespmem:$0x7B00] =	vst v63  }
0x68: {  	_ =	swait.ge [sflag:s2], $0x200  }
0x69: {  	[sflag:s2] =	ssyncset.done $0x0  }
0x6a: {  	s13 =	rddreg [dreg:$0x1d];
	[sflag:s2] =	ssyncadd.s32 $0xFFFFFE00  }
0x6b: {  	[spmem:s13] =	stream.linear.scatter [tilespmem:s0], [sflag:$0x5], $0x200, $0x38;
	[tilespmem:$0x7B00] =	vst v63  }
0x6c: {  	_ =	swait.ge [sflag:s2], $0x200  }
0x6d: {  	[sflag:s2] =	ssyncset.done $0x0  }
0x6e: {  	s12 =	rddreg [dreg:$0x5];
	[sflag:s2] =	ssyncadd.s32 $0xFFFFFE00  }
0x6f: {  	[tilespmem:s0], [sflag:$0x5] =	stream.linear.gather [hbm4b:s12+s1], $0x200, $0x38;
	[tilespmem:$0x7B00] =	vst v63  }
0x70: {  	_ =	swait.ge [sflag:s2], $0x200  }
0x71: {  	[sflag:s2] =	ssyncset.done $0x0  }
0x72: {  	s13 =	rddreg [dreg:$0x1e];
	[sflag:s2] =	ssyncadd.s32 $0xFFFFFE00  }
0x73: {  	[spmem:s13] =	stream.linear.scatter [tilespmem:s0], [sflag:$0x5], $0x200, $0x38;
	[tilespmem:$0x7B00] =	vst v63  }
0x74: {  	_ =	swait.ge [sflag:s2], $0x200  }
0x75: {  	[sflag:s2] =	ssyncset.done $0x0  }
0x76: {  	s12 =	rddreg [dreg:$0x6];
	[sflag:s2] =	ssyncadd.s32 $0xFFFFFE00  }
0x77: {  	[tilespmem:s0], [sflag:$0x5] =	stream.linear.gather [hbm4b:s12+s1], $0x200, $0x38;
	[tilespmem:$0x7B00] =	vst v63  }
0x78: {  	_ =	swait.ge [sflag:s2], $0x200  }
0x79: {  	s13 =	sld [smem:$0x7F3]  }
0x7a: {  	[sflag:s2] =	ssyncset.done $0x0  }
0x7b: {  	[sflag:s2] =	ssyncadd.s32 $0xFFFFFE00  }
0x7c: {  	[spmem:s13] =	stream.linear.scatter [tilespmem:s0], [sflag:$0x5], $0x200, $0x38;
	[tilespmem:$0x7B00] =	vst v63  }
0x7d: {  	_ =	swait.ge [sflag:s2], $0x200  }
0x7e: {  	[sflag:s2] =	ssyncset.done $0x0  }
0x7f: {  	s12 =	rddreg [dreg:$0x7];
	[sflag:s2] =	ssyncadd.s32 $0xFFFFFE00  }
0x80: {  	[tilespmem:s0], [sflag:$0x5] =	stream.linear.gather [hbm4b:s12+s1], $0x200, $0x38;
	[tilespmem:$0x7B00] =	vst v63  }
0x81: {  	_ =	swait.ge [sflag:s2], $0x200  }
0x82: {  	s13 =	sld [smem:$0x7F5]  }
0x83: {  	[sflag:s2] =	ssyncset.done $0x0  }
0x84: {  	[sflag:s2] =	ssyncadd.s32 $0xFFFFFE00  }
0x85: {  	[spmem:s13] =	stream.linear.scatter [tilespmem:s0], [sflag:$0x5], $0x200, $0x38;
	[tilespmem:$0x7B00] =	vst v63  }
0x86: {  	_ =	swait.ge [sflag:s2], $0x200  }
0x87: {  	[sflag:s2] =	ssyncset.done $0x0  }
0x88: {  	s12 =	rddreg [dreg:$0x8];
	[sflag:s2] =	ssyncadd.s32 $0xFFFFFE00  }
0x89: {  	[tilespmem:s0], [sflag:$0x5] =	stream.linear.gather [hbm4b:s12+s1], $0x200, $0x38;
	[tilespmem:$0x7B00] =	vst v63  }
0x8a: {  	_ =	swait.ge [sflag:s2], $0x200  }
0x8b: {  	s13 =	sld [smem:$0x7F7]  }
0x8c: {  	[sflag:s2] =	ssyncset.done $0x0  }
0x8d: {  	[sflag:s2] =	ssyncadd.s32 $0xFFFFFE00  }
0x8e: {  	[spmem:s13] =	stream.linear.scatter [tilespmem:s0], [sflag:$0x5], $0x200, $0x38;
	[tilespmem:$0x7B00] =	vst v63  }
0x8f: {  	_ =	swait.ge [sflag:s2], $0x200  }
0x90: {  	[sflag:s2] =	ssyncset.done $0x0  }
0x91: {  	s12 =	rddreg [dreg:$0x9];
	[sflag:s2] =	ssyncadd.s32 $0xFFFFFE00  }
0x92: {  	[tilespmem:s0], [sflag:$0x5] =	stream.linear.gather [hbm4b:s12+s1], $0x200, $0x38;
	[tilespmem:$0x7B00] =	vst v63  }
0x93: {  	_ =	swait.ge [sflag:s2], $0x200  }
0x94: {  	s13 =	sld [smem:$0x7F9]  }
0x95: {  	[sflag:s2] =	ssyncset.done $0x0  }
0x96: {  	[sflag:s2] =	ssyncadd.s32 $0xFFFFFE00  }
0x97: {  	[spmem:s13] =	stream.linear.scatter [tilespmem:s0], [sflag:$0x5], $0x200, $0x38;
	[tilespmem:$0x7B00] =	vst v63  }
0x98: {  	_ =	swait.ge [sflag:s2], $0x200  }
0x99: {  	[sflag:s2] =	ssyncset.done $0x0  }
0x9a: {  	s12 =	rddreg [dreg:$0xa];
	[sflag:s2] =	ssyncadd.s32 $0xFFFFFE00  }
0x9b: {  	[tilespmem:s0], [sflag:$0x5] =	stream.linear.gather [hbm4b:s12+s1], $0x200, $0x38;
	[tilespmem:$0x7B00] =	vst v63  }
0x9c: {  	_ =	swait.ge [sflag:s2], $0x200  }
0x9d: {  	s13 =	sld [smem:$0x7FB]  }
0x9e: {  	[sflag:s2] =	ssyncset.done $0x0  }
0x9f: {  	[sflag:s2] =	ssyncadd.s32 $0xFFFFFE00  }
0xa0: {  	[spmem:s13] =	stream.linear.scatter [tilespmem:s0], [sflag:$0x5], $0x200, $0x38;
	[tilespmem:$0x7B00] =	vst v63  }
0xa1: {  	_ =	swait.ge [sflag:s2], $0x200  }
0xa2: {  	[sflag:s2] =	ssyncset.done $0x0  }
0xa3: {  	s12 =	rddreg [dreg:$0xb];
	[sflag:s2] =	ssyncadd.s32 $0xFFFFFE00  }
0xa4: {  	[tilespmem:s0], [sflag:$0x5] =	stream.linear.gather [hbm4b:s12+s1], $0x200, $0x38;
	[tilespmem:$0x7B00] =	vst v63  }
0xa5: {  	_ =	swait.ge [sflag:s2], $0x200  }
0xa6: {  	s13 =	sld [smem:$0x7FD]  }
0xa7: {  	[sflag:s2] =	ssyncset.done $0x0  }
0xa8: {  	[sflag:s2] =	ssyncadd.s32 $0xFFFFFE00  }
0xa9: {  	[spmem:s13] =	stream.linear.scatter [tilespmem:s0], [sflag:$0x5], $0x200, $0x38;
	[tilespmem:$0x7B00] =	vst v63  }
0xaa: {  	_ =	swait.ge [sflag:s2], $0x200  }
0xab: {  	[sflag:s2] =	ssyncset.done $0x0  }
0xac: {  	s12 =	rddreg [dreg:$0xc];
	[sflag:s2] =	ssyncadd.s32 $0xFFFFFE00  }
0xad: {  	[tilespmem:s0], [sflag:$0x5] =	stream.linear.gather [hbm4b:s12+s1], $0x200, $0x38;
	[tilespmem:$0x7B00] =	vst v63  }
0xae: {  	_ =	swait.ge [sflag:s2], $0x200  }
0xaf: {  	[sflag:s2] =	ssyncset.done $0x0  }
0xb0: {  	[sflag:s2] =	ssyncadd.s32 $0xFFFFFE00  }
0xb1: {  	[spmem:s15] =	stream.linear.scatter [tilespmem:s0], [sflag:$0x5], $0x200, $0x38;
	[tilespmem:$0x7B00] =	vst v63  }
0xb2: {  	_ =	swait.ge [sflag:s2], $0x200  }
0xb3: {  	[sflag:s2] =	ssyncset.done $0x0  }
0xb4: {  	s13 =	rddreg [dreg:$0xd];
	[sflag:s2] =	ssyncadd.s32 $0xFFFFFE00  }
0xb5: {  	[tilespmem:s0], [sflag:$0x5] =	stream.linear.gather [hbm4b:s13+s1], $0x200, $0x38;
	[tilespmem:$0x7B00] =	vst v63  }
0xb6: {  	_ =	swait.ge [sflag:s2], $0x200  }
0xb7: {  	[sflag:s2] =	ssyncset.done $0x0  }
0xb8: {  	[sflag:s2] =	ssyncadd.s32 $0xFFFFFE00  }
0xb9: {  	[spmem:s17] =	stream.linear.scatter [tilespmem:s0], [sflag:$0x5], $0x200, $0x38;
	[tilespmem:$0x7B00] =	vst v63  }
0xba: {  	_ =	swait.ge [sflag:s2], $0x200  }
0xbb: {  	[sflag:s2] =	ssyncset.done $0x0  }
0xbc: {  	s12 =	rddreg [dreg:$0x19];
	[sflag:s2] =	ssyncadd.s32 $0xFFFFFE00  }
0xbd: {  	[tilespmem:s1], [sflag:$0x5] =	stream.linear.gather [hbm4b:s12+s1], $0x2780, $0x38;
	[tilespmem:$0x7B00] =	vst v63  }
0xbe: {  	_ =	swait.ge [sflag:s2], $0x2780  }
0xbf: {  	[sflag:s2] =	ssyncset.done $0x0  }
0xc0: {  	s13 =	rddreg [dreg:$0x1a];
	[sflag:s2] =	ssyncadd.s32 $0xFFFFD880  }
0xc1: {  	[tilespmem:s3], [sflag:$0x5] =	stream.linear.gather [hbm4b:s13+s1], $0x2780, $0x38;
	[tilespmem:$0x7B00] =	vst v63  }
0xc2: {  	_ =	swait.ge [sflag:s2], $0x2780  }
0xc3: {  	[sflag:s2] =	ssyncset.done $0x0  }
0xc4: {  	[sflag:s2] =	ssyncadd.s32 $0xFFFFD880  }
0xc5: {  	[bflag:$0x0] =	sbarrier.arrive $0xFFFF  }
0xc6: {  	[tilespmem:s0], [sflag:$0x1] =	stream.indirect.gather [spmem:s22], $0x8, s1, s4, $0xb8;
	[tilespmem:$0x7B00] =	vst v63  }
0xc7: {  	_ =	swait.ge [sflag:s5], $0x200  }
0xc8: {  	[sflag:s5] =	ssyncset.done $0x0  }
0xc9: {  	[sflag:s5] =	ssyncadd.s32 $0xFFFFFE00  }
0xca: {  	[spmem:s21] =	stream.indirect.scatter.add.f32 [tilespmem:s0], [sflag:$0x3], $0x8, s3, s4, $0xb8;
	[tilespmem:$0x7B00] =	vst v63  }
0xcb: {  	_ = 	snop  }
0xcc: {  	[tilespmem:s6], [sflag:$0x2] =	stream.indirect.gather [spmem:s22], $0x8, s4, s4, $0xb8;
	[tilespmem:$0x7B00] =	vst v63  }
0xcd: {  	_ =	swait.ge [sflag:s7], $0x200  }
0xce: {  	[sflag:s7] =	ssyncset.done $0x0  }
0xcf: {  	s12 =	simm.s32 $0x27C0;
	[sflag:s7] =	ssyncadd.s32 $0xFFFFFE00  }
0xd0: {  	[spmem:s21] =	stream.indirect.scatter.add.f32 [tilespmem:s6], [sflag:$0x4], $0x8, s12, s4, $0xb8;
	[tilespmem:$0x7B00] =	vst v63  }
0xd1: {  	_ =	swait.ge [sflag:s8], $0x200  }
0xd2: {  	[sflag:s8] =	ssyncset.done $0x0  }
0xd3: {  	s13 =	simm.s32 $0x80;
	[sflag:s8] =	ssyncadd.s32 $0xFFFFFE00  }
0xd4: {  	[tilespmem:s0], [sflag:$0x1] =	stream.indirect.gather [spmem:s22], $0x8, s13, s4, $0xb8;
	[tilespmem:$0x7B00] =	vst v63  }
0xd5: {  	_ =	swait.ge [sflag:s5], $0x200  }
0xd6: {  	[sflag:s5] =	ssyncset.done $0x0  }
0xd7: {  	s12 =	simm.s32 $0x2800;
	[sflag:s5] =	ssyncadd.s32 $0xFFFFFE00  }
0xd8: {  	[spmem:s21] =	stream.indirect.scatter.add.f32 [tilespmem:s0], [sflag:$0x3], $0x8, s12, s4, $0xb8;
	[tilespmem:$0x7B00] =	vst v63  }
0xd9: {  	_ =	swait.ge [sflag:s9], $0x200  }
0xda: {  	[sflag:s9] =	ssyncset.done $0x0  }
0xdb: {  	s13 =	simm.s32 $0xC0;
	[sflag:s9] =	ssyncadd.s32 $0xFFFFFE00  }
0xdc: {  	[tilespmem:s6], [sflag:$0x2] =	stream.indirect.gather [spmem:s22], $0x8, s13, s4, $0xb8;
	[tilespmem:$0x7B00] =	vst v63  }
0xdd: {  	_ =	swait.ge [sflag:s7], $0x200  }
0xde: {  	[sflag:s7] =	ssyncset.done $0x0  }
0xdf: {  	s11 =	simm.s32 $0xFFFF6600;
	s12 =	simm.s32 $0x2840;
	[sflag:s7] =	ssyncadd.s32 $0xFFFFFE00  }
.LBB2_2:
0xe0: {  	[spmem:s21] =	stream.indirect.scatter.add.f32 [tilespmem:s6], [sflag:$0x4], $0x8, s12, s4, $0xb8;
	[tilespmem:$0x7B00] =	vst v63  }
0xe1: {  	s12 =	smov.u32 s11  }
0xe2: {  	p0 =	sne.s32 s11, $0xFFFFFE00;
	s11 =	sadd.s32 $0x200, s11;
	_ =	swait.ge [sflag:s8], $0x200  }
0xe3: {  	s12 =	sshra.s32 s12, $0x2;
	[sflag:s8] =	ssyncset.done $0x0  }
0xe4: {  	s13 =	sadd.s32 $0x2780, s12;
	[sflag:s8] =	ssyncadd.s32 $0xFFFFFE00  }
0xe5: {  	[tilespmem:s0], [sflag:$0x1] =	stream.indirect.gather [spmem:s22], $0x8, s13, s4, $0xb8;
	[tilespmem:$0x7B00] =	vst v63  }
0xe6: {  	_ =	swait.ge [sflag:s5], $0x200  }
0xe7: {  	[sflag:s5] =	ssyncset.done $0x0  }
0xe8: {  	s13 =	sadd.s32 $0x4F00, s12;
	[sflag:s5] =	ssyncadd.s32 $0xFFFFFE00  }
0xe9: {  	[spmem:s21] =	stream.indirect.scatter.add.f32 [tilespmem:s0], [sflag:$0x3], $0x8, s13, s4, $0xb8;
	[tilespmem:$0x7B00] =	vst v63  }
0xea: {  	_ =	swait.ge [sflag:s9], $0x200  }
0xeb: {  	[sflag:s9] =	ssyncset.done $0x0  }
.Ltmp0:
0xec: {  	s13 =	sadd.s32 $0x27C0, s12;
	[sflag:s9] =	ssyncadd.s32 $0xFFFFFE00;
	(pc) =	sbr.rel @p0 .LBB2_2-.Ltmp0, $4  }
0xed: {  	[tilespmem:s6], [sflag:$0x2] =	stream.indirect.gather [spmem:s22], $0x8, s13, s4, $0xb8;
	[tilespmem:$0x7B00] =	vst v63  }
0xee: {  	_ =	swait.ge [sflag:s7], $0x200  }
0xef: {  	[sflag:s7] =	ssyncset.done $0x0  }
0xf0: {  	s12 =	sadd.s32 $0x4F40, s12;
	[sflag:s7] =	ssyncadd.s32 $0xFFFFFE00  }
0xf1: {  	[spmem:s21] =	stream.indirect.scatter.add.f32 [tilespmem:s6], [sflag:$0x4], $0x8, s12, s4, $0xb8;
	[tilespmem:$0x7B00] =	vst v63  }
0xf2: {  	_ =	swait.ge [sflag:s8], $0x200  }
0xf3: {  	[sflag:s8] =	ssyncset.done $0x0  }
0xf4: {  	[sflag:s8] =	ssyncadd.s32 $0xFFFFFE00  }
0xf5: {  	_ =	swait.ge [sflag:s9], $0x200  }
0xf6: {  	[sflag:s9] =	ssyncset.done $0x0  }
0xf7: {  	[sflag:s9] =	ssyncadd.s32 $0xFFFFFE00  }
0xf8: {  	[bflag:$0x0] =	sbarrier.arrive $0xFFFF  }
0xf9: {  	s11 =	rddreg [dreg:$0x1c]  }
0xfa: {  	[tilespmem:s0], [sflag:$0x5] =	stream.linear.gather [spmem:s11], $0x200, $0x38;
	[tilespmem:$0x7B00] =	vst v63  }
0xfb: {  	_ =	swait.ge [sflag:s2], $0x200  }
0xfc: {  	[sflag:s2] =	ssyncset.done $0x0  }
0xfd: {  	s13 =	rddreg [dreg:$0xe];
	[sflag:s2] =	ssyncadd.s32 $0xFFFFFE00  }
0xfe: {  	[hbm4b:s13+s1] =	stream.linear.scatter [tilespmem:s0], [sflag:$0x5], $0x200, $0x38;
	[tilespmem:$0x7B00] =	vst v63  }
0xff: {  	_ =	swait.ge [sflag:s2], $0x200  }
0x100: {  	[sflag:s2] =	ssyncset.done $0x0  }
0x101: {  	s12 =	rddreg [dreg:$0x1f];
	[sflag:s2] =	ssyncadd.s32 $0xFFFFFE00  }
0x102: {  	[tilespmem:s0], [sflag:$0x5] =	stream.linear.gather [spmem:s12], $0x200, $0x38;
	[tilespmem:$0x7B00] =	vst v63  }
0x103: {  	_ =	swait.ge [sflag:s2], $0x200  }
0x104: {  	[sflag:s2] =	ssyncset.done $0x0  }
0x105: {  	s13 =	rddreg [dreg:$0xf];
	[sflag:s2] =	ssyncadd.s32 $0xFFFFFE00  }
0x106: {  	[hbm4b:s13+s1] =	stream.linear.scatter [tilespmem:s0], [sflag:$0x5], $0x200, $0x38;
	[tilespmem:$0x7B00] =	vst v63  }
0x107: {  	_ =	swait.ge [sflag:s2], $0x200  }
0x108: {  	s12 =	sld [smem:$0x7F4]  }
0x109: {  	[sflag:s2] =	ssyncset.done $0x0  }
0x10a: {  	[sflag:s2] =	ssyncadd.s32 $0xFFFFFE00  }
0x10b: {  	[tilespmem:s0], [sflag:$0x5] =	stream.linear.gather [spmem:s12], $0x200, $0x38;
	[tilespmem:$0x7B00] =	vst v63  }
0x10c: {  	_ =	swait.ge [sflag:s2], $0x200  }
0x10d: {  	[sflag:s2] =	ssyncset.done $0x0  }
0x10e: {  	s13 =	rddreg [dreg:$0x10];
	[sflag:s2] =	ssyncadd.s32 $0xFFFFFE00  }
0x10f: {  	[hbm4b:s13+s1] =	stream.linear.scatter [tilespmem:s0], [sflag:$0x5], $0x200, $0x38;
	[tilespmem:$0x7B00] =	vst v63  }
0x110: {  	_ =	swait.ge [sflag:s2], $0x200  }
0x111: {  	s12 =	sld [smem:$0x7F6]  }
0x112: {  	[sflag:s2] =	ssyncset.done $0x0  }
0x113: {  	[sflag:s2] =	ssyncadd.s32 $0xFFFFFE00  }
0x114: {  	[tilespmem:s0], [sflag:$0x5] =	stream.linear.gather [spmem:s12], $0x200, $0x38;
	[tilespmem:$0x7B00] =	vst v63  }
0x115: {  	_ =	swait.ge [sflag:s2], $0x200  }
0x116: {  	[sflag:s2] =	ssyncset.done $0x0  }
0x117: {  	s13 =	rddreg [dreg:$0x11];
	[sflag:s2] =	ssyncadd.s32 $0xFFFFFE00  }
0x118: {  	[hbm4b:s13+s1] =	stream.linear.scatter [tilespmem:s0], [sflag:$0x5], $0x200, $0x38;
	[tilespmem:$0x7B00] =	vst v63  }
0x119: {  	_ =	swait.ge [sflag:s2], $0x200  }
0x11a: {  	s12 =	sld [smem:$0x7F8]  }
0x11b: {  	[sflag:s2] =	ssyncset.done $0x0  }
0x11c: {  	[sflag:s2] =	ssyncadd.s32 $0xFFFFFE00  }
0x11d: {  	[tilespmem:s0], [sflag:$0x5] =	stream.linear.gather [spmem:s12], $0x200, $0x38;
	[tilespmem:$0x7B00] =	vst v63  }
0x11e: {  	_ =	swait.ge [sflag:s2], $0x200  }
0x11f: {  	[sflag:s2] =	ssyncset.done $0x0  }
0x120: {  	s13 =	rddreg [dreg:$0x12];
	[sflag:s2] =	ssyncadd.s32 $0xFFFFFE00  }
0x121: {  	[hbm4b:s13+s1] =	stream.linear.scatter [tilespmem:s0], [sflag:$0x5], $0x200, $0x38;
	[tilespmem:$0x7B00] =	vst v63  }
0x122: {  	_ =	swait.ge [sflag:s2], $0x200  }
0x123: {  	s12 =	sld [smem:$0x7FA]  }
0x124: {  	[sflag:s2] =	ssyncset.done $0x0  }
0x125: {  	[sflag:s2] =	ssyncadd.s32 $0xFFFFFE00  }
0x126: {  	[tilespmem:s0], [sflag:$0x5] =	stream.linear.gather [spmem:s12], $0x200, $0x38;
	[tilespmem:$0x7B00] =	vst v63  }
0x127: {  	_ =	swait.ge [sflag:s2], $0x200  }
0x128: {  	[sflag:s2] =	ssyncset.done $0x0  }
0x129: {  	s13 =	rddreg [dreg:$0x13];
	[sflag:s2] =	ssyncadd.s32 $0xFFFFFE00  }
0x12a: {  	[hbm4b:s13+s1] =	stream.linear.scatter [tilespmem:s0], [sflag:$0x5], $0x200, $0x38;
	[tilespmem:$0x7B00] =	vst v63  }
0x12b: {  	_ =	swait.ge [sflag:s2], $0x200  }
0x12c: {  	s12 =	sld [smem:$0x7FC]  }
0x12d: {  	[sflag:s2] =	ssyncset.done $0x0  }
0x12e: {  	[sflag:s2] =	ssyncadd.s32 $0xFFFFFE00  }
0x12f: {  	[tilespmem:s0], [sflag:$0x5] =	stream.linear.gather [spmem:s12], $0x200, $0x38;
	[tilespmem:$0x7B00] =	vst v63  }
0x130: {  	_ =	swait.ge [sflag:s2], $0x200  }
0x131: {  	[sflag:s2] =	ssyncset.done $0x0  }
0x132: {  	s13 =	rddreg [dreg:$0x14];
	[sflag:s2] =	ssyncadd.s32 $0xFFFFFE00  }
0x133: {  	[hbm4b:s13+s1] =	stream.linear.scatter [tilespmem:s0], [sflag:$0x5], $0x200, $0x38;
	[tilespmem:$0x7B00] =	vst v63  }
0x134: {  	_ =	swait.ge [sflag:s2], $0x200  }
0x135: {  	[sflag:s2] =	ssyncset.done $0x0  }
0x136: {  	[sflag:s2] =	ssyncadd.s32 $0xFFFFFE00  }
0x137: {  	[tilespmem:s0], [sflag:$0x5] =	stream.linear.gather [spmem:s14], $0x200, $0x38;
	[tilespmem:$0x7B00] =	vst v63  }
0x138: {  	_ =	swait.ge [sflag:s2], $0x200  }
0x139: {  	[sflag:s2] =	ssyncset.done $0x0  }
0x13a: {  	s12 =	rddreg [dreg:$0x15];
	[sflag:s2] =	ssyncadd.s32 $0xFFFFFE00  }
0x13b: {  	[hbm4b:s12+s1] =	stream.linear.scatter [tilespmem:s0], [sflag:$0x5], $0x200, $0x38;
	[tilespmem:$0x7B00] =	vst v63  }
0x13c: {  	_ =	swait.ge [sflag:s2], $0x200  }
0x13d: {  	[sflag:s2] =	ssyncset.done $0x0  }
0x13e: {  	[sflag:s2] =	ssyncadd.s32 $0xFFFFFE00  }
0x13f: {  	[tilespmem:s0], [sflag:$0x5] =	stream.linear.gather [spmem:s16], $0x200, $0x38;
	[tilespmem:$0x7B00] =	vst v63  }
0x140: {  	_ =	swait.ge [sflag:s2], $0x200  }
0x141: {  	[sflag:s2] =	ssyncset.done $0x0  }
0x142: {  	s13 =	rddreg [dreg:$0x16];
	[sflag:s2] =	ssyncadd.s32 $0xFFFFFE00  }
0x143: {  	[hbm4b:s13+s1] =	stream.linear.scatter [tilespmem:s0], [sflag:$0x5], $0x200, $0x38;
	[tilespmem:$0x7B00] =	vst v63  }
0x144: {  	_ =	swait.ge [sflag:s2], $0x200  }
0x145: {  	[sflag:s2] =	ssyncset.done $0x0  }
0x146: {  	[sflag:s2] =	ssyncadd.s32 $0xFFFFFE00  }
0x147: {  	[tilespmem:s0], [sflag:$0x5] =	stream.linear.gather [spmem:s18], $0x200, $0x38;
	[tilespmem:$0x7B00] =	vst v63  }
0x148: {  	_ =	swait.ge [sflag:s2], $0x200  }
0x149: {  	[sflag:s2] =	ssyncset.done $0x0  }
0x14a: {  	s12 =	rddreg [dreg:$0x17];
	[sflag:s2] =	ssyncadd.s32 $0xFFFFFE00  }
0x14b: {  	[hbm4b:s12+s1] =	stream.linear.scatter [tilespmem:s0], [sflag:$0x5], $0x200, $0x38;
	[tilespmem:$0x7B00] =	vst v63  }
0x14c: {  	_ =	swait.ge [sflag:s2], $0x200  }
0x14d: {  	s10 =	sadd.s32 $0x1, s10;
	s13 =	rddreg [dreg:$0x1b]  }
0x14e: {  	p0 =	sne.s32 s10, s13  }
.Ltmp1:
0x14f: {  	_ = 	snop;
	(pc) =	sbr.rel @p0 .LBB2_1-.Ltmp1, $3  }
0x150: {  	_ =	sdelay $0x1  }
0x151: {  	[sflag:s2] =	ssyncset.done $0x0  }
0x152: {  	[sflag:s2] =	ssyncadd.s32 $0xFFFFFE00  }
0x153: {  	_ =	sfence.sel $0x180000  }
0x154: {  	[bflag:$0x0] =	sbarrier.arrive $0xFFFF  }
0x155: {  	_ =	strace $0x90000050  }
0x156: {  	s0 =	stileid.u32;
	[bflag:$0x2] =	sbarrier.arrive $0xFFFF  }
0x157: {  	p0 =	sne.s32 s0, $0x0;
	s0 =	rddreg [dreg:$0x3]  }
0x158: {  	s0 =	sadd.s32 @!p0 $0x100000, s0  }
0x159: {  	[sflag:s0] =	ssyncadd.tile.s32 @!p0 $0x1;
	_ =	shalt  }
.Lfunc_end2:
_tile_overlayer_lowered:
.L_overlay_start_2:
0x15a: {  	(tag) =	ssettag $0x2  }
0x15b: {  	s0 =	rddreg [dreg:$0x0];
	s2 =	stileid.u32  }
0x15c: {  	s1 =	rddreg [dreg:$0x1];
	p0 =	sne.s32 s2, $0x0  }
0x15d: {  	s3 =	rddreg [dreg:$0x2];
	[bflag:$0x3] =	sbarrier.arrive $0xFFFF;
	s2 =	simm.s32 @!p0 $0x1C05  }
0x15e: {  	[timem:s3], [sflag:s2] =	dma.local @!p0 [hbm:s0], s1  }
0x15f: {  	s0 =	simm.s32 @!p0 $0x5  }
0x160: {  	_ =	swait.ge @!p0 [sflag:s0], s1  }
0x161: {  	s1 =	ssub.s32 @!p0 $0x0, s1;
	[sflag:s0] =	ssyncset.done @!p0 $0x0  }
0x162: {  	[sflag:s0] =	ssyncadd.s32 @!p0 s1  }
0x163: {  	[bflag:$0x3] =	sbarrier.arrive $0xFFFF  }
0x164: {  	_ =	shalt  }

</sc_bundles>
